<compile_context>
chip_gen: v7x
topology: tpu7x:2x2x1
jax: 0.10.2.dev20260603
libtpu: 0.0.44.dev20260713+nightly
codegen_flags: <defaults>
</compile_context>

<pallas_src>
import functools

import jax
import jax.numpy as jnp
from jax import lax
from jax.experimental import pallas as pl
from jax.experimental.pallas import tpu as pltpu
from jax.experimental.pallas import tpu_sc as plsc

N = 10000
K = 16
E = N * K
D = 256
DE = 16
OUT = 32
H4 = 4 * OUT

_CH = 128
_NW = 32
_EPAD = ((E + _CH * _NW - 1) // (_CH * _NW)) * (_CH * _NW)


def _sc_gather(table, idx_pad, n_cols):
    n_iters = _EPAD // (_CH * _NW)
    mesh = plsc.VectorSubcoreMesh(core_axis_name="c", subcore_axis_name="s")

    @functools.partial(
        pl.kernel,
        mesh=mesh,
        out_type=jax.ShapeDtypeStruct((_EPAD, n_cols), jnp.float32),
        scratch_types=[
            pltpu.VMEM((_CH,), jnp.int32),
            pltpu.VMEM((_CH, n_cols), jnp.float32),
            pltpu.SemaphoreType.DMA,
        ],
    )
    def gk(table_hbm, idx_hbm, out_hbm, idx_v, rows_v, sem):
        wid = lax.axis_index("s") * 2 + lax.axis_index("c")

        def body(i, carry):
            base = (i * _NW + wid) * _CH
            pltpu.sync_copy(idx_hbm.at[pl.ds(base, _CH)], idx_v)
            pltpu.async_copy(table_hbm.at[idx_v], rows_v, sem).wait()
            pltpu.sync_copy(rows_v, out_hbm.at[pl.ds(base, _CH)])
            return carry

        lax.fori_loop(0, n_iters, body, 0)

    return gk(table, idx_pad)


def _conv1_body(xg_ref, x_ref, wih_ref, whh_ref, b_ref, sw_ref, sb_ref,
                nw_ref, w2i_ref, out_ref, hp_ref):
    b_nodes = x_ref.shape[0]
    xg = xg_ref[...].reshape(b_nodes, K, D)
    wih = wih_ref[...]
    whh = whh_ref[...]
    bias = b_ref[...]
    h = jnp.zeros((b_nodes, D), jnp.float32)
    c = jnp.zeros((b_nodes, D), jnp.float32)
    for t in range(K):
        xt = xg[:, t, :]
        g = (jnp.dot(xt, wih, preferred_element_type=jnp.float32)
             + jnp.dot(h, whh, preferred_element_type=jnp.float32) + bias)
        gi = jax.nn.sigmoid(g[:, 0:D])
        gf = jax.nn.sigmoid(g[:, D:2 * D])
        gg = jnp.tanh(g[:, 2 * D:3 * D])
        go = jax.nn.sigmoid(g[:, 3 * D:4 * D])
        c = gf * c + gi * gg
        h = go * jnp.tanh(c)
    out = (jnp.dot(x_ref[...], sw_ref[...], preferred_element_type=jnp.float32)
           + sb_ref[...]
           + jnp.dot(h, nw_ref[...], preferred_element_type=jnp.float32))
    out = jnp.maximum(out, 0.0)
    out_ref[...] = out
    hp_ref[...] = jnp.dot(out, w2i_ref[...], preferred_element_type=jnp.float32)


def _conv_small_body(xp_ref, x_ref, whh_ref, b_ref, sw_ref, sb_ref,
                     nw_ref, out_ref, *, mode):
    b_nodes = x_ref.shape[0]
    xp = xp_ref[...].reshape(b_nodes, K, H4)
    whh = whh_ref[...]
    bias = b_ref[...]
    h = jnp.zeros((b_nodes, OUT), jnp.float32)
    c = jnp.zeros((b_nodes, OUT), jnp.float32)
    for t in range(K):
        g = (xp[:, t, :]
             + jnp.dot(h, whh, preferred_element_type=jnp.float32) + bias)
        gi = jax.nn.sigmoid(g[:, 0:OUT])
        gf = jax.nn.sigmoid(g[:, OUT:2 * OUT])
        gg = jnp.tanh(g[:, 2 * OUT:3 * OUT])
        go = jax.nn.sigmoid(g[:, 3 * OUT:4 * OUT])
        c = gf * c + gi * gg
        h = go * jnp.tanh(c)
    out = (jnp.dot(x_ref[...], sw_ref[...], preferred_element_type=jnp.float32)
           + sb_ref[...]
           + jnp.dot(h, nw_ref[...], preferred_element_type=jnp.float32))
    if mode == "mid":
        out = jnp.maximum(out, 0.0)
        out_ref[...] = jnp.concatenate(
            [out, jnp.zeros((b_nodes, H4 - OUT), jnp.float32)], axis=1)
    else:
        out_ref[...] = out


def _nnconv_body(hg_ref, e_ref, wz_ref, ebm_ref, nb_ref, w2i_ref,
                 out_ref, hp_ref):
    b_nodes = out_ref.shape[0]
    hg = hg_ref[...][:, 0:OUT].reshape(b_nodes, K, OUT)
    ee = e_ref[...].reshape(b_nodes, K, DE)
    zs = jnp.zeros((b_nodes, OUT * DE), jnp.float32)
    for t in range(K):
        zt = hg[:, t, :, None] * ee[:, t, None, :]
        zs = zs + zt.reshape(b_nodes, OUT * DE)
    hs = jnp.sum(hg, axis=1)
    out = (jnp.dot(zs, wz_ref[...], preferred_element_type=jnp.float32)
           + jnp.dot(hs, ebm_ref[...], preferred_element_type=jnp.float32)
           + nb_ref[...])
    out = jnp.maximum(out, 0.0)
    out_ref[...] = out
    hp_ref[...] = jnp.dot(out, w2i_ref[...], preferred_element_type=jnp.float32)


def _pool_body(h_ref, g1w_ref, g1b_ref, g2wt_ref, g2b_ref, f1w_ref, f1b_ref,
               f2w_ref, f2b_ref, f3wt_ref, f3b_ref, out_ref):
    h = h_ref[...]
    gate1 = jnp.maximum(
        jnp.dot(h, g1w_ref[...], preferred_element_type=jnp.float32)
        + g1b_ref[...], 0.0)
    gate = (jnp.sum(gate1 * g2wt_ref[...], axis=-1, keepdims=True)
            + g2b_ref[...])
    m = jnp.max(gate)
    a = jnp.exp(gate - m)
    s = jnp.sum(a)
    r = jnp.sum(a * h, axis=0, keepdims=True) / s
    r = jnp.where(r > 0.0, r, jnp.exp(jnp.minimum(r, 0.0)) - 1.0)
    r = jnp.maximum(
        jnp.dot(r, f1w_ref[...], preferred_element_type=jnp.float32)
        + f1b_ref[...], 0.0)
    r = jnp.maximum(
        jnp.dot(r, f2w_ref[...], preferred_element_type=jnp.float32)
        + f2b_ref[...], 0.0)
    out_ref[...] = (jnp.sum(r * f3wt_ref[...], axis=-1, keepdims=True)
                    + f3b_ref[...])


_B1 = 400
_B2 = 400
_B3 = 200


def _conv1(xg, x, w1i, w1h, b1, s1w, s1b, n1w, w2i):
    grid = N // _B1
    return pl.pallas_call(
        _conv1_body,
        grid=(grid,),
        in_specs=[
            pl.BlockSpec((_B1 * K, D), lambda i: (i, 0)),
            pl.BlockSpec((_B1, D), lambda i: (i, 0)),
            pl.BlockSpec((D, 4 * D), lambda i: (0, 0)),
            pl.BlockSpec((D, 4 * D), lambda i: (0, 0)),
            pl.BlockSpec((1, 4 * D), lambda i: (0, 0)),
            pl.BlockSpec((D, OUT), lambda i: (0, 0)),
            pl.BlockSpec((1, OUT), lambda i: (0, 0)),
            pl.BlockSpec((D, OUT), lambda i: (0, 0)),
            pl.BlockSpec((OUT, H4), lambda i: (0, 0)),
        ],
        out_specs=[
            pl.BlockSpec((_B1, OUT), lambda i: (i, 0)),
            pl.BlockSpec((_B1, H4), lambda i: (i, 0)),
        ],
        out_shape=[
            jax.ShapeDtypeStruct((N, OUT), jnp.float32),
            jax.ShapeDtypeStruct((N, H4), jnp.float32),
        ],
    )(xg, x, w1i, w1h, b1, s1w, s1b, n1w, w2i)


def _conv_small(xp, x, w2h, b2, s2w, s2b, n2w, mode):
    grid = N // _B2
    width = H4 if mode == "mid" else OUT
    return pl.pallas_call(
        functools.partial(_conv_small_body, mode=mode),
        grid=(grid,),
        in_specs=[
            pl.BlockSpec((_B2 * K, H4), lambda i: (i, 0)),
            pl.BlockSpec((_B2, OUT), lambda i: (i, 0)),
            pl.BlockSpec((OUT, H4), lambda i: (0, 0)),
            pl.BlockSpec((1, H4), lambda i: (0, 0)),
            pl.BlockSpec((OUT, OUT), lambda i: (0, 0)),
            pl.BlockSpec((1, OUT), lambda i: (0, 0)),
            pl.BlockSpec((OUT, OUT), lambda i: (0, 0)),
        ],
        out_specs=pl.BlockSpec((_B2, width), lambda i: (i, 0)),
        out_shape=jax.ShapeDtypeStruct((N, width), jnp.float32),
    )(xp, x, w2h, b2, s2w, s2b, n2w)


def _nnconv(hg, e, wz, ebm, nbb, w2i):
    grid = N // _B3
    return pl.pallas_call(
        _nnconv_body,
        grid=(grid,),
        in_specs=[
            pl.BlockSpec((_B3 * K, H4), lambda i: (i, 0)),
            pl.BlockSpec((_B3 * K, DE), lambda i: (i, 0)),
            pl.BlockSpec((OUT * DE, OUT), lambda i: (0, 0)),
            pl.BlockSpec((OUT, OUT), lambda i: (0, 0)),
            pl.BlockSpec((1, OUT), lambda i: (0, 0)),
            pl.BlockSpec((OUT, H4), lambda i: (0, 0)),
        ],
        out_specs=[
            pl.BlockSpec((_B3, OUT), lambda i: (i, 0)),
            pl.BlockSpec((_B3, H4), lambda i: (i, 0)),
        ],
        out_shape=[
            jax.ShapeDtypeStruct((N, OUT), jnp.float32),
            jax.ShapeDtypeStruct((N, H4), jnp.float32),
        ],
    )(hg, e, wz, ebm, nbb, w2i)


def _pool(h4, g1w, g1b, g2wt, g2b, f1w, f1b, f2w, f2b, f3wt, f3b):
    return pl.pallas_call(
        _pool_body,
        out_shape=jax.ShapeDtypeStruct((1, 1), jnp.float32),
    )(h4, g1w, g1b, g2wt, g2b, f1w, f1b, f2w, f2b, f3wt, f3b)


def kernel(x, edge_index, e, l1Wih, l1Whh, l1bih, l1bhh, s1w, s1b, n1w,
           l2Wih, l2Whh, l2bih, l2bhh, s2w, s2b, n2w, ew, eb, nb,
           g1w, g1b, g2w, g2b, f1w, f1b, f2w, f2b, f3w, f3b):
    src = edge_index[0].astype(jnp.int32)
    idx_pad = jnp.concatenate(
        [src, jnp.zeros((_EPAD - E,), jnp.int32)])

    w1i = l1Wih.T
    w1h = l1Whh.T
    b1 = (l1bih + l1bhh).reshape(1, 4 * D)
    w2i = l2Wih.T
    w2h = l2Whh.T
    b2 = (l2bih + l2bhh).reshape(1, H4)
    s1b2 = s1b.reshape(1, OUT)
    s2b2 = s2b.reshape(1, OUT)
    wz = ew.reshape(DE, OUT, OUT).transpose(1, 0, 2).reshape(OUT * DE, OUT)
    ebm = eb.reshape(OUT, OUT)
    nbb = nb.reshape(1, OUT)
    g1b2 = g1b.reshape(1, 16)
    g2wt = g2w.reshape(1, 16)
    g2b2 = g2b.reshape(1, 1)
    f1b2 = f1b.reshape(1, 32)
    f2b2 = f2b.reshape(1, 32)
    f3wt = f3w.reshape(1, 32)
    f3b2 = f3b.reshape(1, 1)

    xg = _sc_gather(x, idx_pad, D)
    h1, hp1 = _conv1(xg, x, w1i, w1h, b1, s1w, s1b2, n1w, w2i)
    xp2 = _sc_gather(hp1, idx_pad, H4)
    h2w = _conv_small(xp2, h1, w2h, b2, s2w, s2b2, n2w, mode="mid")
    hg2 = _sc_gather(h2w, idx_pad, H4)
    h3, hp3 = _nnconv(hg2, e, wz, ebm, nbb, w2i)
    xp4 = _sc_gather(hp3, idx_pad, H4)
    h4 = _conv_small(xp4, h3, w2h, b2, s2w, s2b2, n2w, mode="last")
    return _pool(h4, g1w, g1b2, g2wt, g2b2, f1w, f1b2, f2w, f2b2, f3wt, f3b2)

# --- scband reference (transcript-rebuilt; emitter-appended) ---
"""Pipeline reference for scband-gat-54279796687493 (READ-ONLY COPY).

The authoritative reference and input builder live on the scoring server;
editing this copy changes nothing except your own understanding.
"""

import jax, jax.numpy as jnp
import numpy as np

N = 10000
K = 16
E = N * K
D = 256
DE = 16
OUT = 32

def _w(k, shape):
    fan_in = shape[0]
    return (jax.random.normal(k, shape, dtype=jnp.float32) / np.sqrt(fan_in)).astype(jnp.float32)

def setup_inputs(seed: int = 0):
    key = jax.random.key(seed)
    ks = jax.random.split(key, 32)
    x = jax.random.normal(ks[0], (N, D), dtype=jnp.float32)
    src = jax.random.randint(ks[1], (E,), 0, N)
    dst = jnp.repeat(jnp.arange(N), K)  # regular in-degree K; edges grouped by dst
    edge_index = jnp.stack([src, dst])
    e = jax.random.normal(ks[2], (E, DE), dtype=jnp.float32)
    inp = {"x": x, "edge_index": edge_index, "e": e}
    # conv1: SAGEConv(256->32, lstm aggregator); LSTM hidden = in_feats = 256
    inp["l1Wih"] = _w(ks[3], (4 * D, D)); inp["l1Whh"] = _w(ks[4], (4 * D, D))
    inp["l1bih"] = jnp.zeros((4 * D,), jnp.float32); inp["l1bhh"] = jnp.zeros((4 * D,), jnp.float32)
    inp["s1w"] = _w(ks[5], (D, OUT)); inp["s1b"] = jnp.zeros((OUT,), jnp.float32); inp["n1w"] = _w(ks[6], (D, OUT))
    # conv2 (== conv4, weights shared by double assignment in __init__): SAGEConv(32->32, lstm)
    inp["l2Wih"] = _w(ks[7], (4 * OUT, OUT)); inp["l2Whh"] = _w(ks[8], (4 * OUT, OUT))
    inp["l2bih"] = jnp.zeros((4 * OUT,), jnp.float32); inp["l2bhh"] = jnp.zeros((4 * OUT,), jnp.float32)
    inp["s2w"] = _w(ks[9], (OUT, OUT)); inp["s2b"] = jnp.zeros((OUT,), jnp.float32); inp["n2w"] = _w(ks[10], (OUT, OUT))
    # conv3: NNConv(32->32, sum), edge_func = Linear(16, 32*32)
    inp["ew"] = _w(ks[11], (DE, OUT * OUT)); inp["eb"] = jnp.zeros((OUT * OUT,), jnp.float32)
    inp["nb"] = jnp.zeros((OUT,), jnp.float32)
    # gate_nn for GlobalAttentionPooling
    inp["g1w"] = _w(ks[12], (OUT, 16)); inp["g1b"] = jnp.zeros((16,), jnp.float32)
    inp["g2w"] = _w(ks[13], (16, 1)); inp["g2b"] = jnp.zeros((1,), jnp.float32)
    # final MLP
    inp["f1w"] = _w(ks[14], (OUT, 32)); inp["f1b"] = jnp.zeros((32,), jnp.float32)
    inp["f2w"] = _w(ks[15], (32, 32)); inp["f2b"] = jnp.zeros((32,), jnp.float32)
    inp["f3w"] = _w(ks[16], (32, 1)); inp["f3b"] = jnp.zeros((1,), jnp.float32)
    return inp

def _lstm_agg(neigh, Wih, Whh, bih, bhh):
    # neigh: [N, K, d]; torch.nn.LSTM gate order (i, f, g, o); return final hidden state
    n, k, d = neigh.shape
    h0 = jnp.zeros((n, d), neigh.dtype)
    c0 = jnp.zeros((n, d), neigh.dtype)
    def step(carry, xt):
        h, c = carry
        gates = xt @ Wih.T + h @ Whh.T + bih + bhh
        i, f, g, o = jnp.split(gates, 4, axis=-1)
        c = jax.nn.sigmoid(f) * c + jax.nn.sigmoid(i) * jnp.tanh(g)
        h = jax.nn.sigmoid(o) * jnp.tanh(c)
        return (h, c), None
    (hK, _), _ = jax.lax.scan(step, (h0, c0), jnp.swapaxes(neigh, 0, 1))
    return hK

def _sage(h, src, Wih, Whh, bih, bhh, sw, sb, nw):
    # edges are grouped by dst (dst = repeat(arange(N), K)), so gather+reshape gives per-node neighbor lists
    neigh = h[src].reshape(N, K, h.shape[-1])
    hn = _lstm_agg(neigh, Wih, Whh, bih, bhh)
    return h @ sw + sb + hn @ nw

def reference(x, edge_index, e, l1Wih, l1Whh, l1bih, l1bhh, s1w, s1b, n1w, l2Wih, l2Whh, l2bih, l2bhh, s2w, s2b, n2w, ew, eb, nb, g1w, g1b, g2w, g2b, f1w, f1b, f2w, f2b, f3w, f3b):
    src = edge_index[0]
    dst = edge_index[1]
    h = jax.nn.relu(_sage(x, src, l1Wih, l1Whh, l1bih, l1bhh, s1w, s1b, n1w))
    h = jax.nn.relu(_sage(h, src, l2Wih, l2Whh, l2bih, l2bhh, s2w, s2b, n2w))
    # NNConv: per-edge weight matrices from edge features, u_mul_e then sum-reduce over in dim
    We = (e @ ew + eb).reshape(E, OUT, OUT)
    msg = jnp.einsum('ei,eio->eo', h[src], We)
    h = jax.nn.relu(jax.ops.segment_sum(msg, dst, num_segments=N) + nb)
    # conv4 is the same module object as conv2 (shared weights)
    h = _sage(h, src, l2Wih, l2Whh, l2bih, l2bhh, s2w, s2b, n2w)
    # GlobalAttentionPooling over the single graph
    gate = jax.nn.relu(h @ g1w + g1b) @ g2w + g2b
    a = jax.nn.softmax(gate, axis=0)
    r = jnp.sum(a * h, axis=0, keepdims=True)
    r = jax.nn.elu(r)
    r = jax.nn.relu(r @ f1w + f1b)
    r = jax.nn.relu(r @ f2w + f2b)
    return r @ f3w + f3b

if __name__ == "__main__":
    import jax
    _d = setup_inputs()
    print(jax.jit(kernel)(*tuple(_d.values())))

</pallas_src>

<mosaic_0001>
#map = affine_map<(d0, d1) -> (0, 0)>
#map1 = affine_map<(d0, d1) -> (0)>
module attributes {stable_mosaic.version = 14 : i64} {
  func.func @gk(%arg0: i32, %arg1: i32, %arg2: memref<10000x256xf32, #tpu.memory_space<hbm>>, %arg3: memref<163840xi32, #tpu.memory_space<hbm>>, %arg4: memref<163840x256xf32, #tpu.memory_space<hbm>>, %arg5: memref<128xi32, #tpu.memory_space<vmem>>, %arg6: memref<128x256xf32, #tpu.memory_space<vmem>>, %arg7: memref<!tpu.dma_semaphore, #tpu.memory_space<semaphore_mem>>) attributes {dimension_semantics = [#tpu.dimension_semantics<core_parallel>, #tpu.dimension_semantics<subcore_parallel>], iteration_bounds = array<i64: 2, 16>, scalar_prefetch = 0 : i64, scratch_operands = 3 : i64, tpu.core_type = #tpu.core_type<sc_vector_subcore>, window_params = [{transform_indices = #map}, {transform_indices = #map1}, {transform_indices = #map}]} {
    %mul3A = arith.constant 2 : i32
    %mul3A_0 = arith.muli %arg1, %mul3A : i32
    %add3A = arith.addi %mul3A_0, %arg0 : i32
    %scan3A = arith.constant 0 : i32
    %scan3A_1 = arith.constant 0 : i32
    %scan3A_2 = arith.constant 40 : i32
    %scan3A_3 = arith.addi %scan3A_1, %scan3A_2 : i32
    %scan3A_4 = arith.constant 1 : i32
    scf.for %scan3A_6 = %scan3A_1 to %scan3A_3 step %scan3A_4  : i32 {
      %mul3A_7 = arith.constant 32 : i32
      %mul3A_8 = arith.muli %scan3A_6, %mul3A_7 : i32
      %add3A_9 = arith.addi %mul3A_8, %add3A : i32
      %mul3A_10 = arith.constant 128 : i32
      %mul3A_11 = arith.muli %add3A_9, %mul3A_10 : i32
      "tpu.region"() ({
        %run_scoped3A = tpu.sem_alloc : memref<!tpu.dma_semaphore, #tpu.memory_space<semaphore_mem>>
        %dma_start3A_16 = tpu.memref_slice %arg3[%mul3A_11] : memref<163840xi32, #tpu.memory_space<hbm>> -> memref<128xi32, #tpu.memory_space<hbm>>
        %dma_start3A_17 = tpu.memref_slice %arg3[%mul3A_11] : memref<163840xi32, #tpu.memory_space<hbm>> -> memref<128xi32, #tpu.memory_space<hbm>>
        tpu.enqueue_dma source(%dma_start3A_17 : memref<128xi32, #tpu.memory_space<hbm>>) target(%arg5 : memref<128xi32, #tpu.memory_space<vmem>>) target_semaphore(%run_scoped3A : memref<!tpu.dma_semaphore, #tpu.memory_space<semaphore_mem>>)
        %dma_wait3A_18 = tpu.memref_slice %arg3[%mul3A_11] : memref<163840xi32, #tpu.memory_space<hbm>> -> memref<128xi32, #tpu.memory_space<hbm>>
        %dma_wait3A_19 = tpu.memref_slice %arg3[%mul3A_11] : memref<163840xi32, #tpu.memory_space<hbm>> -> memref<128xi32, #tpu.memory_space<hbm>>
        tpu.wait_dma2 semaphore(%run_scoped3A : memref<!tpu.dma_semaphore, #tpu.memory_space<semaphore_mem>>) src(%dma_wait3A_19 : memref<128xi32, #tpu.memory_space<hbm>>) dst(%arg5 : memref<128xi32, #tpu.memory_space<vmem>>)
        tpu.yield
      }) : () -> ()
      %dma_start3A = arith.constant 0 : i32
      %dma_start3A_12 = arith.constant 0 : i32
      %dma_start3A_13 = tpu.memref_slice %arg2[%dma_start3A, %dma_start3A_12] : memref<10000x256xf32, #tpu.memory_space<hbm>> -> memref<10000x256xf32, #tpu.memory_space<hbm>>
      tpu.enqueue_indirect_dma source(%dma_start3A_13 : memref<10000x256xf32, #tpu.memory_space<hbm>>) target(%arg6 : memref<128x256xf32, #tpu.memory_space<vmem>>) offsets(%arg5 : memref<128xi32, #tpu.memory_space<vmem>>) semaphore(%arg7 : memref<!tpu.dma_semaphore, #tpu.memory_space<semaphore_mem>>)
      %dma_wait3A = arith.constant 0 : i32
      %dma_wait3A_14 = arith.constant 0 : i32
      %dma_wait3A_15 = tpu.memref_slice %arg2[%dma_wait3A, %dma_wait3A_14] : memref<10000x256xf32, #tpu.memory_space<hbm>> -> memref<10000x256xf32, #tpu.memory_space<hbm>>
      tpu.wait_indirect_dma semaphore(%arg7 : memref<!tpu.dma_semaphore, #tpu.memory_space<semaphore_mem>>) src(%dma_wait3A_15 : memref<10000x256xf32, #tpu.memory_space<hbm>>) dst(%arg6 : memref<128x256xf32, #tpu.memory_space<vmem>>)
      "tpu.region"() ({
        %run_scoped3A = tpu.sem_alloc : memref<!tpu.dma_semaphore, #tpu.memory_space<semaphore_mem>>
        %dma_start3A_16 = arith.constant 0 : i32
        %dma_start3A_17 = tpu.memref_slice %arg4[%mul3A_11, %dma_start3A_16] : memref<163840x256xf32, #tpu.memory_space<hbm>> -> memref<128x256xf32, #tpu.memory_space<hbm>>
        %dma_start3A_18 = arith.constant 0 : i32
        %dma_start3A_19 = tpu.memref_slice %arg4[%mul3A_11, %dma_start3A_18] : memref<163840x256xf32, #tpu.memory_space<hbm>> -> memref<128x256xf32, #tpu.memory_space<hbm>>
        tpu.enqueue_dma source(%arg6 : memref<128x256xf32, #tpu.memory_space<vmem>>) target(%dma_start3A_19 : memref<128x256xf32, #tpu.memory_space<hbm>>) target_semaphore(%run_scoped3A : memref<!tpu.dma_semaphore, #tpu.memory_space<semaphore_mem>>)
        %dma_wait3A_20 = arith.constant 0 : i32
        %dma_wait3A_21 = tpu.memref_slice %arg4[%mul3A_11, %dma_wait3A_20] : memref<163840x256xf32, #tpu.memory_space<hbm>> -> memref<128x256xf32, #tpu.memory_space<hbm>>
        %dma_wait3A_22 = arith.constant 0 : i32
        %dma_wait3A_23 = tpu.memref_slice %arg4[%mul3A_11, %dma_wait3A_22] : memref<163840x256xf32, #tpu.memory_space<hbm>> -> memref<128x256xf32, #tpu.memory_space<hbm>>
        tpu.wait_dma2 semaphore(%run_scoped3A : memref<!tpu.dma_semaphore, #tpu.memory_space<semaphore_mem>>) src(%arg6 : memref<128x256xf32, #tpu.memory_space<vmem>>) dst(%dma_wait3A_23 : memref<128x256xf32, #tpu.memory_space<hbm>>)
        tpu.yield
      }) : () -> ()
    }
    %scan3A_5 = arith.constant 40 : i32
    return
  }
}

#map = affine_map<(d0, d1) -> (0, 0)>
#map1 = affine_map<(d0, d1) -> (0)>
module attributes {stable_mosaic.version = 14 : i64} {
  func.func @gk(%arg0: i32, %arg1: i32, %arg2: memref<10000x128xf32, #tpu.memory_space<hbm>>, %arg3: memref<163840xi32, #tpu.memory_space<hbm>>, %arg4: memref<163840x128xf32, #tpu.memory_space<hbm>>, %arg5: memref<128xi32, #tpu.memory_space<vmem>>, %arg6: memref<128x128xf32, #tpu.memory_space<vmem>>, %arg7: memref<!tpu.dma_semaphore, #tpu.memory_space<semaphore_mem>>) attributes {dimension_semantics = [#tpu.dimension_semantics<core_parallel>, #tpu.dimension_semantics<subcore_parallel>], iteration_bounds = array<i64: 2, 16>, scalar_prefetch = 0 : i64, scratch_operands = 3 : i64, tpu.core_type = #tpu.core_type<sc_vector_subcore>, window_params = [{transform_indices = #map}, {transform_indices = #map1}, {transform_indices = #map}]} {
    %mul3A = arith.constant 2 : i32
    %mul3A_0 = arith.muli %arg1, %mul3A : i32
    %add3A = arith.addi %mul3A_0, %arg0 : i32
    %scan3A = arith.constant 0 : i32
    %scan3A_1 = arith.constant 0 : i32
    %scan3A_2 = arith.constant 40 : i32
    %scan3A_3 = arith.addi %scan3A_1, %scan3A_2 : i32
    %scan3A_4 = arith.constant 1 : i32
    scf.for %scan3A_6 = %scan3A_1 to %scan3A_3 step %scan3A_4  : i32 {
      %mul3A_7 = arith.constant 32 : i32
      %mul3A_8 = arith.muli %scan3A_6, %mul3A_7 : i32
      %add3A_9 = arith.addi %mul3A_8, %add3A : i32
      %mul3A_10 = arith.constant 128 : i32
      %mul3A_11 = arith.muli %add3A_9, %mul3A_10 : i32
      "tpu.region"() ({
        %run_scoped3A = tpu.sem_alloc : memref<!tpu.dma_semaphore, #tpu.memory_space<semaphore_mem>>
        %dma_start3A_16 = tpu.memref_slice %arg3[%mul3A_11] : memref<163840xi32, #tpu.memory_space<hbm>> -> memref<128xi32, #tpu.memory_space<hbm>>
        %dma_start3A_17 = tpu.memref_slice %arg3[%mul3A_11] : memref<163840xi32, #tpu.memory_space<hbm>> -> memref<128xi32, #tpu.memory_space<hbm>>
        tpu.enqueue_dma source(%dma_start3A_17 : memref<128xi32, #tpu.memory_space<hbm>>) target(%arg5 : memref<128xi32, #tpu.memory_space<vmem>>) target_semaphore(%run_scoped3A : memref<!tpu.dma_semaphore, #tpu.memory_space<semaphore_mem>>)
        %dma_wait3A_18 = tpu.memref_slice %arg3[%mul3A_11] : memref<163840xi32, #tpu.memory_space<hbm>> -> memref<128xi32, #tpu.memory_space<hbm>>
        %dma_wait3A_19 = tpu.memref_slice %arg3[%mul3A_11] : memref<163840xi32, #tpu.memory_space<hbm>> -> memref<128xi32, #tpu.memory_space<hbm>>
        tpu.wait_dma2 semaphore(%run_scoped3A : memref<!tpu.dma_semaphore, #tpu.memory_space<semaphore_mem>>) src(%dma_wait3A_19 : memref<128xi32, #tpu.memory_space<hbm>>) dst(%arg5 : memref<128xi32, #tpu.memory_space<vmem>>)
        tpu.yield
      }) : () -> ()
      %dma_start3A = arith.constant 0 : i32
      %dma_start3A_12 = arith.constant 0 : i32
      %dma_start3A_13 = tpu.memref_slice %arg2[%dma_start3A, %dma_start3A_12] : memref<10000x128xf32, #tpu.memory_space<hbm>> -> memref<10000x128xf32, #tpu.memory_space<hbm>>
      tpu.enqueue_indirect_dma source(%dma_start3A_13 : memref<10000x128xf32, #tpu.memory_space<hbm>>) target(%arg6 : memref<128x128xf32, #tpu.memory_space<vmem>>) offsets(%arg5 : memref<128xi32, #tpu.memory_space<vmem>>) semaphore(%arg7 : memref<!tpu.dma_semaphore, #tpu.memory_space<semaphore_mem>>)
      %dma_wait3A = arith.constant 0 : i32
      %dma_wait3A_14 = arith.constant 0 : i32
      %dma_wait3A_15 = tpu.memref_slice %arg2[%dma_wait3A, %dma_wait3A_14] : memref<10000x128xf32, #tpu.memory_space<hbm>> -> memref<10000x128xf32, #tpu.memory_space<hbm>>
      tpu.wait_indirect_dma semaphore(%arg7 : memref<!tpu.dma_semaphore, #tpu.memory_space<semaphore_mem>>) src(%dma_wait3A_15 : memref<10000x128xf32, #tpu.memory_space<hbm>>) dst(%arg6 : memref<128x128xf32, #tpu.memory_space<vmem>>)
      "tpu.region"() ({
        %run_scoped3A = tpu.sem_alloc : memref<!tpu.dma_semaphore, #tpu.memory_space<semaphore_mem>>
        %dma_start3A_16 = arith.constant 0 : i32
        %dma_start3A_17 = tpu.memref_slice %arg4[%mul3A_11, %dma_start3A_16] : memref<163840x128xf32, #tpu.memory_space<hbm>> -> memref<128x128xf32, #tpu.memory_space<hbm>>
        %dma_start3A_18 = arith.constant 0 : i32
        %dma_start3A_19 = tpu.memref_slice %arg4[%mul3A_11, %dma_start3A_18] : memref<163840x128xf32, #tpu.memory_space<hbm>> -> memref<128x128xf32, #tpu.memory_space<hbm>>
        tpu.enqueue_dma source(%arg6 : memref<128x128xf32, #tpu.memory_space<vmem>>) target(%dma_start3A_19 : memref<128x128xf32, #tpu.memory_space<hbm>>) target_semaphore(%run_scoped3A : memref<!tpu.dma_semaphore, #tpu.memory_space<semaphore_mem>>)
        %dma_wait3A_20 = arith.constant 0 : i32
        %dma_wait3A_21 = tpu.memref_slice %arg4[%mul3A_11, %dma_wait3A_20] : memref<163840x128xf32, #tpu.memory_space<hbm>> -> memref<128x128xf32, #tpu.memory_space<hbm>>
        %dma_wait3A_22 = arith.constant 0 : i32
        %dma_wait3A_23 = tpu.memref_slice %arg4[%mul3A_11, %dma_wait3A_22] : memref<163840x128xf32, #tpu.memory_space<hbm>> -> memref<128x128xf32, #tpu.memory_space<hbm>>
        tpu.wait_dma2 semaphore(%run_scoped3A : memref<!tpu.dma_semaphore, #tpu.memory_space<semaphore_mem>>) src(%arg6 : memref<128x128xf32, #tpu.memory_space<vmem>>) dst(%dma_wait3A_23 : memref<128x128xf32, #tpu.memory_space<hbm>>)
        tpu.yield
      }) : () -> ()
    }
    %scan3A_5 = arith.constant 40 : i32
    return
  }
}

#map = affine_map<(d0, d1) -> (0, 0)>
#map1 = affine_map<(d0, d1) -> (0)>
module attributes {stable_mosaic.version = 14 : i64} {
  func.func @gk(%arg0: i32, %arg1: i32, %arg2: memref<10000x128xf32, #tpu.memory_space<hbm>>, %arg3: memref<163840xi32, #tpu.memory_space<hbm>>, %arg4: memref<163840x128xf32, #tpu.memory_space<hbm>>, %arg5: memref<128xi32, #tpu.memory_space<vmem>>, %arg6: memref<128x128xf32, #tpu.memory_space<vmem>>, %arg7: memref<!tpu.dma_semaphore, #tpu.memory_space<semaphore_mem>>) attributes {dimension_semantics = [#tpu.dimension_semantics<core_parallel>, #tpu.dimension_semantics<subcore_parallel>], iteration_bounds = array<i64: 2, 16>, scalar_prefetch = 0 : i64, scratch_operands = 3 : i64, tpu.core_type = #tpu.core_type<sc_vector_subcore>, window_params = [{transform_indices = #map}, {transform_indices = #map1}, {transform_indices = #map}]} {
    %mul3A = arith.constant 2 : i32
    %mul3A_0 = arith.muli %arg1, %mul3A : i32
    %add3A = arith.addi %mul3A_0, %arg0 : i32
    %scan3A = arith.constant 0 : i32
    %scan3A_1 = arith.constant 0 : i32
    %scan3A_2 = arith.constant 40 : i32
    %scan3A_3 = arith.addi %scan3A_1, %scan3A_2 : i32
    %scan3A_4 = arith.constant 1 : i32
    scf.for %scan3A_6 = %scan3A_1 to %scan3A_3 step %scan3A_4  : i32 {
      %mul3A_7 = arith.constant 32 : i32
      %mul3A_8 = arith.muli %scan3A_6, %mul3A_7 : i32
      %add3A_9 = arith.addi %mul3A_8, %add3A : i32
      %mul3A_10 = arith.constant 128 : i32
      %mul3A_11 = arith.muli %add3A_9, %mul3A_10 : i32
      "tpu.region"() ({
        %run_scoped3A = tpu.sem_alloc : memref<!tpu.dma_semaphore, #tpu.memory_space<semaphore_mem>>
        %dma_start3A_16 = tpu.memref_slice %arg3[%mul3A_11] : memref<163840xi32, #tpu.memory_space<hbm>> -> memref<128xi32, #tpu.memory_space<hbm>>
        %dma_start3A_17 = tpu.memref_slice %arg3[%mul3A_11] : memref<163840xi32, #tpu.memory_space<hbm>> -> memref<128xi32, #tpu.memory_space<hbm>>
        tpu.enqueue_dma source(%dma_start3A_17 : memref<128xi32, #tpu.memory_space<hbm>>) target(%arg5 : memref<128xi32, #tpu.memory_space<vmem>>) target_semaphore(%run_scoped3A : memref<!tpu.dma_semaphore, #tpu.memory_space<semaphore_mem>>)
        %dma_wait3A_18 = tpu.memref_slice %arg3[%mul3A_11] : memref<163840xi32, #tpu.memory_space<hbm>> -> memref<128xi32, #tpu.memory_space<hbm>>
        %dma_wait3A_19 = tpu.memref_slice %arg3[%mul3A_11] : memref<163840xi32, #tpu.memory_space<hbm>> -> memref<128xi32, #tpu.memory_space<hbm>>
        tpu.wait_dma2 semaphore(%run_scoped3A : memref<!tpu.dma_semaphore, #tpu.memory_space<semaphore_mem>>) src(%dma_wait3A_19 : memref<128xi32, #tpu.memory_space<hbm>>) dst(%arg5 : memref<128xi32, #tpu.memory_space<vmem>>)
        tpu.yield
      }) : () -> ()
      %dma_start3A = arith.constant 0 : i32
      %dma_start3A_12 = arith.constant 0 : i32
      %dma_start3A_13 = tpu.memref_slice %arg2[%dma_start3A, %dma_start3A_12] : memref<10000x128xf32, #tpu.memory_space<hbm>> -> memref<10000x128xf32, #tpu.memory_space<hbm>>
      tpu.enqueue_indirect_dma source(%dma_start3A_13 : memref<10000x128xf32, #tpu.memory_space<hbm>>) target(%arg6 : memref<128x128xf32, #tpu.memory_space<vmem>>) offsets(%arg5 : memref<128xi32, #tpu.memory_space<vmem>>) semaphore(%arg7 : memref<!tpu.dma_semaphore, #tpu.memory_space<semaphore_mem>>)
      %dma_wait3A = arith.constant 0 : i32
      %dma_wait3A_14 = arith.constant 0 : i32
      %dma_wait3A_15 = tpu.memref_slice %arg2[%dma_wait3A, %dma_wait3A_14] : memref<10000x128xf32, #tpu.memory_space<hbm>> -> memref<10000x128xf32, #tpu.memory_space<hbm>>
      tpu.wait_indirect_dma semaphore(%arg7 : memref<!tpu.dma_semaphore, #tpu.memory_space<semaphore_mem>>) src(%dma_wait3A_15 : memref<10000x128xf32, #tpu.memory_space<hbm>>) dst(%arg6 : memref<128x128xf32, #tpu.memory_space<vmem>>)
      "tpu.region"() ({
        %run_scoped3A = tpu.sem_alloc : memref<!tpu.dma_semaphore, #tpu.memory_space<semaphore_mem>>
        %dma_start3A_16 = arith.constant 0 : i32
        %dma_start3A_17 = tpu.memref_slice %arg4[%mul3A_11, %dma_start3A_16] : memref<163840x128xf32, #tpu.memory_space<hbm>> -> memref<128x128xf32, #tpu.memory_space<hbm>>
        %dma_start3A_18 = arith.constant 0 : i32
        %dma_start3A_19 = tpu.memref_slice %arg4[%mul3A_11, %dma_start3A_18] : memref<163840x128xf32, #tpu.memory_space<hbm>> -> memref<128x128xf32, #tpu.memory_space<hbm>>
        tpu.enqueue_dma source(%arg6 : memref<128x128xf32, #tpu.memory_space<vmem>>) target(%dma_start3A_19 : memref<128x128xf32, #tpu.memory_space<hbm>>) target_semaphore(%run_scoped3A : memref<!tpu.dma_semaphore, #tpu.memory_space<semaphore_mem>>)
        %dma_wait3A_20 = arith.constant 0 : i32
        %dma_wait3A_21 = tpu.memref_slice %arg4[%mul3A_11, %dma_wait3A_20] : memref<163840x128xf32, #tpu.memory_space<hbm>> -> memref<128x128xf32, #tpu.memory_space<hbm>>
        %dma_wait3A_22 = arith.constant 0 : i32
        %dma_wait3A_23 = tpu.memref_slice %arg4[%mul3A_11, %dma_wait3A_22] : memref<163840x128xf32, #tpu.memory_space<hbm>> -> memref<128x128xf32, #tpu.memory_space<hbm>>
        tpu.wait_dma2 semaphore(%run_scoped3A : memref<!tpu.dma_semaphore, #tpu.memory_space<semaphore_mem>>) src(%arg6 : memref<128x128xf32, #tpu.memory_space<vmem>>) dst(%dma_wait3A_23 : memref<128x128xf32, #tpu.memory_space<hbm>>)
        tpu.yield
      }) : () -> ()
    }
    %scan3A_5 = arith.constant 40 : i32
    return
  }
}

#map = affine_map<(d0, d1) -> (0, 0)>
#map1 = affine_map<(d0, d1) -> (0)>
module attributes {stable_mosaic.version = 14 : i64} {
  func.func @gk(%arg0: i32, %arg1: i32, %arg2: memref<10000x128xf32, #tpu.memory_space<hbm>>, %arg3: memref<163840xi32, #tpu.memory_space<hbm>>, %arg4: memref<163840x128xf32, #tpu.memory_space<hbm>>, %arg5: memref<128xi32, #tpu.memory_space<vmem>>, %arg6: memref<128x128xf32, #tpu.memory_space<vmem>>, %arg7: memref<!tpu.dma_semaphore, #tpu.memory_space<semaphore_mem>>) attributes {dimension_semantics = [#tpu.dimension_semantics<core_parallel>, #tpu.dimension_semantics<subcore_parallel>], iteration_bounds = array<i64: 2, 16>, scalar_prefetch = 0 : i64, scratch_operands = 3 : i64, tpu.core_type = #tpu.core_type<sc_vector_subcore>, window_params = [{transform_indices = #map}, {transform_indices = #map1}, {transform_indices = #map}]} {
    %mul3A = arith.constant 2 : i32
    %mul3A_0 = arith.muli %arg1, %mul3A : i32
    %add3A = arith.addi %mul3A_0, %arg0 : i32
    %scan3A = arith.constant 0 : i32
    %scan3A_1 = arith.constant 0 : i32
    %scan3A_2 = arith.constant 40 : i32
    %scan3A_3 = arith.addi %scan3A_1, %scan3A_2 : i32
    %scan3A_4 = arith.constant 1 : i32
    scf.for %scan3A_6 = %scan3A_1 to %scan3A_3 step %scan3A_4  : i32 {
      %mul3A_7 = arith.constant 32 : i32
      %mul3A_8 = arith.muli %scan3A_6, %mul3A_7 : i32
      %add3A_9 = arith.addi %mul3A_8, %add3A : i32
      %mul3A_10 = arith.constant 128 : i32
      %mul3A_11 = arith.muli %add3A_9, %mul3A_10 : i32
      "tpu.region"() ({
        %run_scoped3A = tpu.sem_alloc : memref<!tpu.dma_semaphore, #tpu.memory_space<semaphore_mem>>
        %dma_start3A_16 = tpu.memref_slice %arg3[%mul3A_11] : memref<163840xi32, #tpu.memory_space<hbm>> -> memref<128xi32, #tpu.memory_space<hbm>>
        %dma_start3A_17 = tpu.memref_slice %arg3[%mul3A_11] : memref<163840xi32, #tpu.memory_space<hbm>> -> memref<128xi32, #tpu.memory_space<hbm>>
        tpu.enqueue_dma source(%dma_start3A_17 : memref<128xi32, #tpu.memory_space<hbm>>) target(%arg5 : memref<128xi32, #tpu.memory_space<vmem>>) target_semaphore(%run_scoped3A : memref<!tpu.dma_semaphore, #tpu.memory_space<semaphore_mem>>)
        %dma_wait3A_18 = tpu.memref_slice %arg3[%mul3A_11] : memref<163840xi32, #tpu.memory_space<hbm>> -> memref<128xi32, #tpu.memory_space<hbm>>
        %dma_wait3A_19 = tpu.memref_slice %arg3[%mul3A_11] : memref<163840xi32, #tpu.memory_space<hbm>> -> memref<128xi32, #tpu.memory_space<hbm>>
        tpu.wait_dma2 semaphore(%run_scoped3A : memref<!tpu.dma_semaphore, #tpu.memory_space<semaphore_mem>>) src(%dma_wait3A_19 : memref<128xi32, #tpu.memory_space<hbm>>) dst(%arg5 : memref<128xi32, #tpu.memory_space<vmem>>)
        tpu.yield
      }) : () -> ()
      %dma_start3A = arith.constant 0 : i32
      %dma_start3A_12 = arith.constant 0 : i32
      %dma_start3A_13 = tpu.memref_slice %arg2[%dma_start3A, %dma_start3A_12] : memref<10000x128xf32, #tpu.memory_space<hbm>> -> memref<10000x128xf32, #tpu.memory_space<hbm>>
      tpu.enqueue_indirect_dma source(%dma_start3A_13 : memref<10000x128xf32, #tpu.memory_space<hbm>>) target(%arg6 : memref<128x128xf32, #tpu.memory_space<vmem>>) offsets(%arg5 : memref<128xi32, #tpu.memory_space<vmem>>) semaphore(%arg7 : memref<!tpu.dma_semaphore, #tpu.memory_space<semaphore_mem>>)
      %dma_wait3A = arith.constant 0 : i32
      %dma_wait3A_14 = arith.constant 0 : i32
      %dma_wait3A_15 = tpu.memref_slice %arg2[%dma_wait3A, %dma_wait3A_14] : memref<10000x128xf32, #tpu.memory_space<hbm>> -> memref<10000x128xf32, #tpu.memory_space<hbm>>
      tpu.wait_indirect_dma semaphore(%arg7 : memref<!tpu.dma_semaphore, #tpu.memory_space<semaphore_mem>>) src(%dma_wait3A_15 : memref<10000x128xf32, #tpu.memory_space<hbm>>) dst(%arg6 : memref<128x128xf32, #tpu.memory_space<vmem>>)
      "tpu.region"() ({
        %run_scoped3A = tpu.sem_alloc : memref<!tpu.dma_semaphore, #tpu.memory_space<semaphore_mem>>
        %dma_start3A_16 = arith.constant 0 : i32
        %dma_start3A_17 = tpu.memref_slice %arg4[%mul3A_11, %dma_start3A_16] : memref<163840x128xf32, #tpu.memory_space<hbm>> -> memref<128x128xf32, #tpu.memory_space<hbm>>
        %dma_start3A_18 = arith.constant 0 : i32
        %dma_start3A_19 = tpu.memref_slice %arg4[%mul3A_11, %dma_start3A_18] : memref<163840x128xf32, #tpu.memory_space<hbm>> -> memref<128x128xf32, #tpu.memory_space<hbm>>
        tpu.enqueue_dma source(%arg6 : memref<128x128xf32, #tpu.memory_space<vmem>>) target(%dma_start3A_19 : memref<128x128xf32, #tpu.memory_space<hbm>>) target_semaphore(%run_scoped3A : memref<!tpu.dma_semaphore, #tpu.memory_space<semaphore_mem>>)
        %dma_wait3A_20 = arith.constant 0 : i32
        %dma_wait3A_21 = tpu.memref_slice %arg4[%mul3A_11, %dma_wait3A_20] : memref<163840x128xf32, #tpu.memory_space<hbm>> -> memref<128x128xf32, #tpu.memory_space<hbm>>
        %dma_wait3A_22 = arith.constant 0 : i32
        %dma_wait3A_23 = tpu.memref_slice %arg4[%mul3A_11, %dma_wait3A_22] : memref<163840x128xf32, #tpu.memory_space<hbm>> -> memref<128x128xf32, #tpu.memory_space<hbm>>
        tpu.wait_dma2 semaphore(%run_scoped3A : memref<!tpu.dma_semaphore, #tpu.memory_space<semaphore_mem>>) src(%arg6 : memref<128x128xf32, #tpu.memory_space<vmem>>) dst(%dma_wait3A_23 : memref<128x128xf32, #tpu.memory_space<hbm>>)
        tpu.yield
      }) : () -> ()
    }
    %scan3A_5 = arith.constant 40 : i32
    return
  }
}

module attributes {stable_mosaic.version = 14 : i64} {
  func.func @_conv_small_body(%arg0: i32, %arg1: memref<6400x128xf32, #tpu.memory_space<vmem>>, %arg2: memref<400x32xf32, #tpu.memory_space<vmem>>, %arg3: memref<32x128xf32, #tpu.memory_space<vmem>>, %arg4: memref<1x128xf32, #tpu.memory_space<vmem>>, %arg5: memref<32x32xf32, #tpu.memory_space<vmem>>, %arg6: memref<1x32xf32, #tpu.memory_space<vmem>>, %arg7: memref<32x32xf32, #tpu.memory_space<vmem>>, %arg8: memref<400x128xf32, #tpu.memory_space<vmem>>) attributes {dimension_semantics = [#tpu.dimension_semantics<arbitrary>], iteration_bounds = array<i64: 25>, scalar_prefetch = 0 : i64, scratch_operands = 0 : i64, tpu.core_type = #tpu.core_type<tc>, window_params = [{transform_indices = @transform_0, window_bounds = array<i64: 6400, 128>}, {transform_indices = @transform_1, window_bounds = array<i64: 400, 32>}, {pipeline_mode = #tpu.pipeline_mode<synchronous>, transform_indices = @transform_2, window_bounds = array<i64: 32, 128>}, {pipeline_mode = #tpu.pipeline_mode<synchronous>, transform_indices = @transform_3, window_bounds = array<i64: 1, 128>}, {pipeline_mode = #tpu.pipeline_mode<synchronous>, transform_indices = @transform_4, window_bounds = array<i64: 32, 32>}, {pipeline_mode = #tpu.pipeline_mode<synchronous>, transform_indices = @transform_5, window_bounds = array<i64: 1, 32>}, {pipeline_mode = #tpu.pipeline_mode<synchronous>, transform_indices = @transform_6, window_bounds = array<i64: 32, 32>}, {transform_indices = @transform_7, window_bounds = array<i64: 400, 128>}]} {
    %get3A = arith.constant 0 : index
    %get3A_0 = arith.constant 0 : index
    %get3A_1 = vector.load %arg1[%get3A, %get3A_0] : memref<6400x128xf32, #tpu.memory_space<vmem>>, vector<6400x128xf32>
    %reshape3A = vector.shape_cast %get3A_1 : vector<6400x128xf32> to vector<400x16x128xf32>
    %get3A_2 = arith.constant 0 : index
    %get3A_3 = arith.constant 0 : index
    %get3A_4 = vector.load %arg3[%get3A_2, %get3A_3] : memref<32x128xf32, #tpu.memory_space<vmem>>, vector<32x128xf32>
    %get3A_5 = arith.constant 0 : index
    %get3A_6 = arith.constant 0 : index
    %get3A_7 = vector.load %arg4[%get3A_5, %get3A_6] : memref<1x128xf32, #tpu.memory_space<vmem>>, vector<1x128xf32>
    %broadcast_in_dim3A = arith.constant 0.000000e+00 : f32
    %broadcast_in_dim3A_8 = vector.broadcast %broadcast_in_dim3A : f32 to vector<400x32xf32>
    %broadcast_in_dim3A_9 = arith.constant 0.000000e+00 : f32
    %broadcast_in_dim3A_10 = vector.broadcast %broadcast_in_dim3A_9 : f32 to vector<400x32xf32>
    %slice3A = vector.extract_strided_slice %reshape3A {offsets = [0, 0, 0], sizes = [400, 1, 128], strides = [1, 1, 1]} : vector<400x16x128xf32> to vector<400x1x128xf32>
    %squeeze3A = vector.shape_cast %slice3A : vector<400x1x128xf32> to vector<400x128xf32>
    %dot_general3A = arith.constant dense<0.000000e+00> : vector<400x128xf32>
    %dot_general3A_11 = tpu.matmul %broadcast_in_dim3A_8, %get3A_4, %dot_general3A {dimension_numbers = #tpu.dot_dimension_numbers<[1], [0], [0], [1], [0, 0, 1, 1], [], []>, transpose_lhs_hint = false} : vector<400x32xf32>, vector<32x128xf32>, vector<400x128xf32> -> vector<400x128xf32>
    %add3A = arith.addf %squeeze3A, %dot_general3A_11 : vector<400x128xf32>
    %add3A_12 = vector.broadcast %get3A_7 : vector<1x128xf32> to vector<400x128xf32>
    %add3A_13 = arith.addf %add3A, %add3A_12 : vector<400x128xf32>
    %slice3A_14 = vector.extract_strided_slice %add3A_13 {offsets = [0, 0], sizes = [400, 32], strides = [1, 1]} : vector<400x128xf32> to vector<400x32xf32>
    %logistic3A = arith.negf %slice3A_14 : vector<400x32xf32>
    %logistic3A_15 = math.exp %logistic3A : vector<400x32xf32>
    %logistic3A_16 = arith.constant 1.000000e+00 : f32
    %logistic3A_17 = vector.broadcast %logistic3A_16 : f32 to vector<400x32xf32>
    %logistic3A_18 = arith.addf %logistic3A_17, %logistic3A_15 : vector<400x32xf32>
    %logistic3A_19 = arith.divf %logistic3A_17, %logistic3A_18 : vector<400x32xf32>
    %slice3A_20 = vector.extract_strided_slice %add3A_13 {offsets = [0, 32], sizes = [400, 32], strides = [1, 1]} : vector<400x128xf32> to vector<400x32xf32>
    %logistic3A_21 = arith.negf %slice3A_20 : vector<400x32xf32>
    %logistic3A_22 = math.exp %logistic3A_21 : vector<400x32xf32>
    %logistic3A_23 = arith.constant 1.000000e+00 : f32
    %logistic3A_24 = vector.broadcast %logistic3A_23 : f32 to vector<400x32xf32>
    %logistic3A_25 = arith.addf %logistic3A_24, %logistic3A_22 : vector<400x32xf32>
    %logistic3A_26 = arith.divf %logistic3A_24, %logistic3A_25 : vector<400x32xf32>
    %slice3A_27 = vector.extract_strided_slice %add3A_13 {offsets = [0, 64], sizes = [400, 32], strides = [1, 1]} : vector<400x128xf32> to vector<400x32xf32>
    %tanh3A = math.tanh %slice3A_27 : vector<400x32xf32>
    %slice3A_28 = vector.extract_strided_slice %add3A_13 {offsets = [0, 96], sizes = [400, 32], strides = [1, 1]} : vector<400x128xf32> to vector<400x32xf32>
    %logistic3A_29 = arith.negf %slice3A_28 : vector<400x32xf32>
    %logistic3A_30 = math.exp %logistic3A_29 : vector<400x32xf32>
    %logistic3A_31 = arith.constant 1.000000e+00 : f32
    %logistic3A_32 = vector.broadcast %logistic3A_31 : f32 to vector<400x32xf32>
    %logistic3A_33 = arith.addf %logistic3A_32, %logistic3A_30 : vector<400x32xf32>
    %logistic3A_34 = arith.divf %logistic3A_32, %logistic3A_33 : vector<400x32xf32>
    %mul3A = arith.mulf %logistic3A_26, %broadcast_in_dim3A_10 : vector<400x32xf32>
    %mul3A_35 = arith.mulf %logistic3A_19, %tanh3A : vector<400x32xf32>
    %add3A_36 = arith.addf %mul3A, %mul3A_35 : vector<400x32xf32>
    %tanh3A_37 = math.tanh %add3A_36 : vector<400x32xf32>
    %mul3A_38 = arith.mulf %logistic3A_34, %tanh3A_37 : vector<400x32xf32>
    %slice3A_39 = vector.extract_strided_slice %reshape3A {offsets = [0, 1, 0], sizes = [400, 1, 128], strides = [1, 1, 1]} : vector<400x16x128xf32> to vector<400x1x128xf32>
    %squeeze3A_40 = vector.shape_cast %slice3A_39 : vector<400x1x128xf32> to vector<400x128xf32>
    %dot_general3A_41 = arith.constant dense<0.000000e+00> : vector<400x128xf32>
    %dot_general3A_42 = tpu.matmul %mul3A_38, %get3A_4, %dot_general3A_41 {dimension_numbers = #tpu.dot_dimension_numbers<[1], [0], [0], [1], [0, 0, 1, 1], [], []>, transpose_lhs_hint = false} : vector<400x32xf32>, vector<32x128xf32>, vector<400x128xf32> -> vector<400x128xf32>
    %add3A_43 = arith.addf %squeeze3A_40, %dot_general3A_42 : vector<400x128xf32>
    %add3A_44 = vector.broadcast %get3A_7 : vector<1x128xf32> to vector<400x128xf32>
    %add3A_45 = arith.addf %add3A_43, %add3A_44 : vector<400x128xf32>
    %slice3A_46 = vector.extract_strided_slice %add3A_45 {offsets = [0, 0], sizes = [400, 32], strides = [1, 1]} : vector<400x128xf32> to vector<400x32xf32>
    %logistic3A_47 = arith.negf %slice3A_46 : vector<400x32xf32>
    %logistic3A_48 = math.exp %logistic3A_47 : vector<400x32xf32>
    %logistic3A_49 = arith.constant 1.000000e+00 : f32
    %logistic3A_50 = vector.broadcast %logistic3A_49 : f32 to vector<400x32xf32>
    %logistic3A_51 = arith.addf %logistic3A_50, %logistic3A_48 : vector<400x32xf32>
    %logistic3A_52 = arith.divf %logistic3A_50, %logistic3A_51 : vector<400x32xf32>
    %slice3A_53 = vector.extract_strided_slice %add3A_45 {offsets = [0, 32], sizes = [400, 32], strides = [1, 1]} : vector<400x128xf32> to vector<400x32xf32>
    %logistic3A_54 = arith.negf %slice3A_53 : vector<400x32xf32>
    %logistic3A_55 = math.exp %logistic3A_54 : vector<400x32xf32>
    %logistic3A_56 = arith.constant 1.000000e+00 : f32
    %logistic3A_57 = vector.broadcast %logistic3A_56 : f32 to vector<400x32xf32>
    %logistic3A_58 = arith.addf %logistic3A_57, %logistic3A_55 : vector<400x32xf32>
    %logistic3A_59 = arith.divf %logistic3A_57, %logistic3A_58 : vector<400x32xf32>
    %slice3A_60 = vector.extract_strided_slice %add3A_45 {offsets = [0, 64], sizes = [400, 32], strides = [1, 1]} : vector<400x128xf32> to vector<400x32xf32>
    %tanh3A_61 = math.tanh %slice3A_60 : vector<400x32xf32>
    %slice3A_62 = vector.extract_strided_slice %add3A_45 {offsets = [0, 96], sizes = [400, 32], strides = [1, 1]} : vector<400x128xf32> to vector<400x32xf32>
    %logistic3A_63 = arith.negf %slice3A_62 : vector<400x32xf32>
    %logistic3A_64 = math.exp %logistic3A_63 : vector<400x32xf32>
    %logistic3A_65 = arith.constant 1.000000e+00 : f32
    %logistic3A_66 = vector.broadcast %logistic3A_65 : f32 to vector<400x32xf32>
    %logistic3A_67 = arith.addf %logistic3A_66, %logistic3A_64 : vector<400x32xf32>
    %logistic3A_68 = arith.divf %logistic3A_66, %logistic3A_67 : vector<400x32xf32>
    %mul3A_69 = arith.mulf %logistic3A_59, %add3A_36 : vector<400x32xf32>
    %mul3A_70 = arith.mulf %logistic3A_52, %tanh3A_61 : vector<400x32xf32>
    %add3A_71 = arith.addf %mul3A_69, %mul3A_70 : vector<400x32xf32>
    %tanh3A_72 = math.tanh %add3A_71 : vector<400x32xf32>
    %mul3A_73 = arith.mulf %logistic3A_68, %tanh3A_72 : vector<400x32xf32>
    %slice3A_74 = vector.extract_strided_slice %reshape3A {offsets = [0, 2, 0], sizes = [400, 1, 128], strides = [1, 1, 1]} : vector<400x16x128xf32> to vector<400x1x128xf32>
    %squeeze3A_75 = vector.shape_cast %slice3A_74 : vector<400x1x128xf32> to vector<400x128xf32>
    %dot_general3A_76 = arith.constant dense<0.000000e+00> : vector<400x128xf32>
    %dot_general3A_77 = tpu.matmul %mul3A_73, %get3A_4, %dot_general3A_76 {dimension_numbers = #tpu.dot_dimension_numbers<[1], [0], [0], [1], [0, 0, 1, 1], [], []>, transpose_lhs_hint = false} : vector<400x32xf32>, vector<32x128xf32>, vector<400x128xf32> -> vector<400x128xf32>
    %add3A_78 = arith.addf %squeeze3A_75, %dot_general3A_77 : vector<400x128xf32>
    %add3A_79 = vector.broadcast %get3A_7 : vector<1x128xf32> to vector<400x128xf32>
    %add3A_80 = arith.addf %add3A_78, %add3A_79 : vector<400x128xf32>
    %slice3A_81 = vector.extract_strided_slice %add3A_80 {offsets = [0, 0], sizes = [400, 32], strides = [1, 1]} : vector<400x128xf32> to vector<400x32xf32>
    %logistic3A_82 = arith.negf %slice3A_81 : vector<400x32xf32>
    %logistic3A_83 = math.exp %logistic3A_82 : vector<400x32xf32>
    %logistic3A_84 = arith.constant 1.000000e+00 : f32
    %logistic3A_85 = vector.broadcast %logistic3A_84 : f32 to vector<400x32xf32>
    %logistic3A_86 = arith.addf %logistic3A_85, %logistic3A_83 : vector<400x32xf32>
    %logistic3A_87 = arith.divf %logistic3A_85, %logistic3A_86 : vector<400x32xf32>
    %slice3A_88 = vector.extract_strided_slice %add3A_80 {offsets = [0, 32], sizes = [400, 32], strides = [1, 1]} : vector<400x128xf32> to vector<400x32xf32>
    %logistic3A_89 = arith.negf %slice3A_88 : vector<400x32xf32>
    %logistic3A_90 = math.exp %logistic3A_89 : vector<400x32xf32>
    %logistic3A_91 = arith.constant 1.000000e+00 : f32
    %logistic3A_92 = vector.broadcast %logistic3A_91 : f32 to vector<400x32xf32>
    %logistic3A_93 = arith.addf %logistic3A_92, %logistic3A_90 : vector<400x32xf32>
    %logistic3A_94 = arith.divf %logistic3A_92, %logistic3A_93 : vector<400x32xf32>
    %slice3A_95 = vector.extract_strided_slice %add3A_80 {offsets = [0, 64], sizes = [400, 32], strides = [1, 1]} : vector<400x128xf32> to vector<400x32xf32>
    %tanh3A_96 = math.tanh %slice3A_95 : vector<400x32xf32>
    %slice3A_97 = vector.extract_strided_slice %add3A_80 {offsets = [0, 96], sizes = [400, 32], strides = [1, 1]} : vector<400x128xf32> to vector<400x32xf32>
    %logistic3A_98 = arith.negf %slice3A_97 : vector<400x32xf32>
    %logistic3A_99 = math.exp %logistic3A_98 : vector<400x32xf32>
    %logistic3A_100 = arith.constant 1.000000e+00 : f32
    %logistic3A_101 = vector.broadcast %logistic3A_100 : f32 to vector<400x32xf32>
    %logistic3A_102 = arith.addf %logistic3A_101, %logistic3A_99 : vector<400x32xf32>
    %logistic3A_103 = arith.divf %logistic3A_101, %logistic3A_102 : vector<400x32xf32>
    %mul3A_104 = arith.mulf %logistic3A_94, %add3A_71 : vector<400x32xf32>
    %mul3A_105 = arith.mulf %logistic3A_87, %tanh3A_96 : vector<400x32xf32>
    %add3A_106 = arith.addf %mul3A_104, %mul3A_105 : vector<400x32xf32>
    %tanh3A_107 = math.tanh %add3A_106 : vector<400x32xf32>
    %mul3A_108 = arith.mulf %logistic3A_103, %tanh3A_107 : vector<400x32xf32>
    %slice3A_109 = vector.extract_strided_slice %reshape3A {offsets = [0, 3, 0], sizes = [400, 1, 128], strides = [1, 1, 1]} : vector<400x16x128xf32> to vector<400x1x128xf32>
    %squeeze3A_110 = vector.shape_cast %slice3A_109 : vector<400x1x128xf32> to vector<400x128xf32>
    %dot_general3A_111 = arith.constant dense<0.000000e+00> : vector<400x128xf32>
    %dot_general3A_112 = tpu.matmul %mul3A_108, %get3A_4, %dot_general3A_111 {dimension_numbers = #tpu.dot_dimension_numbers<[1], [0], [0], [1], [0, 0, 1, 1], [], []>, transpose_lhs_hint = false} : vector<400x32xf32>, vector<32x128xf32>, vector<400x128xf32> -> vector<400x128xf32>
    %add3A_113 = arith.addf %squeeze3A_110, %dot_general3A_112 : vector<400x128xf32>
    %add3A_114 = vector.broadcast %get3A_7 : vector<1x128xf32> to vector<400x128xf32>
    %add3A_115 = arith.addf %add3A_113, %add3A_114 : vector<400x128xf32>
    %slice3A_116 = vector.extract_strided_slice %add3A_115 {offsets = [0, 0], sizes = [400, 32], strides = [1, 1]} : vector<400x128xf32> to vector<400x32xf32>
    %logistic3A_117 = arith.negf %slice3A_116 : vector<400x32xf32>
    %logistic3A_118 = math.exp %logistic3A_117 : vector<400x32xf32>
    %logistic3A_119 = arith.constant 1.000000e+00 : f32
    %logistic3A_120 = vector.broadcast %logistic3A_119 : f32 to vector<400x32xf32>
    %logistic3A_121 = arith.addf %logistic3A_120, %logistic3A_118 : vector<400x32xf32>
    %logistic3A_122 = arith.divf %logistic3A_120, %logistic3A_121 : vector<400x32xf32>
    %slice3A_123 = vector.extract_strided_slice %add3A_115 {offsets = [0, 32], sizes = [400, 32], strides = [1, 1]} : vector<400x128xf32> to vector<400x32xf32>
    %logistic3A_124 = arith.negf %slice3A_123 : vector<400x32xf32>
    %logistic3A_125 = math.exp %logistic3A_124 : vector<400x32xf32>
    %logistic3A_126 = arith.constant 1.000000e+00 : f32
    %logistic3A_127 = vector.broadcast %logistic3A_126 : f32 to vector<400x32xf32>
    %logistic3A_128 = arith.addf %logistic3A_127, %logistic3A_125 : vector<400x32xf32>
    %logistic3A_129 = arith.divf %logistic3A_127, %logistic3A_128 : vector<400x32xf32>
    %slice3A_130 = vector.extract_strided_slice %add3A_115 {offsets = [0, 64], sizes = [400, 32], strides = [1, 1]} : vector<400x128xf32> to vector<400x32xf32>
    %tanh3A_131 = math.tanh %slice3A_130 : vector<400x32xf32>
    %slice3A_132 = vector.extract_strided_slice %add3A_115 {offsets = [0, 96], sizes = [400, 32], strides = [1, 1]} : vector<400x128xf32> to vector<400x32xf32>
    %logistic3A_133 = arith.negf %slice3A_132 : vector<400x32xf32>
    %logistic3A_134 = math.exp %logistic3A_133 : vector<400x32xf32>
    %logistic3A_135 = arith.constant 1.000000e+00 : f32
    %logistic3A_136 = vector.broadcast %logistic3A_135 : f32 to vector<400x32xf32>
    %logistic3A_137 = arith.addf %logistic3A_136, %logistic3A_134 : vector<400x32xf32>
    %logistic3A_138 = arith.divf %logistic3A_136, %logistic3A_137 : vector<400x32xf32>
    %mul3A_139 = arith.mulf %logistic3A_129, %add3A_106 : vector<400x32xf32>
    %mul3A_140 = arith.mulf %logistic3A_122, %tanh3A_131 : vector<400x32xf32>
    %add3A_141 = arith.addf %mul3A_139, %mul3A_140 : vector<400x32xf32>
    %tanh3A_142 = math.tanh %add3A_141 : vector<400x32xf32>
    %mul3A_143 = arith.mulf %logistic3A_138, %tanh3A_142 : vector<400x32xf32>
    %slice3A_144 = vector.extract_strided_slice %reshape3A {offsets = [0, 4, 0], sizes = [400, 1, 128], strides = [1, 1, 1]} : vector<400x16x128xf32> to vector<400x1x128xf32>
    %squeeze3A_145 = vector.shape_cast %slice3A_144 : vector<400x1x128xf32> to vector<400x128xf32>
    %dot_general3A_146 = arith.constant dense<0.000000e+00> : vector<400x128xf32>
    %dot_general3A_147 = tpu.matmul %mul3A_143, %get3A_4, %dot_general3A_146 {dimension_numbers = #tpu.dot_dimension_numbers<[1], [0], [0], [1], [0, 0, 1, 1], [], []>, transpose_lhs_hint = false} : vector<400x32xf32>, vector<32x128xf32>, vector<400x128xf32> -> vector<400x128xf32>
    %add3A_148 = arith.addf %squeeze3A_145, %dot_general3A_147 : vector<400x128xf32>
    %add3A_149 = vector.broadcast %get3A_7 : vector<1x128xf32> to vector<400x128xf32>
    %add3A_150 = arith.addf %add3A_148, %add3A_149 : vector<400x128xf32>
    %slice3A_151 = vector.extract_strided_slice %add3A_150 {offsets = [0, 0], sizes = [400, 32], strides = [1, 1]} : vector<400x128xf32> to vector<400x32xf32>
    %logistic3A_152 = arith.negf %slice3A_151 : vector<400x32xf32>
    %logistic3A_153 = math.exp %logistic3A_152 : vector<400x32xf32>
    %logistic3A_154 = arith.constant 1.000000e+00 : f32
    %logistic3A_155 = vector.broadcast %logistic3A_154 : f32 to vector<400x32xf32>
    %logistic3A_156 = arith.addf %logistic3A_155, %logistic3A_153 : vector<400x32xf32>
    %logistic3A_157 = arith.divf %logistic3A_155, %logistic3A_156 : vector<400x32xf32>
    %slice3A_158 = vector.extract_strided_slice %add3A_150 {offsets = [0, 32], sizes = [400, 32], strides = [1, 1]} : vector<400x128xf32> to vector<400x32xf32>
    %logistic3A_159 = arith.negf %slice3A_158 : vector<400x32xf32>
    %logistic3A_160 = math.exp %logistic3A_159 : vector<400x32xf32>
    %logistic3A_161 = arith.constant 1.000000e+00 : f32
    %logistic3A_162 = vector.broadcast %logistic3A_161 : f32 to vector<400x32xf32>
    %logistic3A_163 = arith.addf %logistic3A_162, %logistic3A_160 : vector<400x32xf32>
    %logistic3A_164 = arith.divf %logistic3A_162, %logistic3A_163 : vector<400x32xf32>
    %slice3A_165 = vector.extract_strided_slice %add3A_150 {offsets = [0, 64], sizes = [400, 32], strides = [1, 1]} : vector<400x128xf32> to vector<400x32xf32>
    %tanh3A_166 = math.tanh %slice3A_165 : vector<400x32xf32>
    %slice3A_167 = vector.extract_strided_slice %add3A_150 {offsets = [0, 96], sizes = [400, 32], strides = [1, 1]} : vector<400x128xf32> to vector<400x32xf32>
    %logistic3A_168 = arith.negf %slice3A_167 : vector<400x32xf32>
    %logistic3A_169 = math.exp %logistic3A_168 : vector<400x32xf32>
    %logistic3A_170 = arith.constant 1.000000e+00 : f32
    %logistic3A_171 = vector.broadcast %logistic3A_170 : f32 to vector<400x32xf32>
    %logistic3A_172 = arith.addf %logistic3A_171, %logistic3A_169 : vector<400x32xf32>
    %logistic3A_173 = arith.divf %logistic3A_171, %logistic3A_172 : vector<400x32xf32>
    %mul3A_174 = arith.mulf %logistic3A_164, %add3A_141 : vector<400x32xf32>
    %mul3A_175 = arith.mulf %logistic3A_157, %tanh3A_166 : vector<400x32xf32>
    %add3A_176 = arith.addf %mul3A_174, %mul3A_175 : vector<400x32xf32>
    %tanh3A_177 = math.tanh %add3A_176 : vector<400x32xf32>
    %mul3A_178 = arith.mulf %logistic3A_173, %tanh3A_177 : vector<400x32xf32>
    %slice3A_179 = vector.extract_strided_slice %reshape3A {offsets = [0, 5, 0], sizes = [400, 1, 128], strides = [1, 1, 1]} : vector<400x16x128xf32> to vector<400x1x128xf32>
    %squeeze3A_180 = vector.shape_cast %slice3A_179 : vector<400x1x128xf32> to vector<400x128xf32>
    %dot_general3A_181 = arith.constant dense<0.000000e+00> : vector<400x128xf32>
    %dot_general3A_182 = tpu.matmul %mul3A_178, %get3A_4, %dot_general3A_181 {dimension_numbers = #tpu.dot_dimension_numbers<[1], [0], [0], [1], [0, 0, 1, 1], [], []>, transpose_lhs_hint = false} : vector<400x32xf32>, vector<32x128xf32>, vector<400x128xf32> -> vector<400x128xf32>
    %add3A_183 = arith.addf %squeeze3A_180, %dot_general3A_182 : vector<400x128xf32>
    %add3A_184 = vector.broadcast %get3A_7 : vector<1x128xf32> to vector<400x128xf32>
    %add3A_185 = arith.addf %add3A_183, %add3A_184 : vector<400x128xf32>
    %slice3A_186 = vector.extract_strided_slice %add3A_185 {offsets = [0, 0], sizes = [400, 32], strides = [1, 1]} : vector<400x128xf32> to vector<400x32xf32>
    %logistic3A_187 = arith.negf %slice3A_186 : vector<400x32xf32>
    %logistic3A_188 = math.exp %logistic3A_187 : vector<400x32xf32>
    %logistic3A_189 = arith.constant 1.000000e+00 : f32
    %logistic3A_190 = vector.broadcast %logistic3A_189 : f32 to vector<400x32xf32>
    %logistic3A_191 = arith.addf %logistic3A_190, %logistic3A_188 : vector<400x32xf32>
    %logistic3A_192 = arith.divf %logistic3A_190, %logistic3A_191 : vector<400x32xf32>
    %slice3A_193 = vector.extract_strided_slice %add3A_185 {offsets = [0, 32], sizes = [400, 32], strides = [1, 1]} : vector<400x128xf32> to vector<400x32xf32>
    %logistic3A_194 = arith.negf %slice3A_193 : vector<400x32xf32>
    %logistic3A_195 = math.exp %logistic3A_194 : vector<400x32xf32>
    %logistic3A_196 = arith.constant 1.000000e+00 : f32
    %logistic3A_197 = vector.broadcast %logistic3A_196 : f32 to vector<400x32xf32>
    %logistic3A_198 = arith.addf %logistic3A_197, %logistic3A_195 : vector<400x32xf32>
    %logistic3A_199 = arith.divf %logistic3A_197, %logistic3A_198 : vector<400x32xf32>
    %slice3A_200 = vector.extract_strided_slice %add3A_185 {offsets = [0, 64], sizes = [400, 32], strides = [1, 1]} : vector<400x128xf32> to vector<400x32xf32>
    %tanh3A_201 = math.tanh %slice3A_200 : vector<400x32xf32>
    %slice3A_202 = vector.extract_strided_slice %add3A_185 {offsets = [0, 96], sizes = [400, 32], strides = [1, 1]} : vector<400x128xf32> to vector<400x32xf32>
    %logistic3A_203 = arith.negf %slice3A_202 : vector<400x32xf32>
    %logistic3A_204 = math.exp %logistic3A_203 : vector<400x32xf32>
    %logistic3A_205 = arith.constant 1.000000e+00 : f32
    %logistic3A_206 = vector.broadcast %logistic3A_205 : f32 to vector<400x32xf32>
    %logistic3A_207 = arith.addf %logistic3A_206, %logistic3A_204 : vector<400x32xf32>
    %logistic3A_208 = arith.divf %logistic3A_206, %logistic3A_207 : vector<400x32xf32>
    %mul3A_209 = arith.mulf %logistic3A_199, %add3A_176 : vector<400x32xf32>
    %mul3A_210 = arith.mulf %logistic3A_192, %tanh3A_201 : vector<400x32xf32>
    %add3A_211 = arith.addf %mul3A_209, %mul3A_210 : vector<400x32xf32>
    %tanh3A_212 = math.tanh %add3A_211 : vector<400x32xf32>
    %mul3A_213 = arith.mulf %logistic3A_208, %tanh3A_212 : vector<400x32xf32>
    %slice3A_214 = vector.extract_strided_slice %reshape3A {offsets = [0, 6, 0], sizes = [400, 1, 128], strides = [1, 1, 1]} : vector<400x16x128xf32> to vector<400x1x128xf32>
    %squeeze3A_215 = vector.shape_cast %slice3A_214 : vector<400x1x128xf32> to vector<400x128xf32>
    %dot_general3A_216 = arith.constant dense<0.000000e+00> : vector<400x128xf32>
    %dot_general3A_217 = tpu.matmul %mul3A_213, %get3A_4, %dot_general3A_216 {dimension_numbers = #tpu.dot_dimension_numbers<[1], [0], [0], [1], [0, 0, 1, 1], [], []>, transpose_lhs_hint = false} : vector<400x32xf32>, vector<32x128xf32>, vector<400x128xf32> -> vector<400x128xf32>
    %add3A_218 = arith.addf %squeeze3A_215, %dot_general3A_217 : vector<400x128xf32>
    %add3A_219 = vector.broadcast %get3A_7 : vector<1x128xf32> to vector<400x128xf32>
    %add3A_220 = arith.addf %add3A_218, %add3A_219 : vector<400x128xf32>
    %slice3A_221 = vector.extract_strided_slice %add3A_220 {offsets = [0, 0], sizes = [400, 32], strides = [1, 1]} : vector<400x128xf32> to vector<400x32xf32>
    %logistic3A_222 = arith.negf %slice3A_221 : vector<400x32xf32>
    %logistic3A_223 = math.exp %logistic3A_222 : vector<400x32xf32>
    %logistic3A_224 = arith.constant 1.000000e+00 : f32
    %logistic3A_225 = vector.broadcast %logistic3A_224 : f32 to vector<400x32xf32>
    %logistic3A_226 = arith.addf %logistic3A_225, %logistic3A_223 : vector<400x32xf32>
    %logistic3A_227 = arith.divf %logistic3A_225, %logistic3A_226 : vector<400x32xf32>
    %slice3A_228 = vector.extract_strided_slice %add3A_220 {offsets = [0, 32], sizes = [400, 32], strides = [1, 1]} : vector<400x128xf32> to vector<400x32xf32>
    %logistic3A_229 = arith.negf %slice3A_228 : vector<400x32xf32>
    %logistic3A_230 = math.exp %logistic3A_229 : vector<400x32xf32>
    %logistic3A_231 = arith.constant 1.000000e+00 : f32
    %logistic3A_232 = vector.broadcast %logistic3A_231 : f32 to vector<400x32xf32>
    %logistic3A_233 = arith.addf %logistic3A_232, %logistic3A_230 : vector<400x32xf32>
    %logistic3A_234 = arith.divf %logistic3A_232, %logistic3A_233 : vector<400x32xf32>
    %slice3A_235 = vector.extract_strided_slice %add3A_220 {offsets = [0, 64], sizes = [400, 32], strides = [1, 1]} : vector<400x128xf32> to vector<400x32xf32>
    %tanh3A_236 = math.tanh %slice3A_235 : vector<400x32xf32>
    %slice3A_237 = vector.extract_strided_slice %add3A_220 {offsets = [0, 96], sizes = [400, 32], strides = [1, 1]} : vector<400x128xf32> to vector<400x32xf32>
    %logistic3A_238 = arith.negf %slice3A_237 : vector<400x32xf32>
    %logistic3A_239 = math.exp %logistic3A_238 : vector<400x32xf32>
    %logistic3A_240 = arith.constant 1.000000e+00 : f32
    %logistic3A_241 = vector.broadcast %logistic3A_240 : f32 to vector<400x32xf32>
    %logistic3A_242 = arith.addf %logistic3A_241, %logistic3A_239 : vector<400x32xf32>
    %logistic3A_243 = arith.divf %logistic3A_241, %logistic3A_242 : vector<400x32xf32>
    %mul3A_244 = arith.mulf %logistic3A_234, %add3A_211 : vector<400x32xf32>
    %mul3A_245 = arith.mulf %logistic3A_227, %tanh3A_236 : vector<400x32xf32>
    %add3A_246 = arith.addf %mul3A_244, %mul3A_245 : vector<400x32xf32>
    %tanh3A_247 = math.tanh %add3A_246 : vector<400x32xf32>
    %mul3A_248 = arith.mulf %logistic3A_243, %tanh3A_247 : vector<400x32xf32>
    %slice3A_249 = vector.extract_strided_slice %reshape3A {offsets = [0, 7, 0], sizes = [400, 1, 128], strides = [1, 1, 1]} : vector<400x16x128xf32> to vector<400x1x128xf32>
    %squeeze3A_250 = vector.shape_cast %slice3A_249 : vector<400x1x128xf32> to vector<400x128xf32>
    %dot_general3A_251 = arith.constant dense<0.000000e+00> : vector<400x128xf32>
    %dot_general3A_252 = tpu.matmul %mul3A_248, %get3A_4, %dot_general3A_251 {dimension_numbers = #tpu.dot_dimension_numbers<[1], [0], [0], [1], [0, 0, 1, 1], [], []>, transpose_lhs_hint = false} : vector<400x32xf32>, vector<32x128xf32>, vector<400x128xf32> -> vector<400x128xf32>
    %add3A_253 = arith.addf %squeeze3A_250, %dot_general3A_252 : vector<400x128xf32>
    %add3A_254 = vector.broadcast %get3A_7 : vector<1x128xf32> to vector<400x128xf32>
    %add3A_255 = arith.addf %add3A_253, %add3A_254 : vector<400x128xf32>
    %slice3A_256 = vector.extract_strided_slice %add3A_255 {offsets = [0, 0], sizes = [400, 32], strides = [1, 1]} : vector<400x128xf32> to vector<400x32xf32>
    %logistic3A_257 = arith.negf %slice3A_256 : vector<400x32xf32>
    %logistic3A_258 = math.exp %logistic3A_257 : vector<400x32xf32>
    %logistic3A_259 = arith.constant 1.000000e+00 : f32
    %logistic3A_260 = vector.broadcast %logistic3A_259 : f32 to vector<400x32xf32>
    %logistic3A_261 = arith.addf %logistic3A_260, %logistic3A_258 : vector<400x32xf32>
    %logistic3A_262 = arith.divf %logistic3A_260, %logistic3A_261 : vector<400x32xf32>
    %slice3A_263 = vector.extract_strided_slice %add3A_255 {offsets = [0, 32], sizes = [400, 32], strides = [1, 1]} : vector<400x128xf32> to vector<400x32xf32>
    %logistic3A_264 = arith.negf %slice3A_263 : vector<400x32xf32>
    %logistic3A_265 = math.exp %logistic3A_264 : vector<400x32xf32>
    %logistic3A_266 = arith.constant 1.000000e+00 : f32
    %logistic3A_267 = vector.broadcast %logistic3A_266 : f32 to vector<400x32xf32>
    %logistic3A_268 = arith.addf %logistic3A_267, %logistic3A_265 : vector<400x32xf32>
    %logistic3A_269 = arith.divf %logistic3A_267, %logistic3A_268 : vector<400x32xf32>
    %slice3A_270 = vector.extract_strided_slice %add3A_255 {offsets = [0, 64], sizes = [400, 32], strides = [1, 1]} : vector<400x128xf32> to vector<400x32xf32>
    %tanh3A_271 = math.tanh %slice3A_270 : vector<400x32xf32>
    %slice3A_272 = vector.extract_strided_slice %add3A_255 {offsets = [0, 96], sizes = [400, 32], strides = [1, 1]} : vector<400x128xf32> to vector<400x32xf32>
    %logistic3A_273 = arith.negf %slice3A_272 : vector<400x32xf32>
    %logistic3A_274 = math.exp %logistic3A_273 : vector<400x32xf32>
    %logistic3A_275 = arith.constant 1.000000e+00 : f32
    %logistic3A_276 = vector.broadcast %logistic3A_275 : f32 to vector<400x32xf32>
    %logistic3A_277 = arith.addf %logistic3A_276, %logistic3A_274 : vector<400x32xf32>
    %logistic3A_278 = arith.divf %logistic3A_276, %logistic3A_277 : vector<400x32xf32>
    %mul3A_279 = arith.mulf %logistic3A_269, %add3A_246 : vector<400x32xf32>
    %mul3A_280 = arith.mulf %logistic3A_262, %tanh3A_271 : vector<400x32xf32>
    %add3A_281 = arith.addf %mul3A_279, %mul3A_280 : vector<400x32xf32>
    %tanh3A_282 = math.tanh %add3A_281 : vector<400x32xf32>
    %mul3A_283 = arith.mulf %logistic3A_278, %tanh3A_282 : vector<400x32xf32>
    %slice3A_284 = vector.extract_strided_slice %reshape3A {offsets = [0, 8, 0], sizes = [400, 1, 128], strides = [1, 1, 1]} : vector<400x16x128xf32> to vector<400x1x128xf32>
    %squeeze3A_285 = vector.shape_cast %slice3A_284 : vector<400x1x128xf32> to vector<400x128xf32>
    %dot_general3A_286 = arith.constant dense<0.000000e+00> : vector<400x128xf32>
    %dot_general3A_287 = tpu.matmul %mul3A_283, %get3A_4, %dot_general3A_286 {dimension_numbers = #tpu.dot_dimension_numbers<[1], [0], [0], [1], [0, 0, 1, 1], [], []>, transpose_lhs_hint = false} : vector<400x32xf32>, vector<32x128xf32>, vector<400x128xf32> -> vector<400x128xf32>
    %add3A_288 = arith.addf %squeeze3A_285, %dot_general3A_287 : vector<400x128xf32>
    %add3A_289 = vector.broadcast %get3A_7 : vector<1x128xf32> to vector<400x128xf32>
    %add3A_290 = arith.addf %add3A_288, %add3A_289 : vector<400x128xf32>
    %slice3A_291 = vector.extract_strided_slice %add3A_290 {offsets = [0, 0], sizes = [400, 32], strides = [1, 1]} : vector<400x128xf32> to vector<400x32xf32>
    %logistic3A_292 = arith.negf %slice3A_291 : vector<400x32xf32>
    %logistic3A_293 = math.exp %logistic3A_292 : vector<400x32xf32>
    %logistic3A_294 = arith.constant 1.000000e+00 : f32
    %logistic3A_295 = vector.broadcast %logistic3A_294 : f32 to vector<400x32xf32>
    %logistic3A_296 = arith.addf %logistic3A_295, %logistic3A_293 : vector<400x32xf32>
    %logistic3A_297 = arith.divf %logistic3A_295, %logistic3A_296 : vector<400x32xf32>
    %slice3A_298 = vector.extract_strided_slice %add3A_290 {offsets = [0, 32], sizes = [400, 32], strides = [1, 1]} : vector<400x128xf32> to vector<400x32xf32>
    %logistic3A_299 = arith.negf %slice3A_298 : vector<400x32xf32>
    %logistic3A_300 = math.exp %logistic3A_299 : vector<400x32xf32>
    %logistic3A_301 = arith.constant 1.000000e+00 : f32
    %logistic3A_302 = vector.broadcast %logistic3A_301 : f32 to vector<400x32xf32>
    %logistic3A_303 = arith.addf %logistic3A_302, %logistic3A_300 : vector<400x32xf32>
    %logistic3A_304 = arith.divf %logistic3A_302, %logistic3A_303 : vector<400x32xf32>
    %slice3A_305 = vector.extract_strided_slice %add3A_290 {offsets = [0, 64], sizes = [400, 32], strides = [1, 1]} : vector<400x128xf32> to vector<400x32xf32>
    %tanh3A_306 = math.tanh %slice3A_305 : vector<400x32xf32>
    %slice3A_307 = vector.extract_strided_slice %add3A_290 {offsets = [0, 96], sizes = [400, 32], strides = [1, 1]} : vector<400x128xf32> to vector<400x32xf32>
    %logistic3A_308 = arith.negf %slice3A_307 : vector<400x32xf32>
    %logistic3A_309 = math.exp %logistic3A_308 : vector<400x32xf32>
    %logistic3A_310 = arith.constant 1.000000e+00 : f32
    %logistic3A_311 = vector.broadcast %logistic3A_310 : f32 to vector<400x32xf32>
    %logistic3A_312 = arith.addf %logistic3A_311, %logistic3A_309 : vector<400x32xf32>
    %logistic3A_313 = arith.divf %logistic3A_311, %logistic3A_312 : vector<400x32xf32>
    %mul3A_314 = arith.mulf %logistic3A_304, %add3A_281 : vector<400x32xf32>
    %mul3A_315 = arith.mulf %logistic3A_297, %tanh3A_306 : vector<400x32xf32>
    %add3A_316 = arith.addf %mul3A_314, %mul3A_315 : vector<400x32xf32>
    %tanh3A_317 = math.tanh %add3A_316 : vector<400x32xf32>
    %mul3A_318 = arith.mulf %logistic3A_313, %tanh3A_317 : vector<400x32xf32>
    %slice3A_319 = vector.extract_strided_slice %reshape3A {offsets = [0, 9, 0], sizes = [400, 1, 128], strides = [1, 1, 1]} : vector<400x16x128xf32> to vector<400x1x128xf32>
    %squeeze3A_320 = vector.shape_cast %slice3A_319 : vector<400x1x128xf32> to vector<400x128xf32>
    %dot_general3A_321 = arith.constant dense<0.000000e+00> : vector<400x128xf32>
    %dot_general3A_322 = tpu.matmul %mul3A_318, %get3A_4, %dot_general3A_321 {dimension_numbers = #tpu.dot_dimension_numbers<[1], [0], [0], [1], [0, 0, 1, 1], [], []>, transpose_lhs_hint = false} : vector<400x32xf32>, vector<32x128xf32>, vector<400x128xf32> -> vector<400x128xf32>
    %add3A_323 = arith.addf %squeeze3A_320, %dot_general3A_322 : vector<400x128xf32>
    %add3A_324 = vector.broadcast %get3A_7 : vector<1x128xf32> to vector<400x128xf32>
    %add3A_325 = arith.addf %add3A_323, %add3A_324 : vector<400x128xf32>
    %slice3A_326 = vector.extract_strided_slice %add3A_325 {offsets = [0, 0], sizes = [400, 32], strides = [1, 1]} : vector<400x128xf32> to vector<400x32xf32>
    %logistic3A_327 = arith.negf %slice3A_326 : vector<400x32xf32>
    %logistic3A_328 = math.exp %logistic3A_327 : vector<400x32xf32>
    %logistic3A_329 = arith.constant 1.000000e+00 : f32
    %logistic3A_330 = vector.broadcast %logistic3A_329 : f32 to vector<400x32xf32>
    %logistic3A_331 = arith.addf %logistic3A_330, %logistic3A_328 : vector<400x32xf32>
    %logistic3A_332 = arith.divf %logistic3A_330, %logistic3A_331 : vector<400x32xf32>
    %slice3A_333 = vector.extract_strided_slice %add3A_325 {offsets = [0, 32], sizes = [400, 32], strides = [1, 1]} : vector<400x128xf32> to vector<400x32xf32>
    %logistic3A_334 = arith.negf %slice3A_333 : vector<400x32xf32>
    %logistic3A_335 = math.exp %logistic3A_334 : vector<400x32xf32>
    %logistic3A_336 = arith.constant 1.000000e+00 : f32
    %logistic3A_337 = vector.broadcast %logistic3A_336 : f32 to vector<400x32xf32>
    %logistic3A_338 = arith.addf %logistic3A_337, %logistic3A_335 : vector<400x32xf32>
    %logistic3A_339 = arith.divf %logistic3A_337, %logistic3A_338 : vector<400x32xf32>
    %slice3A_340 = vector.extract_strided_slice %add3A_325 {offsets = [0, 64], sizes = [400, 32], strides = [1, 1]} : vector<400x128xf32> to vector<400x32xf32>
    %tanh3A_341 = math.tanh %slice3A_340 : vector<400x32xf32>
    %slice3A_342 = vector.extract_strided_slice %add3A_325 {offsets = [0, 96], sizes = [400, 32], strides = [1, 1]} : vector<400x128xf32> to vector<400x32xf32>
    %logistic3A_343 = arith.negf %slice3A_342 : vector<400x32xf32>
    %logistic3A_344 = math.exp %logistic3A_343 : vector<400x32xf32>
    %logistic3A_345 = arith.constant 1.000000e+00 : f32
    %logistic3A_346 = vector.broadcast %logistic3A_345 : f32 to vector<400x32xf32>
    %logistic3A_347 = arith.addf %logistic3A_346, %logistic3A_344 : vector<400x32xf32>
    %logistic3A_348 = arith.divf %logistic3A_346, %logistic3A_347 : vector<400x32xf32>
    %mul3A_349 = arith.mulf %logistic3A_339, %add3A_316 : vector<400x32xf32>
    %mul3A_350 = arith.mulf %logistic3A_332, %tanh3A_341 : vector<400x32xf32>
    %add3A_351 = arith.addf %mul3A_349, %mul3A_350 : vector<400x32xf32>
    %tanh3A_352 = math.tanh %add3A_351 : vector<400x32xf32>
    %mul3A_353 = arith.mulf %logistic3A_348, %tanh3A_352 : vector<400x32xf32>
    %slice3A_354 = vector.extract_strided_slice %reshape3A {offsets = [0, 10, 0], sizes = [400, 1, 128], strides = [1, 1, 1]} : vector<400x16x128xf32> to vector<400x1x128xf32>
    %squeeze3A_355 = vector.shape_cast %slice3A_354 : vector<400x1x128xf32> to vector<400x128xf32>
    %dot_general3A_356 = arith.constant dense<0.000000e+00> : vector<400x128xf32>
    %dot_general3A_357 = tpu.matmul %mul3A_353, %get3A_4, %dot_general3A_356 {dimension_numbers = #tpu.dot_dimension_numbers<[1], [0], [0], [1], [0, 0, 1, 1], [], []>, transpose_lhs_hint = false} : vector<400x32xf32>, vector<32x128xf32>, vector<400x128xf32> -> vector<400x128xf32>
    %add3A_358 = arith.addf %squeeze3A_355, %dot_general3A_357 : vector<400x128xf32>
    %add3A_359 = vector.broadcast %get3A_7 : vector<1x128xf32> to vector<400x128xf32>
    %add3A_360 = arith.addf %add3A_358, %add3A_359 : vector<400x128xf32>
    %slice3A_361 = vector.extract_strided_slice %add3A_360 {offsets = [0, 0], sizes = [400, 32], strides = [1, 1]} : vector<400x128xf32> to vector<400x32xf32>
    %logistic3A_362 = arith.negf %slice3A_361 : vector<400x32xf32>
    %logistic3A_363 = math.exp %logistic3A_362 : vector<400x32xf32>
    %logistic3A_364 = arith.constant 1.000000e+00 : f32
    %logistic3A_365 = vector.broadcast %logistic3A_364 : f32 to vector<400x32xf32>
    %logistic3A_366 = arith.addf %logistic3A_365, %logistic3A_363 : vector<400x32xf32>
    %logistic3A_367 = arith.divf %logistic3A_365, %logistic3A_366 : vector<400x32xf32>
    %slice3A_368 = vector.extract_strided_slice %add3A_360 {offsets = [0, 32], sizes = [400, 32], strides = [1, 1]} : vector<400x128xf32> to vector<400x32xf32>
    %logistic3A_369 = arith.negf %slice3A_368 : vector<400x32xf32>
    %logistic3A_370 = math.exp %logistic3A_369 : vector<400x32xf32>
    %logistic3A_371 = arith.constant 1.000000e+00 : f32
    %logistic3A_372 = vector.broadcast %logistic3A_371 : f32 to vector<400x32xf32>
    %logistic3A_373 = arith.addf %logistic3A_372, %logistic3A_370 : vector<400x32xf32>
    %logistic3A_374 = arith.divf %logistic3A_372, %logistic3A_373 : vector<400x32xf32>
    %slice3A_375 = vector.extract_strided_slice %add3A_360 {offsets = [0, 64], sizes = [400, 32], strides = [1, 1]} : vector<400x128xf32> to vector<400x32xf32>
    %tanh3A_376 = math.tanh %slice3A_375 : vector<400x32xf32>
    %slice3A_377 = vector.extract_strided_slice %add3A_360 {offsets = [0, 96], sizes = [400, 32], strides = [1, 1]} : vector<400x128xf32> to vector<400x32xf32>
    %logistic3A_378 = arith.negf %slice3A_377 : vector<400x32xf32>
    %logistic3A_379 = math.exp %logistic3A_378 : vector<400x32xf32>
    %logistic3A_380 = arith.constant 1.000000e+00 : f32
    %logistic3A_381 = vector.broadcast %logistic3A_380 : f32 to vector<400x32xf32>
    %logistic3A_382 = arith.addf %logistic3A_381, %logistic3A_379 : vector<400x32xf32>
    %logistic3A_383 = arith.divf %logistic3A_381, %logistic3A_382 : vector<400x32xf32>
    %mul3A_384 = arith.mulf %logistic3A_374, %add3A_351 : vector<400x32xf32>
    %mul3A_385 = arith.mulf %logistic3A_367, %tanh3A_376 : vector<400x32xf32>
    %add3A_386 = arith.addf %mul3A_384, %mul3A_385 : vector<400x32xf32>
    %tanh3A_387 = math.tanh %add3A_386 : vector<400x32xf32>
    %mul3A_388 = arith.mulf %logistic3A_383, %tanh3A_387 : vector<400x32xf32>
    %slice3A_389 = vector.extract_strided_slice %reshape3A {offsets = [0, 11, 0], sizes = [400, 1, 128], strides = [1, 1, 1]} : vector<400x16x128xf32> to vector<400x1x128xf32>
    %squeeze3A_390 = vector.shape_cast %slice3A_389 : vector<400x1x128xf32> to vector<400x128xf32>
    %dot_general3A_391 = arith.constant dense<0.000000e+00> : vector<400x128xf32>
    %dot_general3A_392 = tpu.matmul %mul3A_388, %get3A_4, %dot_general3A_391 {dimension_numbers = #tpu.dot_dimension_numbers<[1], [0], [0], [1], [0, 0, 1, 1], [], []>, transpose_lhs_hint = false} : vector<400x32xf32>, vector<32x128xf32>, vector<400x128xf32> -> vector<400x128xf32>
    %add3A_393 = arith.addf %squeeze3A_390, %dot_general3A_392 : vector<400x128xf32>
    %add3A_394 = vector.broadcast %get3A_7 : vector<1x128xf32> to vector<400x128xf32>
    %add3A_395 = arith.addf %add3A_393, %add3A_394 : vector<400x128xf32>
    %slice3A_396 = vector.extract_strided_slice %add3A_395 {offsets = [0, 0], sizes = [400, 32], strides = [1, 1]} : vector<400x128xf32> to vector<400x32xf32>
    %logistic3A_397 = arith.negf %slice3A_396 : vector<400x32xf32>
    %logistic3A_398 = math.exp %logistic3A_397 : vector<400x32xf32>
    %logistic3A_399 = arith.constant 1.000000e+00 : f32
    %logistic3A_400 = vector.broadcast %logistic3A_399 : f32 to vector<400x32xf32>
    %logistic3A_401 = arith.addf %logistic3A_400, %logistic3A_398 : vector<400x32xf32>
    %logistic3A_402 = arith.divf %logistic3A_400, %logistic3A_401 : vector<400x32xf32>
    %slice3A_403 = vector.extract_strided_slice %add3A_395 {offsets = [0, 32], sizes = [400, 32], strides = [1, 1]} : vector<400x128xf32> to vector<400x32xf32>
    %logistic3A_404 = arith.negf %slice3A_403 : vector<400x32xf32>
    %logistic3A_405 = math.exp %logistic3A_404 : vector<400x32xf32>
    %logistic3A_406 = arith.constant 1.000000e+00 : f32
    %logistic3A_407 = vector.broadcast %logistic3A_406 : f32 to vector<400x32xf32>
    %logistic3A_408 = arith.addf %logistic3A_407, %logistic3A_405 : vector<400x32xf32>
    %logistic3A_409 = arith.divf %logistic3A_407, %logistic3A_408 : vector<400x32xf32>
    %slice3A_410 = vector.extract_strided_slice %add3A_395 {offsets = [0, 64], sizes = [400, 32], strides = [1, 1]} : vector<400x128xf32> to vector<400x32xf32>
    %tanh3A_411 = math.tanh %slice3A_410 : vector<400x32xf32>
    %slice3A_412 = vector.extract_strided_slice %add3A_395 {offsets = [0, 96], sizes = [400, 32], strides = [1, 1]} : vector<400x128xf32> to vector<400x32xf32>
    %logistic3A_413 = arith.negf %slice3A_412 : vector<400x32xf32>
    %logistic3A_414 = math.exp %logistic3A_413 : vector<400x32xf32>
    %logistic3A_415 = arith.constant 1.000000e+00 : f32
    %logistic3A_416 = vector.broadcast %logistic3A_415 : f32 to vector<400x32xf32>
    %logistic3A_417 = arith.addf %logistic3A_416, %logistic3A_414 : vector<400x32xf32>
    %logistic3A_418 = arith.divf %logistic3A_416, %logistic3A_417 : vector<400x32xf32>
    %mul3A_419 = arith.mulf %logistic3A_409, %add3A_386 : vector<400x32xf32>
    %mul3A_420 = arith.mulf %logistic3A_402, %tanh3A_411 : vector<400x32xf32>
    %add3A_421 = arith.addf %mul3A_419, %mul3A_420 : vector<400x32xf32>
    %tanh3A_422 = math.tanh %add3A_421 : vector<400x32xf32>
    %mul3A_423 = arith.mulf %logistic3A_418, %tanh3A_422 : vector<400x32xf32>
    %slice3A_424 = vector.extract_strided_slice %reshape3A {offsets = [0, 12, 0], sizes = [400, 1, 128], strides = [1, 1, 1]} : vector<400x16x128xf32> to vector<400x1x128xf32>
    %squeeze3A_425 = vector.shape_cast %slice3A_424 : vector<400x1x128xf32> to vector<400x128xf32>
    %dot_general3A_426 = arith.constant dense<0.000000e+00> : vector<400x128xf32>
    %dot_general3A_427 = tpu.matmul %mul3A_423, %get3A_4, %dot_general3A_426 {dimension_numbers = #tpu.dot_dimension_numbers<[1], [0], [0], [1], [0, 0, 1, 1], [], []>, transpose_lhs_hint = false} : vector<400x32xf32>, vector<32x128xf32>, vector<400x128xf32> -> vector<400x128xf32>
    %add3A_428 = arith.addf %squeeze3A_425, %dot_general3A_427 : vector<400x128xf32>
    %add3A_429 = vector.broadcast %get3A_7 : vector<1x128xf32> to vector<400x128xf32>
    %add3A_430 = arith.addf %add3A_428, %add3A_429 : vector<400x128xf32>
    %slice3A_431 = vector.extract_strided_slice %add3A_430 {offsets = [0, 0], sizes = [400, 32], strides = [1, 1]} : vector<400x128xf32> to vector<400x32xf32>
    %logistic3A_432 = arith.negf %slice3A_431 : vector<400x32xf32>
    %logistic3A_433 = math.exp %logistic3A_432 : vector<400x32xf32>
    %logistic3A_434 = arith.constant 1.000000e+00 : f32
    %logistic3A_435 = vector.broadcast %logistic3A_434 : f32 to vector<400x32xf32>
    %logistic3A_436 = arith.addf %logistic3A_435, %logistic3A_433 : vector<400x32xf32>
    %logistic3A_437 = arith.divf %logistic3A_435, %logistic3A_436 : vector<400x32xf32>
    %slice3A_438 = vector.extract_strided_slice %add3A_430 {offsets = [0, 32], sizes = [400, 32], strides = [1, 1]} : vector<400x128xf32> to vector<400x32xf32>
    %logistic3A_439 = arith.negf %slice3A_438 : vector<400x32xf32>
    %logistic3A_440 = math.exp %logistic3A_439 : vector<400x32xf32>
    %logistic3A_441 = arith.constant 1.000000e+00 : f32
    %logistic3A_442 = vector.broadcast %logistic3A_441 : f32 to vector<400x32xf32>
    %logistic3A_443 = arith.addf %logistic3A_442, %logistic3A_440 : vector<400x32xf32>
    %logistic3A_444 = arith.divf %logistic3A_442, %logistic3A_443 : vector<400x32xf32>
    %slice3A_445 = vector.extract_strided_slice %add3A_430 {offsets = [0, 64], sizes = [400, 32], strides = [1, 1]} : vector<400x128xf32> to vector<400x32xf32>
    %tanh3A_446 = math.tanh %slice3A_445 : vector<400x32xf32>
    %slice3A_447 = vector.extract_strided_slice %add3A_430 {offsets = [0, 96], sizes = [400, 32], strides = [1, 1]} : vector<400x128xf32> to vector<400x32xf32>
    %logistic3A_448 = arith.negf %slice3A_447 : vector<400x32xf32>
    %logistic3A_449 = math.exp %logistic3A_448 : vector<400x32xf32>
    %logistic3A_450 = arith.constant 1.000000e+00 : f32
    %logistic3A_451 = vector.broadcast %logistic3A_450 : f32 to vector<400x32xf32>
    %logistic3A_452 = arith.addf %logistic3A_451, %logistic3A_449 : vector<400x32xf32>
    %logistic3A_453 = arith.divf %logistic3A_451, %logistic3A_452 : vector<400x32xf32>
    %mul3A_454 = arith.mulf %logistic3A_444, %add3A_421 : vector<400x32xf32>
    %mul3A_455 = arith.mulf %logistic3A_437, %tanh3A_446 : vector<400x32xf32>
    %add3A_456 = arith.addf %mul3A_454, %mul3A_455 : vector<400x32xf32>
    %tanh3A_457 = math.tanh %add3A_456 : vector<400x32xf32>
    %mul3A_458 = arith.mulf %logistic3A_453, %tanh3A_457 : vector<400x32xf32>
    %slice3A_459 = vector.extract_strided_slice %reshape3A {offsets = [0, 13, 0], sizes = [400, 1, 128], strides = [1, 1, 1]} : vector<400x16x128xf32> to vector<400x1x128xf32>
    %squeeze3A_460 = vector.shape_cast %slice3A_459 : vector<400x1x128xf32> to vector<400x128xf32>
    %dot_general3A_461 = arith.constant dense<0.000000e+00> : vector<400x128xf32>
    %dot_general3A_462 = tpu.matmul %mul3A_458, %get3A_4, %dot_general3A_461 {dimension_numbers = #tpu.dot_dimension_numbers<[1], [0], [0], [1], [0, 0, 1, 1], [], []>, transpose_lhs_hint = false} : vector<400x32xf32>, vector<32x128xf32>, vector<400x128xf32> -> vector<400x128xf32>
    %add3A_463 = arith.addf %squeeze3A_460, %dot_general3A_462 : vector<400x128xf32>
    %add3A_464 = vector.broadcast %get3A_7 : vector<1x128xf32> to vector<400x128xf32>
    %add3A_465 = arith.addf %add3A_463, %add3A_464 : vector<400x128xf32>
    %slice3A_466 = vector.extract_strided_slice %add3A_465 {offsets = [0, 0], sizes = [400, 32], strides = [1, 1]} : vector<400x128xf32> to vector<400x32xf32>
    %logistic3A_467 = arith.negf %slice3A_466 : vector<400x32xf32>
    %logistic3A_468 = math.exp %logistic3A_467 : vector<400x32xf32>
    %logistic3A_469 = arith.constant 1.000000e+00 : f32
    %logistic3A_470 = vector.broadcast %logistic3A_469 : f32 to vector<400x32xf32>
    %logistic3A_471 = arith.addf %logistic3A_470, %logistic3A_468 : vector<400x32xf32>
    %logistic3A_472 = arith.divf %logistic3A_470, %logistic3A_471 : vector<400x32xf32>
    %slice3A_473 = vector.extract_strided_slice %add3A_465 {offsets = [0, 32], sizes = [400, 32], strides = [1, 1]} : vector<400x128xf32> to vector<400x32xf32>
    %logistic3A_474 = arith.negf %slice3A_473 : vector<400x32xf32>
    %logistic3A_475 = math.exp %logistic3A_474 : vector<400x32xf32>
    %logistic3A_476 = arith.constant 1.000000e+00 : f32
    %logistic3A_477 = vector.broadcast %logistic3A_476 : f32 to vector<400x32xf32>
    %logistic3A_478 = arith.addf %logistic3A_477, %logistic3A_475 : vector<400x32xf32>
    %logistic3A_479 = arith.divf %logistic3A_477, %logistic3A_478 : vector<400x32xf32>
    %slice3A_480 = vector.extract_strided_slice %add3A_465 {offsets = [0, 64], sizes = [400, 32], strides = [1, 1]} : vector<400x128xf32> to vector<400x32xf32>
    %tanh3A_481 = math.tanh %slice3A_480 : vector<400x32xf32>
    %slice3A_482 = vector.extract_strided_slice %add3A_465 {offsets = [0, 96], sizes = [400, 32], strides = [1, 1]} : vector<400x128xf32> to vector<400x32xf32>
    %logistic3A_483 = arith.negf %slice3A_482 : vector<400x32xf32>
    %logistic3A_484 = math.exp %logistic3A_483 : vector<400x32xf32>
    %logistic3A_485 = arith.constant 1.000000e+00 : f32
    %logistic3A_486 = vector.broadcast %logistic3A_485 : f32 to vector<400x32xf32>
    %logistic3A_487 = arith.addf %logistic3A_486, %logistic3A_484 : vector<400x32xf32>
    %logistic3A_488 = arith.divf %logistic3A_486, %logistic3A_487 : vector<400x32xf32>
    %mul3A_489 = arith.mulf %logistic3A_479, %add3A_456 : vector<400x32xf32>
    %mul3A_490 = arith.mulf %logistic3A_472, %tanh3A_481 : vector<400x32xf32>
    %add3A_491 = arith.addf %mul3A_489, %mul3A_490 : vector<400x32xf32>
    %tanh3A_492 = math.tanh %add3A_491 : vector<400x32xf32>
    %mul3A_493 = arith.mulf %logistic3A_488, %tanh3A_492 : vector<400x32xf32>
    %slice3A_494 = vector.extract_strided_slice %reshape3A {offsets = [0, 14, 0], sizes = [400, 1, 128], strides = [1, 1, 1]} : vector<400x16x128xf32> to vector<400x1x128xf32>
    %squeeze3A_495 = vector.shape_cast %slice3A_494 : vector<400x1x128xf32> to vector<400x128xf32>
    %dot_general3A_496 = arith.constant dense<0.000000e+00> : vector<400x128xf32>
    %dot_general3A_497 = tpu.matmul %mul3A_493, %get3A_4, %dot_general3A_496 {dimension_numbers = #tpu.dot_dimension_numbers<[1], [0], [0], [1], [0, 0, 1, 1], [], []>, transpose_lhs_hint = false} : vector<400x32xf32>, vector<32x128xf32>, vector<400x128xf32> -> vector<400x128xf32>
    %add3A_498 = arith.addf %squeeze3A_495, %dot_general3A_497 : vector<400x128xf32>
    %add3A_499 = vector.broadcast %get3A_7 : vector<1x128xf32> to vector<400x128xf32>
    %add3A_500 = arith.addf %add3A_498, %add3A_499 : vector<400x128xf32>
    %slice3A_501 = vector.extract_strided_slice %add3A_500 {offsets = [0, 0], sizes = [400, 32], strides = [1, 1]} : vector<400x128xf32> to vector<400x32xf32>
    %logistic3A_502 = arith.negf %slice3A_501 : vector<400x32xf32>
    %logistic3A_503 = math.exp %logistic3A_502 : vector<400x32xf32>
    %logistic3A_504 = arith.constant 1.000000e+00 : f32
    %logistic3A_505 = vector.broadcast %logistic3A_504 : f32 to vector<400x32xf32>
    %logistic3A_506 = arith.addf %logistic3A_505, %logistic3A_503 : vector<400x32xf32>
    %logistic3A_507 = arith.divf %logistic3A_505, %logistic3A_506 : vector<400x32xf32>
    %slice3A_508 = vector.extract_strided_slice %add3A_500 {offsets = [0, 32], sizes = [400, 32], strides = [1, 1]} : vector<400x128xf32> to vector<400x32xf32>
    %logistic3A_509 = arith.negf %slice3A_508 : vector<400x32xf32>
    %logistic3A_510 = math.exp %logistic3A_509 : vector<400x32xf32>
    %logistic3A_511 = arith.constant 1.000000e+00 : f32
    %logistic3A_512 = vector.broadcast %logistic3A_511 : f32 to vector<400x32xf32>
    %logistic3A_513 = arith.addf %logistic3A_512, %logistic3A_510 : vector<400x32xf32>
    %logistic3A_514 = arith.divf %logistic3A_512, %logistic3A_513 : vector<400x32xf32>
    %slice3A_515 = vector.extract_strided_slice %add3A_500 {offsets = [0, 64], sizes = [400, 32], strides = [1, 1]} : vector<400x128xf32> to vector<400x32xf32>
    %tanh3A_516 = math.tanh %slice3A_515 : vector<400x32xf32>
    %slice3A_517 = vector.extract_strided_slice %add3A_500 {offsets = [0, 96], sizes = [400, 32], strides = [1, 1]} : vector<400x128xf32> to vector<400x32xf32>
    %logistic3A_518 = arith.negf %slice3A_517 : vector<400x32xf32>
    %logistic3A_519 = math.exp %logistic3A_518 : vector<400x32xf32>
    %logistic3A_520 = arith.constant 1.000000e+00 : f32
    %logistic3A_521 = vector.broadcast %logistic3A_520 : f32 to vector<400x32xf32>
    %logistic3A_522 = arith.addf %logistic3A_521, %logistic3A_519 : vector<400x32xf32>
    %logistic3A_523 = arith.divf %logistic3A_521, %logistic3A_522 : vector<400x32xf32>
    %mul3A_524 = arith.mulf %logistic3A_514, %add3A_491 : vector<400x32xf32>
    %mul3A_525 = arith.mulf %logistic3A_507, %tanh3A_516 : vector<400x32xf32>
    %add3A_526 = arith.addf %mul3A_524, %mul3A_525 : vector<400x32xf32>
    %tanh3A_527 = math.tanh %add3A_526 : vector<400x32xf32>
    %mul3A_528 = arith.mulf %logistic3A_523, %tanh3A_527 : vector<400x32xf32>
    %slice3A_529 = vector.extract_strided_slice %reshape3A {offsets = [0, 15, 0], sizes = [400, 1, 128], strides = [1, 1, 1]} : vector<400x16x128xf32> to vector<400x1x128xf32>
    %squeeze3A_530 = vector.shape_cast %slice3A_529 : vector<400x1x128xf32> to vector<400x128xf32>
    %dot_general3A_531 = arith.constant dense<0.000000e+00> : vector<400x128xf32>
    %dot_general3A_532 = tpu.matmul %mul3A_528, %get3A_4, %dot_general3A_531 {dimension_numbers = #tpu.dot_dimension_numbers<[1], [0], [0], [1], [0, 0, 1, 1], [], []>, transpose_lhs_hint = false} : vector<400x32xf32>, vector<32x128xf32>, vector<400x128xf32> -> vector<400x128xf32>
    %add3A_533 = arith.addf %squeeze3A_530, %dot_general3A_532 : vector<400x128xf32>
    %add3A_534 = vector.broadcast %get3A_7 : vector<1x128xf32> to vector<400x128xf32>
    %add3A_535 = arith.addf %add3A_533, %add3A_534 : vector<400x128xf32>
    %slice3A_536 = vector.extract_strided_slice %add3A_535 {offsets = [0, 0], sizes = [400, 32], strides = [1, 1]} : vector<400x128xf32> to vector<400x32xf32>
    %logistic3A_537 = arith.negf %slice3A_536 : vector<400x32xf32>
    %logistic3A_538 = math.exp %logistic3A_537 : vector<400x32xf32>
    %logistic3A_539 = arith.constant 1.000000e+00 : f32
    %logistic3A_540 = vector.broadcast %logistic3A_539 : f32 to vector<400x32xf32>
    %logistic3A_541 = arith.addf %logistic3A_540, %logistic3A_538 : vector<400x32xf32>
    %logistic3A_542 = arith.divf %logistic3A_540, %logistic3A_541 : vector<400x32xf32>
    %slice3A_543 = vector.extract_strided_slice %add3A_535 {offsets = [0, 32], sizes = [400, 32], strides = [1, 1]} : vector<400x128xf32> to vector<400x32xf32>
    %logistic3A_544 = arith.negf %slice3A_543 : vector<400x32xf32>
    %logistic3A_545 = math.exp %logistic3A_544 : vector<400x32xf32>
    %logistic3A_546 = arith.constant 1.000000e+00 : f32
    %logistic3A_547 = vector.broadcast %logistic3A_546 : f32 to vector<400x32xf32>
    %logistic3A_548 = arith.addf %logistic3A_547, %logistic3A_545 : vector<400x32xf32>
    %logistic3A_549 = arith.divf %logistic3A_547, %logistic3A_548 : vector<400x32xf32>
    %slice3A_550 = vector.extract_strided_slice %add3A_535 {offsets = [0, 64], sizes = [400, 32], strides = [1, 1]} : vector<400x128xf32> to vector<400x32xf32>
    %tanh3A_551 = math.tanh %slice3A_550 : vector<400x32xf32>
    %slice3A_552 = vector.extract_strided_slice %add3A_535 {offsets = [0, 96], sizes = [400, 32], strides = [1, 1]} : vector<400x128xf32> to vector<400x32xf32>
    %logistic3A_553 = arith.negf %slice3A_552 : vector<400x32xf32>
    %logistic3A_554 = math.exp %logistic3A_553 : vector<400x32xf32>
    %logistic3A_555 = arith.constant 1.000000e+00 : f32
    %logistic3A_556 = vector.broadcast %logistic3A_555 : f32 to vector<400x32xf32>
    %logistic3A_557 = arith.addf %logistic3A_556, %logistic3A_554 : vector<400x32xf32>
    %logistic3A_558 = arith.divf %logistic3A_556, %logistic3A_557 : vector<400x32xf32>
    %mul3A_559 = arith.mulf %logistic3A_549, %add3A_526 : vector<400x32xf32>
    %mul3A_560 = arith.mulf %logistic3A_542, %tanh3A_551 : vector<400x32xf32>
    %add3A_561 = arith.addf %mul3A_559, %mul3A_560 : vector<400x32xf32>
    %tanh3A_562 = math.tanh %add3A_561 : vector<400x32xf32>
    %mul3A_563 = arith.mulf %logistic3A_558, %tanh3A_562 : vector<400x32xf32>
    %get3A_564 = arith.constant 0 : index
    %get3A_565 = arith.constant 0 : index
    %get3A_566 = vector.load %arg2[%get3A_564, %get3A_565] : memref<400x32xf32, #tpu.memory_space<vmem>>, vector<400x32xf32>
    %get3A_567 = arith.constant 0 : index
    %get3A_568 = arith.constant 0 : index
    %get3A_569 = vector.load %arg5[%get3A_567, %get3A_568] : memref<32x32xf32, #tpu.memory_space<vmem>>, vector<32x32xf32>
    %dot_general3A_570 = arith.constant dense<0.000000e+00> : vector<400x32xf32>
    %dot_general3A_571 = tpu.matmul %get3A_566, %get3A_569, %dot_general3A_570 {dimension_numbers = #tpu.dot_dimension_numbers<[1], [0], [0], [1], [0, 0, 1, 1], [], []>, transpose_lhs_hint = false} : vector<400x32xf32>, vector<32x32xf32>, vector<400x32xf32> -> vector<400x32xf32>
    %get3A_572 = arith.constant 0 : index
    %get3A_573 = arith.constant 0 : index
    %get3A_574 = vector.load %arg6[%get3A_572, %get3A_573] : memref<1x32xf32, #tpu.memory_space<vmem>>, vector<1x32xf32>
    %add3A_575 = vector.broadcast %get3A_574 : vector<1x32xf32> to vector<400x32xf32>
    %add3A_576 = arith.addf %dot_general3A_571, %add3A_575 : vector<400x32xf32>
    %get3A_577 = arith.constant 0 : index
    %get3A_578 = arith.constant 0 : index
    %get3A_579 = vector.load %arg7[%get3A_577, %get3A_578] : memref<32x32xf32, #tpu.memory_space<vmem>>, vector<32x32xf32>
    %dot_general3A_580 = arith.constant dense<0.000000e+00> : vector<400x32xf32>
    %dot_general3A_581 = tpu.matmul %mul3A_563, %get3A_579, %dot_general3A_580 {dimension_numbers = #tpu.dot_dimension_numbers<[1], [0], [0], [1], [0, 0, 1, 1], [], []>, transpose_lhs_hint = false} : vector<400x32xf32>, vector<32x32xf32>, vector<400x32xf32> -> vector<400x32xf32>
    %add3A_582 = arith.addf %add3A_576, %dot_general3A_581 : vector<400x32xf32>
    %max3A = arith.constant 0.000000e+00 : f32
    %max3A_583 = vector.broadcast %max3A : f32 to vector<400x32xf32>
    %max3A_584 = arith.maximumf %add3A_582, %max3A_583 : vector<400x32xf32>
    %broadcast_in_dim3A_585 = arith.constant 0.000000e+00 : f32
    %broadcast_in_dim3A_586 = vector.broadcast %broadcast_in_dim3A_585 : f32 to vector<400x96xf32>
    %concatenate3A = tpu.concatenate %max3A_584, %broadcast_in_dim3A_586 in 1 : vector<400x32xf32>, vector<400x96xf32> -> vector<400x128xf32>
    %swap3A = arith.constant 0 : index
    %swap3A_587 = arith.constant 0 : index
    %swap3A_588 = vector.load %arg8[%swap3A, %swap3A_587] : memref<400x128xf32, #tpu.memory_space<vmem>>, vector<400x128xf32>
    tpu.vector_store %arg8[%swap3A, %swap3A_587], %concatenate3A {strides = array<i32>} : memref<400x128xf32, #tpu.memory_space<vmem>>, vector<400x128xf32>,
    return
  }
  func.func @transform_0(%arg0: i32) -> (i32, i32) {
    %c0_i32 = arith.constant 0 : i32
    %c0_i32_0 = arith.constant 0 : i32
    return %arg0, %c0_i32 : i32, i32
  }
  func.func @transform_1(%arg0: i32) -> (i32, i32) {
    %c0_i32 = arith.constant 0 : i32
    %c0_i32_0 = arith.constant 0 : i32
    return %arg0, %c0_i32 : i32, i32
  }
  func.func @transform_2(%arg0: i32) -> (i32, i32) {
    %c0_i32 = arith.constant 0 : i32
    %c0_i32_0 = arith.constant 0 : i32
    %c0_i32_1 = arith.constant 0 : i32
    return %c0_i32, %c0_i32_0 : i32, i32
  }
  func.func @transform_3(%arg0: i32) -> (i32, i32) {
    %c0_i32 = arith.constant 0 : i32
    %c0_i32_0 = arith.constant 0 : i32
    %c0_i32_1 = arith.constant 0 : i32
    return %c0_i32, %c0_i32_0 : i32, i32
  }
  func.func @transform_4(%arg0: i32) -> (i32, i32) {
    %c0_i32 = arith.constant 0 : i32
    %c0_i32_0 = arith.constant 0 : i32
    %c0_i32_1 = arith.constant 0 : i32
    return %c0_i32, %c0_i32_0 : i32, i32
  }
  func.func @transform_5(%arg0: i32) -> (i32, i32) {
    %c0_i32 = arith.constant 0 : i32
    %c0_i32_0 = arith.constant 0 : i32
    %c0_i32_1 = arith.constant 0 : i32
    return %c0_i32, %c0_i32_0 : i32, i32
  }
  func.func @transform_6(%arg0: i32) -> (i32, i32) {
    %c0_i32 = arith.constant 0 : i32
    %c0_i32_0 = arith.constant 0 : i32
    %c0_i32_1 = arith.constant 0 : i32
    return %c0_i32, %c0_i32_0 : i32, i32
  }
  func.func @transform_7(%arg0: i32) -> (i32, i32) {
    %c0_i32 = arith.constant 0 : i32
    %c0_i32_0 = arith.constant 0 : i32
    return %arg0, %c0_i32 : i32, i32
  }
}

module attributes {stable_mosaic.version = 14 : i64} {
  func.func @_conv1_body(%arg0: i32, %arg1: memref<6400x256xf32, #tpu.memory_space<vmem>>, %arg2: memref<400x256xf32, #tpu.memory_space<vmem>>, %arg3: memref<256x1024xf32, #tpu.memory_space<vmem>>, %arg4: memref<256x1024xf32, #tpu.memory_space<vmem>>, %arg5: memref<1x1024xf32, #tpu.memory_space<vmem>>, %arg6: memref<256x32xf32, #tpu.memory_space<vmem>>, %arg7: memref<1x32xf32, #tpu.memory_space<vmem>>, %arg8: memref<256x32xf32, #tpu.memory_space<vmem>>, %arg9: memref<32x128xf32, #tpu.memory_space<vmem>>, %arg10: memref<400x32xf32, #tpu.memory_space<vmem>>, %arg11: memref<400x128xf32, #tpu.memory_space<vmem>>) attributes {dimension_semantics = [#tpu.dimension_semantics<arbitrary>], iteration_bounds = array<i64: 25>, scalar_prefetch = 0 : i64, scratch_operands = 0 : i64, tpu.core_type = #tpu.core_type<tc>, window_params = [{transform_indices = @transform_0, window_bounds = array<i64: 6400, 256>}, {transform_indices = @transform_1, window_bounds = array<i64: 400, 256>}, {pipeline_mode = #tpu.pipeline_mode<synchronous>, transform_indices = @transform_2, window_bounds = array<i64: 256, 1024>}, {pipeline_mode = #tpu.pipeline_mode<synchronous>, transform_indices = @transform_3, window_bounds = array<i64: 256, 1024>}, {pipeline_mode = #tpu.pipeline_mode<synchronous>, transform_indices = @transform_4, window_bounds = array<i64: 1, 1024>}, {pipeline_mode = #tpu.pipeline_mode<synchronous>, transform_indices = @transform_5, window_bounds = array<i64: 256, 32>}, {pipeline_mode = #tpu.pipeline_mode<synchronous>, transform_indices = @transform_6, window_bounds = array<i64: 1, 32>}, {pipeline_mode = #tpu.pipeline_mode<synchronous>, transform_indices = @transform_7, window_bounds = array<i64: 256, 32>}, {pipeline_mode = #tpu.pipeline_mode<synchronous>, transform_indices = @transform_8, window_bounds = array<i64: 32, 128>}, {transform_indices = @transform_9, window_bounds = array<i64: 400, 32>}, {transform_indices = @transform_10, window_bounds = array<i64: 400, 128>}]} {
    %get3A = arith.constant 0 : index
    %get3A_0 = arith.constant 0 : index
    %get3A_1 = vector.load %arg1[%get3A, %get3A_0] : memref<6400x256xf32, #tpu.memory_space<vmem>>, vector<6400x256xf32>
    %reshape3A = vector.shape_cast %get3A_1 : vector<6400x256xf32> to vector<400x16x256xf32>
    %get3A_2 = arith.constant 0 : index
    %get3A_3 = arith.constant 0 : index
    %get3A_4 = vector.load %arg3[%get3A_2, %get3A_3] : memref<256x1024xf32, #tpu.memory_space<vmem>>, vector<256x1024xf32>
    %get3A_5 = arith.constant 0 : index
    %get3A_6 = arith.constant 0 : index
    %get3A_7 = vector.load %arg4[%get3A_5, %get3A_6] : memref<256x1024xf32, #tpu.memory_space<vmem>>, vector<256x1024xf32>
    %get3A_8 = arith.constant 0 : index
    %get3A_9 = arith.constant 0 : index
    %get3A_10 = vector.load %arg5[%get3A_8, %get3A_9] : memref<1x1024xf32, #tpu.memory_space<vmem>>, vector<1x1024xf32>
    %broadcast_in_dim3A = arith.constant 0.000000e+00 : f32
    %broadcast_in_dim3A_11 = vector.broadcast %broadcast_in_dim3A : f32 to vector<400x256xf32>
    %broadcast_in_dim3A_12 = arith.constant 0.000000e+00 : f32
    %broadcast_in_dim3A_13 = vector.broadcast %broadcast_in_dim3A_12 : f32 to vector<400x256xf32>
    %slice3A = vector.extract_strided_slice %reshape3A {offsets = [0, 0, 0], sizes = [400, 1, 256], strides = [1, 1, 1]} : vector<400x16x256xf32> to vector<400x1x256xf32>
    %squeeze3A = vector.shape_cast %slice3A : vector<400x1x256xf32> to vector<400x256xf32>
    %dot_general3A = arith.constant dense<0.000000e+00> : vector<400x1024xf32>
    %dot_general3A_14 = tpu.matmul %squeeze3A, %get3A_4, %dot_general3A {dimension_numbers = #tpu.dot_dimension_numbers<[1], [0], [0], [1], [0, 0, 1, 1], [], []>, transpose_lhs_hint = false} : vector<400x256xf32>, vector<256x1024xf32>, vector<400x1024xf32> -> vector<400x1024xf32>
    %dot_general3A_15 = arith.constant dense<0.000000e+00> : vector<400x1024xf32>
    %dot_general3A_16 = tpu.matmul %broadcast_in_dim3A_11, %get3A_7, %dot_general3A_15 {dimension_numbers = #tpu.dot_dimension_numbers<[1], [0], [0], [1], [0, 0, 1, 1], [], []>, transpose_lhs_hint = false} : vector<400x256xf32>, vector<256x1024xf32>, vector<400x1024xf32> -> vector<400x1024xf32>
    %add3A = arith.addf %dot_general3A_14, %dot_general3A_16 : vector<400x1024xf32>
    %add3A_17 = vector.broadcast %get3A_10 : vector<1x1024xf32> to vector<400x1024xf32>
    %add3A_18 = arith.addf %add3A, %add3A_17 : vector<400x1024xf32>
    %slice3A_19 = vector.extract_strided_slice %add3A_18 {offsets = [0, 0], sizes = [400, 256], strides = [1, 1]} : vector<400x1024xf32> to vector<400x256xf32>
    %logistic3A = arith.negf %slice3A_19 : vector<400x256xf32>
    %logistic3A_20 = math.exp %logistic3A : vector<400x256xf32>
    %logistic3A_21 = arith.constant 1.000000e+00 : f32
    %logistic3A_22 = vector.broadcast %logistic3A_21 : f32 to vector<400x256xf32>
    %logistic3A_23 = arith.addf %logistic3A_22, %logistic3A_20 : vector<400x256xf32>
    %logistic3A_24 = arith.divf %logistic3A_22, %logistic3A_23 : vector<400x256xf32>
    %slice3A_25 = vector.extract_strided_slice %add3A_18 {offsets = [0, 256], sizes = [400, 256], strides = [1, 1]} : vector<400x1024xf32> to vector<400x256xf32>
    %logistic3A_26 = arith.negf %slice3A_25 : vector<400x256xf32>
    %logistic3A_27 = math.exp %logistic3A_26 : vector<400x256xf32>
    %logistic3A_28 = arith.constant 1.000000e+00 : f32
    %logistic3A_29 = vector.broadcast %logistic3A_28 : f32 to vector<400x256xf32>
    %logistic3A_30 = arith.addf %logistic3A_29, %logistic3A_27 : vector<400x256xf32>
    %logistic3A_31 = arith.divf %logistic3A_29, %logistic3A_30 : vector<400x256xf32>
    %slice3A_32 = vector.extract_strided_slice %add3A_18 {offsets = [0, 512], sizes = [400, 256], strides = [1, 1]} : vector<400x1024xf32> to vector<400x256xf32>
    %tanh3A = math.tanh %slice3A_32 : vector<400x256xf32>
    %slice3A_33 = vector.extract_strided_slice %add3A_18 {offsets = [0, 768], sizes = [400, 256], strides = [1, 1]} : vector<400x1024xf32> to vector<400x256xf32>
    %logistic3A_34 = arith.negf %slice3A_33 : vector<400x256xf32>
    %logistic3A_35 = math.exp %logistic3A_34 : vector<400x256xf32>
    %logistic3A_36 = arith.constant 1.000000e+00 : f32
    %logistic3A_37 = vector.broadcast %logistic3A_36 : f32 to vector<400x256xf32>
    %logistic3A_38 = arith.addf %logistic3A_37, %logistic3A_35 : vector<400x256xf32>
    %logistic3A_39 = arith.divf %logistic3A_37, %logistic3A_38 : vector<400x256xf32>
    %mul3A = arith.mulf %logistic3A_31, %broadcast_in_dim3A_13 : vector<400x256xf32>
    %mul3A_40 = arith.mulf %logistic3A_24, %tanh3A : vector<400x256xf32>
    %add3A_41 = arith.addf %mul3A, %mul3A_40 : vector<400x256xf32>
    %tanh3A_42 = math.tanh %add3A_41 : vector<400x256xf32>
    %mul3A_43 = arith.mulf %logistic3A_39, %tanh3A_42 : vector<400x256xf32>
    %slice3A_44 = vector.extract_strided_slice %reshape3A {offsets = [0, 1, 0], sizes = [400, 1, 256], strides = [1, 1, 1]} : vector<400x16x256xf32> to vector<400x1x256xf32>
    %squeeze3A_45 = vector.shape_cast %slice3A_44 : vector<400x1x256xf32> to vector<400x256xf32>
    %dot_general3A_46 = arith.constant dense<0.000000e+00> : vector<400x1024xf32>
    %dot_general3A_47 = tpu.matmul %squeeze3A_45, %get3A_4, %dot_general3A_46 {dimension_numbers = #tpu.dot_dimension_numbers<[1], [0], [0], [1], [0, 0, 1, 1], [], []>, transpose_lhs_hint = false} : vector<400x256xf32>, vector<256x1024xf32>, vector<400x1024xf32> -> vector<400x1024xf32>
    %dot_general3A_48 = arith.constant dense<0.000000e+00> : vector<400x1024xf32>
    %dot_general3A_49 = tpu.matmul %mul3A_43, %get3A_7, %dot_general3A_48 {dimension_numbers = #tpu.dot_dimension_numbers<[1], [0], [0], [1], [0, 0, 1, 1], [], []>, transpose_lhs_hint = false} : vector<400x256xf32>, vector<256x1024xf32>, vector<400x1024xf32> -> vector<400x1024xf32>
    %add3A_50 = arith.addf %dot_general3A_47, %dot_general3A_49 : vector<400x1024xf32>
    %add3A_51 = vector.broadcast %get3A_10 : vector<1x1024xf32> to vector<400x1024xf32>
    %add3A_52 = arith.addf %add3A_50, %add3A_51 : vector<400x1024xf32>
    %slice3A_53 = vector.extract_strided_slice %add3A_52 {offsets = [0, 0], sizes = [400, 256], strides = [1, 1]} : vector<400x1024xf32> to vector<400x256xf32>
    %logistic3A_54 = arith.negf %slice3A_53 : vector<400x256xf32>
    %logistic3A_55 = math.exp %logistic3A_54 : vector<400x256xf32>
    %logistic3A_56 = arith.constant 1.000000e+00 : f32
    %logistic3A_57 = vector.broadcast %logistic3A_56 : f32 to vector<400x256xf32>
    %logistic3A_58 = arith.addf %logistic3A_57, %logistic3A_55 : vector<400x256xf32>
    %logistic3A_59 = arith.divf %logistic3A_57, %logistic3A_58 : vector<400x256xf32>
    %slice3A_60 = vector.extract_strided_slice %add3A_52 {offsets = [0, 256], sizes = [400, 256], strides = [1, 1]} : vector<400x1024xf32> to vector<400x256xf32>
    %logistic3A_61 = arith.negf %slice3A_60 : vector<400x256xf32>
    %logistic3A_62 = math.exp %logistic3A_61 : vector<400x256xf32>
    %logistic3A_63 = arith.constant 1.000000e+00 : f32
    %logistic3A_64 = vector.broadcast %logistic3A_63 : f32 to vector<400x256xf32>
    %logistic3A_65 = arith.addf %logistic3A_64, %logistic3A_62 : vector<400x256xf32>
    %logistic3A_66 = arith.divf %logistic3A_64, %logistic3A_65 : vector<400x256xf32>
    %slice3A_67 = vector.extract_strided_slice %add3A_52 {offsets = [0, 512], sizes = [400, 256], strides = [1, 1]} : vector<400x1024xf32> to vector<400x256xf32>
    %tanh3A_68 = math.tanh %slice3A_67 : vector<400x256xf32>
    %slice3A_69 = vector.extract_strided_slice %add3A_52 {offsets = [0, 768], sizes = [400, 256], strides = [1, 1]} : vector<400x1024xf32> to vector<400x256xf32>
    %logistic3A_70 = arith.negf %slice3A_69 : vector<400x256xf32>
    %logistic3A_71 = math.exp %logistic3A_70 : vector<400x256xf32>
    %logistic3A_72 = arith.constant 1.000000e+00 : f32
    %logistic3A_73 = vector.broadcast %logistic3A_72 : f32 to vector<400x256xf32>
    %logistic3A_74 = arith.addf %logistic3A_73, %logistic3A_71 : vector<400x256xf32>
    %logistic3A_75 = arith.divf %logistic3A_73, %logistic3A_74 : vector<400x256xf32>
    %mul3A_76 = arith.mulf %logistic3A_66, %add3A_41 : vector<400x256xf32>
    %mul3A_77 = arith.mulf %logistic3A_59, %tanh3A_68 : vector<400x256xf32>
    %add3A_78 = arith.addf %mul3A_76, %mul3A_77 : vector<400x256xf32>
    %tanh3A_79 = math.tanh %add3A_78 : vector<400x256xf32>
    %mul3A_80 = arith.mulf %logistic3A_75, %tanh3A_79 : vector<400x256xf32>
    %slice3A_81 = vector.extract_strided_slice %reshape3A {offsets = [0, 2, 0], sizes = [400, 1, 256], strides = [1, 1, 1]} : vector<400x16x256xf32> to vector<400x1x256xf32>
    %squeeze3A_82 = vector.shape_cast %slice3A_81 : vector<400x1x256xf32> to vector<400x256xf32>
    %dot_general3A_83 = arith.constant dense<0.000000e+00> : vector<400x1024xf32>
    %dot_general3A_84 = tpu.matmul %squeeze3A_82, %get3A_4, %dot_general3A_83 {dimension_numbers = #tpu.dot_dimension_numbers<[1], [0], [0], [1], [0, 0, 1, 1], [], []>, transpose_lhs_hint = false} : vector<400x256xf32>, vector<256x1024xf32>, vector<400x1024xf32> -> vector<400x1024xf32>
    %dot_general3A_85 = arith.constant dense<0.000000e+00> : vector<400x1024xf32>
    %dot_general3A_86 = tpu.matmul %mul3A_80, %get3A_7, %dot_general3A_85 {dimension_numbers = #tpu.dot_dimension_numbers<[1], [0], [0], [1], [0, 0, 1, 1], [], []>, transpose_lhs_hint = false} : vector<400x256xf32>, vector<256x1024xf32>, vector<400x1024xf32> -> vector<400x1024xf32>
    %add3A_87 = arith.addf %dot_general3A_84, %dot_general3A_86 : vector<400x1024xf32>
    %add3A_88 = vector.broadcast %get3A_10 : vector<1x1024xf32> to vector<400x1024xf32>
    %add3A_89 = arith.addf %add3A_87, %add3A_88 : vector<400x1024xf32>
    %slice3A_90 = vector.extract_strided_slice %add3A_89 {offsets = [0, 0], sizes = [400, 256], strides = [1, 1]} : vector<400x1024xf32> to vector<400x256xf32>
    %logistic3A_91 = arith.negf %slice3A_90 : vector<400x256xf32>
    %logistic3A_92 = math.exp %logistic3A_91 : vector<400x256xf32>
    %logistic3A_93 = arith.constant 1.000000e+00 : f32
    %logistic3A_94 = vector.broadcast %logistic3A_93 : f32 to vector<400x256xf32>
    %logistic3A_95 = arith.addf %logistic3A_94, %logistic3A_92 : vector<400x256xf32>
    %logistic3A_96 = arith.divf %logistic3A_94, %logistic3A_95 : vector<400x256xf32>
    %slice3A_97 = vector.extract_strided_slice %add3A_89 {offsets = [0, 256], sizes = [400, 256], strides = [1, 1]} : vector<400x1024xf32> to vector<400x256xf32>
    %logistic3A_98 = arith.negf %slice3A_97 : vector<400x256xf32>
    %logistic3A_99 = math.exp %logistic3A_98 : vector<400x256xf32>
    %logistic3A_100 = arith.constant 1.000000e+00 : f32
    %logistic3A_101 = vector.broadcast %logistic3A_100 : f32 to vector<400x256xf32>
    %logistic3A_102 = arith.addf %logistic3A_101, %logistic3A_99 : vector<400x256xf32>
    %logistic3A_103 = arith.divf %logistic3A_101, %logistic3A_102 : vector<400x256xf32>
    %slice3A_104 = vector.extract_strided_slice %add3A_89 {offsets = [0, 512], sizes = [400, 256], strides = [1, 1]} : vector<400x1024xf32> to vector<400x256xf32>
    %tanh3A_105 = math.tanh %slice3A_104 : vector<400x256xf32>
    %slice3A_106 = vector.extract_strided_slice %add3A_89 {offsets = [0, 768], sizes = [400, 256], strides = [1, 1]} : vector<400x1024xf32> to vector<400x256xf32>
    %logistic3A_107 = arith.negf %slice3A_106 : vector<400x256xf32>
    %logistic3A_108 = math.exp %logistic3A_107 : vector<400x256xf32>
    %logistic3A_109 = arith.constant 1.000000e+00 : f32
    %logistic3A_110 = vector.broadcast %logistic3A_109 : f32 to vector<400x256xf32>
    %logistic3A_111 = arith.addf %logistic3A_110, %logistic3A_108 : vector<400x256xf32>
    %logistic3A_112 = arith.divf %logistic3A_110, %logistic3A_111 : vector<400x256xf32>
    %mul3A_113 = arith.mulf %logistic3A_103, %add3A_78 : vector<400x256xf32>
    %mul3A_114 = arith.mulf %logistic3A_96, %tanh3A_105 : vector<400x256xf32>
    %add3A_115 = arith.addf %mul3A_113, %mul3A_114 : vector<400x256xf32>
    %tanh3A_116 = math.tanh %add3A_115 : vector<400x256xf32>
    %mul3A_117 = arith.mulf %logistic3A_112, %tanh3A_116 : vector<400x256xf32>
    %slice3A_118 = vector.extract_strided_slice %reshape3A {offsets = [0, 3, 0], sizes = [400, 1, 256], strides = [1, 1, 1]} : vector<400x16x256xf32> to vector<400x1x256xf32>
    %squeeze3A_119 = vector.shape_cast %slice3A_118 : vector<400x1x256xf32> to vector<400x256xf32>
    %dot_general3A_120 = arith.constant dense<0.000000e+00> : vector<400x1024xf32>
    %dot_general3A_121 = tpu.matmul %squeeze3A_119, %get3A_4, %dot_general3A_120 {dimension_numbers = #tpu.dot_dimension_numbers<[1], [0], [0], [1], [0, 0, 1, 1], [], []>, transpose_lhs_hint = false} : vector<400x256xf32>, vector<256x1024xf32>, vector<400x1024xf32> -> vector<400x1024xf32>
    %dot_general3A_122 = arith.constant dense<0.000000e+00> : vector<400x1024xf32>
    %dot_general3A_123 = tpu.matmul %mul3A_117, %get3A_7, %dot_general3A_122 {dimension_numbers = #tpu.dot_dimension_numbers<[1], [0], [0], [1], [0, 0, 1, 1], [], []>, transpose_lhs_hint = false} : vector<400x256xf32>, vector<256x1024xf32>, vector<400x1024xf32> -> vector<400x1024xf32>
    %add3A_124 = arith.addf %dot_general3A_121, %dot_general3A_123 : vector<400x1024xf32>
    %add3A_125 = vector.broadcast %get3A_10 : vector<1x1024xf32> to vector<400x1024xf32>
    %add3A_126 = arith.addf %add3A_124, %add3A_125 : vector<400x1024xf32>
    %slice3A_127 = vector.extract_strided_slice %add3A_126 {offsets = [0, 0], sizes = [400, 256], strides = [1, 1]} : vector<400x1024xf32> to vector<400x256xf32>
    %logistic3A_128 = arith.negf %slice3A_127 : vector<400x256xf32>
    %logistic3A_129 = math.exp %logistic3A_128 : vector<400x256xf32>
    %logistic3A_130 = arith.constant 1.000000e+00 : f32
    %logistic3A_131 = vector.broadcast %logistic3A_130 : f32 to vector<400x256xf32>
    %logistic3A_132 = arith.addf %logistic3A_131, %logistic3A_129 : vector<400x256xf32>
    %logistic3A_133 = arith.divf %logistic3A_131, %logistic3A_132 : vector<400x256xf32>
    %slice3A_134 = vector.extract_strided_slice %add3A_126 {offsets = [0, 256], sizes = [400, 256], strides = [1, 1]} : vector<400x1024xf32> to vector<400x256xf32>
    %logistic3A_135 = arith.negf %slice3A_134 : vector<400x256xf32>
    %logistic3A_136 = math.exp %logistic3A_135 : vector<400x256xf32>
    %logistic3A_137 = arith.constant 1.000000e+00 : f32
    %logistic3A_138 = vector.broadcast %logistic3A_137 : f32 to vector<400x256xf32>
    %logistic3A_139 = arith.addf %logistic3A_138, %logistic3A_136 : vector<400x256xf32>
    %logistic3A_140 = arith.divf %logistic3A_138, %logistic3A_139 : vector<400x256xf32>
    %slice3A_141 = vector.extract_strided_slice %add3A_126 {offsets = [0, 512], sizes = [400, 256], strides = [1, 1]} : vector<400x1024xf32> to vector<400x256xf32>
    %tanh3A_142 = math.tanh %slice3A_141 : vector<400x256xf32>
    %slice3A_143 = vector.extract_strided_slice %add3A_126 {offsets = [0, 768], sizes = [400, 256], strides = [1, 1]} : vector<400x1024xf32> to vector<400x256xf32>
    %logistic3A_144 = arith.negf %slice3A_143 : vector<400x256xf32>
    %logistic3A_145 = math.exp %logistic3A_144 : vector<400x256xf32>
    %logistic3A_146 = arith.constant 1.000000e+00 : f32
    %logistic3A_147 = vector.broadcast %logistic3A_146 : f32 to vector<400x256xf32>
    %logistic3A_148 = arith.addf %logistic3A_147, %logistic3A_145 : vector<400x256xf32>
    %logistic3A_149 = arith.divf %logistic3A_147, %logistic3A_148 : vector<400x256xf32>
    %mul3A_150 = arith.mulf %logistic3A_140, %add3A_115 : vector<400x256xf32>
    %mul3A_151 = arith.mulf %logistic3A_133, %tanh3A_142 : vector<400x256xf32>
    %add3A_152 = arith.addf %mul3A_150, %mul3A_151 : vector<400x256xf32>
    %tanh3A_153 = math.tanh %add3A_152 : vector<400x256xf32>
    %mul3A_154 = arith.mulf %logistic3A_149, %tanh3A_153 : vector<400x256xf32>
    %slice3A_155 = vector.extract_strided_slice %reshape3A {offsets = [0, 4, 0], sizes = [400, 1, 256], strides = [1, 1, 1]} : vector<400x16x256xf32> to vector<400x1x256xf32>
    %squeeze3A_156 = vector.shape_cast %slice3A_155 : vector<400x1x256xf32> to vector<400x256xf32>
    %dot_general3A_157 = arith.constant dense<0.000000e+00> : vector<400x1024xf32>
    %dot_general3A_158 = tpu.matmul %squeeze3A_156, %get3A_4, %dot_general3A_157 {dimension_numbers = #tpu.dot_dimension_numbers<[1], [0], [0], [1], [0, 0, 1, 1], [], []>, transpose_lhs_hint = false} : vector<400x256xf32>, vector<256x1024xf32>, vector<400x1024xf32> -> vector<400x1024xf32>
    %dot_general3A_159 = arith.constant dense<0.000000e+00> : vector<400x1024xf32>
    %dot_general3A_160 = tpu.matmul %mul3A_154, %get3A_7, %dot_general3A_159 {dimension_numbers = #tpu.dot_dimension_numbers<[1], [0], [0], [1], [0, 0, 1, 1], [], []>, transpose_lhs_hint = false} : vector<400x256xf32>, vector<256x1024xf32>, vector<400x1024xf32> -> vector<400x1024xf32>
    %add3A_161 = arith.addf %dot_general3A_158, %dot_general3A_160 : vector<400x1024xf32>
    %add3A_162 = vector.broadcast %get3A_10 : vector<1x1024xf32> to vector<400x1024xf32>
    %add3A_163 = arith.addf %add3A_161, %add3A_162 : vector<400x1024xf32>
    %slice3A_164 = vector.extract_strided_slice %add3A_163 {offsets = [0, 0], sizes = [400, 256], strides = [1, 1]} : vector<400x1024xf32> to vector<400x256xf32>
    %logistic3A_165 = arith.negf %slice3A_164 : vector<400x256xf32>
    %logistic3A_166 = math.exp %logistic3A_165 : vector<400x256xf32>
    %logistic3A_167 = arith.constant 1.000000e+00 : f32
    %logistic3A_168 = vector.broadcast %logistic3A_167 : f32 to vector<400x256xf32>
    %logistic3A_169 = arith.addf %logistic3A_168, %logistic3A_166 : vector<400x256xf32>
    %logistic3A_170 = arith.divf %logistic3A_168, %logistic3A_169 : vector<400x256xf32>
    %slice3A_171 = vector.extract_strided_slice %add3A_163 {offsets = [0, 256], sizes = [400, 256], strides = [1, 1]} : vector<400x1024xf32> to vector<400x256xf32>
    %logistic3A_172 = arith.negf %slice3A_171 : vector<400x256xf32>
    %logistic3A_173 = math.exp %logistic3A_172 : vector<400x256xf32>
    %logistic3A_174 = arith.constant 1.000000e+00 : f32
    %logistic3A_175 = vector.broadcast %logistic3A_174 : f32 to vector<400x256xf32>
    %logistic3A_176 = arith.addf %logistic3A_175, %logistic3A_173 : vector<400x256xf32>
    %logistic3A_177 = arith.divf %logistic3A_175, %logistic3A_176 : vector<400x256xf32>
    %slice3A_178 = vector.extract_strided_slice %add3A_163 {offsets = [0, 512], sizes = [400, 256], strides = [1, 1]} : vector<400x1024xf32> to vector<400x256xf32>
    %tanh3A_179 = math.tanh %slice3A_178 : vector<400x256xf32>
    %slice3A_180 = vector.extract_strided_slice %add3A_163 {offsets = [0, 768], sizes = [400, 256], strides = [1, 1]} : vector<400x1024xf32> to vector<400x256xf32>
    %logistic3A_181 = arith.negf %slice3A_180 : vector<400x256xf32>
    %logistic3A_182 = math.exp %logistic3A_181 : vector<400x256xf32>
    %logistic3A_183 = arith.constant 1.000000e+00 : f32
    %logistic3A_184 = vector.broadcast %logistic3A_183 : f32 to vector<400x256xf32>
    %logistic3A_185 = arith.addf %logistic3A_184, %logistic3A_182 : vector<400x256xf32>
    %logistic3A_186 = arith.divf %logistic3A_184, %logistic3A_185 : vector<400x256xf32>
    %mul3A_187 = arith.mulf %logistic3A_177, %add3A_152 : vector<400x256xf32>
    %mul3A_188 = arith.mulf %logistic3A_170, %tanh3A_179 : vector<400x256xf32>
    %add3A_189 = arith.addf %mul3A_187, %mul3A_188 : vector<400x256xf32>
    %tanh3A_190 = math.tanh %add3A_189 : vector<400x256xf32>
    %mul3A_191 = arith.mulf %logistic3A_186, %tanh3A_190 : vector<400x256xf32>
    %slice3A_192 = vector.extract_strided_slice %reshape3A {offsets = [0, 5, 0], sizes = [400, 1, 256], strides = [1, 1, 1]} : vector<400x16x256xf32> to vector<400x1x256xf32>
    %squeeze3A_193 = vector.shape_cast %slice3A_192 : vector<400x1x256xf32> to vector<400x256xf32>
    %dot_general3A_194 = arith.constant dense<0.000000e+00> : vector<400x1024xf32>
    %dot_general3A_195 = tpu.matmul %squeeze3A_193, %get3A_4, %dot_general3A_194 {dimension_numbers = #tpu.dot_dimension_numbers<[1], [0], [0], [1], [0, 0, 1, 1], [], []>, transpose_lhs_hint = false} : vector<400x256xf32>, vector<256x1024xf32>, vector<400x1024xf32> -> vector<400x1024xf32>
    %dot_general3A_196 = arith.constant dense<0.000000e+00> : vector<400x1024xf32>
    %dot_general3A_197 = tpu.matmul %mul3A_191, %get3A_7, %dot_general3A_196 {dimension_numbers = #tpu.dot_dimension_numbers<[1], [0], [0], [1], [0, 0, 1, 1], [], []>, transpose_lhs_hint = false} : vector<400x256xf32>, vector<256x1024xf32>, vector<400x1024xf32> -> vector<400x1024xf32>
    %add3A_198 = arith.addf %dot_general3A_195, %dot_general3A_197 : vector<400x1024xf32>
    %add3A_199 = vector.broadcast %get3A_10 : vector<1x1024xf32> to vector<400x1024xf32>
    %add3A_200 = arith.addf %add3A_198, %add3A_199 : vector<400x1024xf32>
    %slice3A_201 = vector.extract_strided_slice %add3A_200 {offsets = [0, 0], sizes = [400, 256], strides = [1, 1]} : vector<400x1024xf32> to vector<400x256xf32>
    %logistic3A_202 = arith.negf %slice3A_201 : vector<400x256xf32>
    %logistic3A_203 = math.exp %logistic3A_202 : vector<400x256xf32>
    %logistic3A_204 = arith.constant 1.000000e+00 : f32
    %logistic3A_205 = vector.broadcast %logistic3A_204 : f32 to vector<400x256xf32>
    %logistic3A_206 = arith.addf %logistic3A_205, %logistic3A_203 : vector<400x256xf32>
    %logistic3A_207 = arith.divf %logistic3A_205, %logistic3A_206 : vector<400x256xf32>
    %slice3A_208 = vector.extract_strided_slice %add3A_200 {offsets = [0, 256], sizes = [400, 256], strides = [1, 1]} : vector<400x1024xf32> to vector<400x256xf32>
    %logistic3A_209 = arith.negf %slice3A_208 : vector<400x256xf32>
    %logistic3A_210 = math.exp %logistic3A_209 : vector<400x256xf32>
    %logistic3A_211 = arith.constant 1.000000e+00 : f32
    %logistic3A_212 = vector.broadcast %logistic3A_211 : f32 to vector<400x256xf32>
    %logistic3A_213 = arith.addf %logistic3A_212, %logistic3A_210 : vector<400x256xf32>
    %logistic3A_214 = arith.divf %logistic3A_212, %logistic3A_213 : vector<400x256xf32>
    %slice3A_215 = vector.extract_strided_slice %add3A_200 {offsets = [0, 512], sizes = [400, 256], strides = [1, 1]} : vector<400x1024xf32> to vector<400x256xf32>
    %tanh3A_216 = math.tanh %slice3A_215 : vector<400x256xf32>
    %slice3A_217 = vector.extract_strided_slice %add3A_200 {offsets = [0, 768], sizes = [400, 256], strides = [1, 1]} : vector<400x1024xf32> to vector<400x256xf32>
    %logistic3A_218 = arith.negf %slice3A_217 : vector<400x256xf32>
    %logistic3A_219 = math.exp %logistic3A_218 : vector<400x256xf32>
    %logistic3A_220 = arith.constant 1.000000e+00 : f32
    %logistic3A_221 = vector.broadcast %logistic3A_220 : f32 to vector<400x256xf32>
    %logistic3A_222 = arith.addf %logistic3A_221, %logistic3A_219 : vector<400x256xf32>
    %logistic3A_223 = arith.divf %logistic3A_221, %logistic3A_222 : vector<400x256xf32>
    %mul3A_224 = arith.mulf %logistic3A_214, %add3A_189 : vector<400x256xf32>
    %mul3A_225 = arith.mulf %logistic3A_207, %tanh3A_216 : vector<400x256xf32>
    %add3A_226 = arith.addf %mul3A_224, %mul3A_225 : vector<400x256xf32>
    %tanh3A_227 = math.tanh %add3A_226 : vector<400x256xf32>
    %mul3A_228 = arith.mulf %logistic3A_223, %tanh3A_227 : vector<400x256xf32>
    %slice3A_229 = vector.extract_strided_slice %reshape3A {offsets = [0, 6, 0], sizes = [400, 1, 256], strides = [1, 1, 1]} : vector<400x16x256xf32> to vector<400x1x256xf32>
    %squeeze3A_230 = vector.shape_cast %slice3A_229 : vector<400x1x256xf32> to vector<400x256xf32>
    %dot_general3A_231 = arith.constant dense<0.000000e+00> : vector<400x1024xf32>
    %dot_general3A_232 = tpu.matmul %squeeze3A_230, %get3A_4, %dot_general3A_231 {dimension_numbers = #tpu.dot_dimension_numbers<[1], [0], [0], [1], [0, 0, 1, 1], [], []>, transpose_lhs_hint = false} : vector<400x256xf32>, vector<256x1024xf32>, vector<400x1024xf32> -> vector<400x1024xf32>
    %dot_general3A_233 = arith.constant dense<0.000000e+00> : vector<400x1024xf32>
    %dot_general3A_234 = tpu.matmul %mul3A_228, %get3A_7, %dot_general3A_233 {dimension_numbers = #tpu.dot_dimension_numbers<[1], [0], [0], [1], [0, 0, 1, 1], [], []>, transpose_lhs_hint = false} : vector<400x256xf32>, vector<256x1024xf32>, vector<400x1024xf32> -> vector<400x1024xf32>
    %add3A_235 = arith.addf %dot_general3A_232, %dot_general3A_234 : vector<400x1024xf32>
    %add3A_236 = vector.broadcast %get3A_10 : vector<1x1024xf32> to vector<400x1024xf32>
    %add3A_237 = arith.addf %add3A_235, %add3A_236 : vector<400x1024xf32>
    %slice3A_238 = vector.extract_strided_slice %add3A_237 {offsets = [0, 0], sizes = [400, 256], strides = [1, 1]} : vector<400x1024xf32> to vector<400x256xf32>
    %logistic3A_239 = arith.negf %slice3A_238 : vector<400x256xf32>
    %logistic3A_240 = math.exp %logistic3A_239 : vector<400x256xf32>
    %logistic3A_241 = arith.constant 1.000000e+00 : f32
    %logistic3A_242 = vector.broadcast %logistic3A_241 : f32 to vector<400x256xf32>
    %logistic3A_243 = arith.addf %logistic3A_242, %logistic3A_240 : vector<400x256xf32>
    %logistic3A_244 = arith.divf %logistic3A_242, %logistic3A_243 : vector<400x256xf32>
    %slice3A_245 = vector.extract_strided_slice %add3A_237 {offsets = [0, 256], sizes = [400, 256], strides = [1, 1]} : vector<400x1024xf32> to vector<400x256xf32>
    %logistic3A_246 = arith.negf %slice3A_245 : vector<400x256xf32>
    %logistic3A_247 = math.exp %logistic3A_246 : vector<400x256xf32>
    %logistic3A_248 = arith.constant 1.000000e+00 : f32
    %logistic3A_249 = vector.broadcast %logistic3A_248 : f32 to vector<400x256xf32>
    %logistic3A_250 = arith.addf %logistic3A_249, %logistic3A_247 : vector<400x256xf32>
    %logistic3A_251 = arith.divf %logistic3A_249, %logistic3A_250 : vector<400x256xf32>
    %slice3A_252 = vector.extract_strided_slice %add3A_237 {offsets = [0, 512], sizes = [400, 256], strides = [1, 1]} : vector<400x1024xf32> to vector<400x256xf32>
    %tanh3A_253 = math.tanh %slice3A_252 : vector<400x256xf32>
    %slice3A_254 = vector.extract_strided_slice %add3A_237 {offsets = [0, 768], sizes = [400, 256], strides = [1, 1]} : vector<400x1024xf32> to vector<400x256xf32>
    %logistic3A_255 = arith.negf %slice3A_254 : vector<400x256xf32>
    %logistic3A_256 = math.exp %logistic3A_255 : vector<400x256xf32>
    %logistic3A_257 = arith.constant 1.000000e+00 : f32
    %logistic3A_258 = vector.broadcast %logistic3A_257 : f32 to vector<400x256xf32>
    %logistic3A_259 = arith.addf %logistic3A_258, %logistic3A_256 : vector<400x256xf32>
    %logistic3A_260 = arith.divf %logistic3A_258, %logistic3A_259 : vector<400x256xf32>
    %mul3A_261 = arith.mulf %logistic3A_251, %add3A_226 : vector<400x256xf32>
    %mul3A_262 = arith.mulf %logistic3A_244, %tanh3A_253 : vector<400x256xf32>
    %add3A_263 = arith.addf %mul3A_261, %mul3A_262 : vector<400x256xf32>
    %tanh3A_264 = math.tanh %add3A_263 : vector<400x256xf32>
    %mul3A_265 = arith.mulf %logistic3A_260, %tanh3A_264 : vector<400x256xf32>
    %slice3A_266 = vector.extract_strided_slice %reshape3A {offsets = [0, 7, 0], sizes = [400, 1, 256], strides = [1, 1, 1]} : vector<400x16x256xf32> to vector<400x1x256xf32>
    %squeeze3A_267 = vector.shape_cast %slice3A_266 : vector<400x1x256xf32> to vector<400x256xf32>
    %dot_general3A_268 = arith.constant dense<0.000000e+00> : vector<400x1024xf32>
    %dot_general3A_269 = tpu.matmul %squeeze3A_267, %get3A_4, %dot_general3A_268 {dimension_numbers = #tpu.dot_dimension_numbers<[1], [0], [0], [1], [0, 0, 1, 1], [], []>, transpose_lhs_hint = false} : vector<400x256xf32>, vector<256x1024xf32>, vector<400x1024xf32> -> vector<400x1024xf32>
    %dot_general3A_270 = arith.constant dense<0.000000e+00> : vector<400x1024xf32>
    %dot_general3A_271 = tpu.matmul %mul3A_265, %get3A_7, %dot_general3A_270 {dimension_numbers = #tpu.dot_dimension_numbers<[1], [0], [0], [1], [0, 0, 1, 1], [], []>, transpose_lhs_hint = false} : vector<400x256xf32>, vector<256x1024xf32>, vector<400x1024xf32> -> vector<400x1024xf32>
    %add3A_272 = arith.addf %dot_general3A_269, %dot_general3A_271 : vector<400x1024xf32>
    %add3A_273 = vector.broadcast %get3A_10 : vector<1x1024xf32> to vector<400x1024xf32>
    %add3A_274 = arith.addf %add3A_272, %add3A_273 : vector<400x1024xf32>
    %slice3A_275 = vector.extract_strided_slice %add3A_274 {offsets = [0, 0], sizes = [400, 256], strides = [1, 1]} : vector<400x1024xf32> to vector<400x256xf32>
    %logistic3A_276 = arith.negf %slice3A_275 : vector<400x256xf32>
    %logistic3A_277 = math.exp %logistic3A_276 : vector<400x256xf32>
    %logistic3A_278 = arith.constant 1.000000e+00 : f32
    %logistic3A_279 = vector.broadcast %logistic3A_278 : f32 to vector<400x256xf32>
    %logistic3A_280 = arith.addf %logistic3A_279, %logistic3A_277 : vector<400x256xf32>
    %logistic3A_281 = arith.divf %logistic3A_279, %logistic3A_280 : vector<400x256xf32>
    %slice3A_282 = vector.extract_strided_slice %add3A_274 {offsets = [0, 256], sizes = [400, 256], strides = [1, 1]} : vector<400x1024xf32> to vector<400x256xf32>
    %logistic3A_283 = arith.negf %slice3A_282 : vector<400x256xf32>
    %logistic3A_284 = math.exp %logistic3A_283 : vector<400x256xf32>
    %logistic3A_285 = arith.constant 1.000000e+00 : f32
    %logistic3A_286 = vector.broadcast %logistic3A_285 : f32 to vector<400x256xf32>
    %logistic3A_287 = arith.addf %logistic3A_286, %logistic3A_284 : vector<400x256xf32>
    %logistic3A_288 = arith.divf %logistic3A_286, %logistic3A_287 : vector<400x256xf32>
    %slice3A_289 = vector.extract_strided_slice %add3A_274 {offsets = [0, 512], sizes = [400, 256], strides = [1, 1]} : vector<400x1024xf32> to vector<400x256xf32>
    %tanh3A_290 = math.tanh %slice3A_289 : vector<400x256xf32>
    %slice3A_291 = vector.extract_strided_slice %add3A_274 {offsets = [0, 768], sizes = [400, 256], strides = [1, 1]} : vector<400x1024xf32> to vector<400x256xf32>
    %logistic3A_292 = arith.negf %slice3A_291 : vector<400x256xf32>
    %logistic3A_293 = math.exp %logistic3A_292 : vector<400x256xf32>
    %logistic3A_294 = arith.constant 1.000000e+00 : f32
    %logistic3A_295 = vector.broadcast %logistic3A_294 : f32 to vector<400x256xf32>
    %logistic3A_296 = arith.addf %logistic3A_295, %logistic3A_293 : vector<400x256xf32>
    %logistic3A_297 = arith.divf %logistic3A_295, %logistic3A_296 : vector<400x256xf32>
    %mul3A_298 = arith.mulf %logistic3A_288, %add3A_263 : vector<400x256xf32>
    %mul3A_299 = arith.mulf %logistic3A_281, %tanh3A_290 : vector<400x256xf32>
    %add3A_300 = arith.addf %mul3A_298, %mul3A_299 : vector<400x256xf32>
    %tanh3A_301 = math.tanh %add3A_300 : vector<400x256xf32>
    %mul3A_302 = arith.mulf %logistic3A_297, %tanh3A_301 : vector<400x256xf32>
    %slice3A_303 = vector.extract_strided_slice %reshape3A {offsets = [0, 8, 0], sizes = [400, 1, 256], strides = [1, 1, 1]} : vector<400x16x256xf32> to vector<400x1x256xf32>
    %squeeze3A_304 = vector.shape_cast %slice3A_303 : vector<400x1x256xf32> to vector<400x256xf32>
    %dot_general3A_305 = arith.constant dense<0.000000e+00> : vector<400x1024xf32>
    %dot_general3A_306 = tpu.matmul %squeeze3A_304, %get3A_4, %dot_general3A_305 {dimension_numbers = #tpu.dot_dimension_numbers<[1], [0], [0], [1], [0, 0, 1, 1], [], []>, transpose_lhs_hint = false} : vector<400x256xf32>, vector<256x1024xf32>, vector<400x1024xf32> -> vector<400x1024xf32>
    %dot_general3A_307 = arith.constant dense<0.000000e+00> : vector<400x1024xf32>
    %dot_general3A_308 = tpu.matmul %mul3A_302, %get3A_7, %dot_general3A_307 {dimension_numbers = #tpu.dot_dimension_numbers<[1], [0], [0], [1], [0, 0, 1, 1], [], []>, transpose_lhs_hint = false} : vector<400x256xf32>, vector<256x1024xf32>, vector<400x1024xf32> -> vector<400x1024xf32>
    %add3A_309 = arith.addf %dot_general3A_306, %dot_general3A_308 : vector<400x1024xf32>
    %add3A_310 = vector.broadcast %get3A_10 : vector<1x1024xf32> to vector<400x1024xf32>
    %add3A_311 = arith.addf %add3A_309, %add3A_310 : vector<400x1024xf32>
    %slice3A_312 = vector.extract_strided_slice %add3A_311 {offsets = [0, 0], sizes = [400, 256], strides = [1, 1]} : vector<400x1024xf32> to vector<400x256xf32>
    %logistic3A_313 = arith.negf %slice3A_312 : vector<400x256xf32>
    %logistic3A_314 = math.exp %logistic3A_313 : vector<400x256xf32>
    %logistic3A_315 = arith.constant 1.000000e+00 : f32
    %logistic3A_316 = vector.broadcast %logistic3A_315 : f32 to vector<400x256xf32>
    %logistic3A_317 = arith.addf %logistic3A_316, %logistic3A_314 : vector<400x256xf32>
    %logistic3A_318 = arith.divf %logistic3A_316, %logistic3A_317 : vector<400x256xf32>
    %slice3A_319 = vector.extract_strided_slice %add3A_311 {offsets = [0, 256], sizes = [400, 256], strides = [1, 1]} : vector<400x1024xf32> to vector<400x256xf32>
    %logistic3A_320 = arith.negf %slice3A_319 : vector<400x256xf32>
    %logistic3A_321 = math.exp %logistic3A_320 : vector<400x256xf32>
    %logistic3A_322 = arith.constant 1.000000e+00 : f32
    %logistic3A_323 = vector.broadcast %logistic3A_322 : f32 to vector<400x256xf32>
    %logistic3A_324 = arith.addf %logistic3A_323, %logistic3A_321 : vector<400x256xf32>
    %logistic3A_325 = arith.divf %logistic3A_323, %logistic3A_324 : vector<400x256xf32>
    %slice3A_326 = vector.extract_strided_slice %add3A_311 {offsets = [0, 512], sizes = [400, 256], strides = [1, 1]} : vector<400x1024xf32> to vector<400x256xf32>
    %tanh3A_327 = math.tanh %slice3A_326 : vector<400x256xf32>
    %slice3A_328 = vector.extract_strided_slice %add3A_311 {offsets = [0, 768], sizes = [400, 256], strides = [1, 1]} : vector<400x1024xf32> to vector<400x256xf32>
    %logistic3A_329 = arith.negf %slice3A_328 : vector<400x256xf32>
    %logistic3A_330 = math.exp %logistic3A_329 : vector<400x256xf32>
    %logistic3A_331 = arith.constant 1.000000e+00 : f32
    %logistic3A_332 = vector.broadcast %logistic3A_331 : f32 to vector<400x256xf32>
    %logistic3A_333 = arith.addf %logistic3A_332, %logistic3A_330 : vector<400x256xf32>
    %logistic3A_334 = arith.divf %logistic3A_332, %logistic3A_333 : vector<400x256xf32>
    %mul3A_335 = arith.mulf %logistic3A_325, %add3A_300 : vector<400x256xf32>
    %mul3A_336 = arith.mulf %logistic3A_318, %tanh3A_327 : vector<400x256xf32>
    %add3A_337 = arith.addf %mul3A_335, %mul3A_336 : vector<400x256xf32>
    %tanh3A_338 = math.tanh %add3A_337 : vector<400x256xf32>
    %mul3A_339 = arith.mulf %logistic3A_334, %tanh3A_338 : vector<400x256xf32>
    %slice3A_340 = vector.extract_strided_slice %reshape3A {offsets = [0, 9, 0], sizes = [400, 1, 256], strides = [1, 1, 1]} : vector<400x16x256xf32> to vector<400x1x256xf32>
    %squeeze3A_341 = vector.shape_cast %slice3A_340 : vector<400x1x256xf32> to vector<400x256xf32>
    %dot_general3A_342 = arith.constant dense<0.000000e+00> : vector<400x1024xf32>
    %dot_general3A_343 = tpu.matmul %squeeze3A_341, %get3A_4, %dot_general3A_342 {dimension_numbers = #tpu.dot_dimension_numbers<[1], [0], [0], [1], [0, 0, 1, 1], [], []>, transpose_lhs_hint = false} : vector<400x256xf32>, vector<256x1024xf32>, vector<400x1024xf32> -> vector<400x1024xf32>
    %dot_general3A_344 = arith.constant dense<0.000000e+00> : vector<400x1024xf32>
    %dot_general3A_345 = tpu.matmul %mul3A_339, %get3A_7, %dot_general3A_344 {dimension_numbers = #tpu.dot_dimension_numbers<[1], [0], [0], [1], [0, 0, 1, 1], [], []>, transpose_lhs_hint = false} : vector<400x256xf32>, vector<256x1024xf32>, vector<400x1024xf32> -> vector<400x1024xf32>
    %add3A_346 = arith.addf %dot_general3A_343, %dot_general3A_345 : vector<400x1024xf32>
    %add3A_347 = vector.broadcast %get3A_10 : vector<1x1024xf32> to vector<400x1024xf32>
    %add3A_348 = arith.addf %add3A_346, %add3A_347 : vector<400x1024xf32>
    %slice3A_349 = vector.extract_strided_slice %add3A_348 {offsets = [0, 0], sizes = [400, 256], strides = [1, 1]} : vector<400x1024xf32> to vector<400x256xf32>
    %logistic3A_350 = arith.negf %slice3A_349 : vector<400x256xf32>
    %logistic3A_351 = math.exp %logistic3A_350 : vector<400x256xf32>
    %logistic3A_352 = arith.constant 1.000000e+00 : f32
    %logistic3A_353 = vector.broadcast %logistic3A_352 : f32 to vector<400x256xf32>
    %logistic3A_354 = arith.addf %logistic3A_353, %logistic3A_351 : vector<400x256xf32>
    %logistic3A_355 = arith.divf %logistic3A_353, %logistic3A_354 : vector<400x256xf32>
    %slice3A_356 = vector.extract_strided_slice %add3A_348 {offsets = [0, 256], sizes = [400, 256], strides = [1, 1]} : vector<400x1024xf32> to vector<400x256xf32>
    %logistic3A_357 = arith.negf %slice3A_356 : vector<400x256xf32>
    %logistic3A_358 = math.exp %logistic3A_357 : vector<400x256xf32>
    %logistic3A_359 = arith.constant 1.000000e+00 : f32
    %logistic3A_360 = vector.broadcast %logistic3A_359 : f32 to vector<400x256xf32>
    %logistic3A_361 = arith.addf %logistic3A_360, %logistic3A_358 : vector<400x256xf32>
    %logistic3A_362 = arith.divf %logistic3A_360, %logistic3A_361 : vector<400x256xf32>
    %slice3A_363 = vector.extract_strided_slice %add3A_348 {offsets = [0, 512], sizes = [400, 256], strides = [1, 1]} : vector<400x1024xf32> to vector<400x256xf32>
    %tanh3A_364 = math.tanh %slice3A_363 : vector<400x256xf32>
    %slice3A_365 = vector.extract_strided_slice %add3A_348 {offsets = [0, 768], sizes = [400, 256], strides = [1, 1]} : vector<400x1024xf32> to vector<400x256xf32>
    %logistic3A_366 = arith.negf %slice3A_365 : vector<400x256xf32>
    %logistic3A_367 = math.exp %logistic3A_366 : vector<400x256xf32>
    %logistic3A_368 = arith.constant 1.000000e+00 : f32
    %logistic3A_369 = vector.broadcast %logistic3A_368 : f32 to vector<400x256xf32>
    %logistic3A_370 = arith.addf %logistic3A_369, %logistic3A_367 : vector<400x256xf32>
    %logistic3A_371 = arith.divf %logistic3A_369, %logistic3A_370 : vector<400x256xf32>
    %mul3A_372 = arith.mulf %logistic3A_362, %add3A_337 : vector<400x256xf32>
    %mul3A_373 = arith.mulf %logistic3A_355, %tanh3A_364 : vector<400x256xf32>
    %add3A_374 = arith.addf %mul3A_372, %mul3A_373 : vector<400x256xf32>
    %tanh3A_375 = math.tanh %add3A_374 : vector<400x256xf32>
    %mul3A_376 = arith.mulf %logistic3A_371, %tanh3A_375 : vector<400x256xf32>
    %slice3A_377 = vector.extract_strided_slice %reshape3A {offsets = [0, 10, 0], sizes = [400, 1, 256], strides = [1, 1, 1]} : vector<400x16x256xf32> to vector<400x1x256xf32>
    %squeeze3A_378 = vector.shape_cast %slice3A_377 : vector<400x1x256xf32> to vector<400x256xf32>
    %dot_general3A_379 = arith.constant dense<0.000000e+00> : vector<400x1024xf32>
    %dot_general3A_380 = tpu.matmul %squeeze3A_378, %get3A_4, %dot_general3A_379 {dimension_numbers = #tpu.dot_dimension_numbers<[1], [0], [0], [1], [0, 0, 1, 1], [], []>, transpose_lhs_hint = false} : vector<400x256xf32>, vector<256x1024xf32>, vector<400x1024xf32> -> vector<400x1024xf32>
    %dot_general3A_381 = arith.constant dense<0.000000e+00> : vector<400x1024xf32>
    %dot_general3A_382 = tpu.matmul %mul3A_376, %get3A_7, %dot_general3A_381 {dimension_numbers = #tpu.dot_dimension_numbers<[1], [0], [0], [1], [0, 0, 1, 1], [], []>, transpose_lhs_hint = false} : vector<400x256xf32>, vector<256x1024xf32>, vector<400x1024xf32> -> vector<400x1024xf32>
    %add3A_383 = arith.addf %dot_general3A_380, %dot_general3A_382 : vector<400x1024xf32>
    %add3A_384 = vector.broadcast %get3A_10 : vector<1x1024xf32> to vector<400x1024xf32>
    %add3A_385 = arith.addf %add3A_383, %add3A_384 : vector<400x1024xf32>
    %slice3A_386 = vector.extract_strided_slice %add3A_385 {offsets = [0, 0], sizes = [400, 256], strides = [1, 1]} : vector<400x1024xf32> to vector<400x256xf32>
    %logistic3A_387 = arith.negf %slice3A_386 : vector<400x256xf32>
    %logistic3A_388 = math.exp %logistic3A_387 : vector<400x256xf32>
    %logistic3A_389 = arith.constant 1.000000e+00 : f32
    %logistic3A_390 = vector.broadcast %logistic3A_389 : f32 to vector<400x256xf32>
    %logistic3A_391 = arith.addf %logistic3A_390, %logistic3A_388 : vector<400x256xf32>
    %logistic3A_392 = arith.divf %logistic3A_390, %logistic3A_391 : vector<400x256xf32>
    %slice3A_393 = vector.extract_strided_slice %add3A_385 {offsets = [0, 256], sizes = [400, 256], strides = [1, 1]} : vector<400x1024xf32> to vector<400x256xf32>
    %logistic3A_394 = arith.negf %slice3A_393 : vector<400x256xf32>
    %logistic3A_395 = math.exp %logistic3A_394 : vector<400x256xf32>
    %logistic3A_396 = arith.constant 1.000000e+00 : f32
    %logistic3A_397 = vector.broadcast %logistic3A_396 : f32 to vector<400x256xf32>
    %logistic3A_398 = arith.addf %logistic3A_397, %logistic3A_395 : vector<400x256xf32>
    %logistic3A_399 = arith.divf %logistic3A_397, %logistic3A_398 : vector<400x256xf32>
    %slice3A_400 = vector.extract_strided_slice %add3A_385 {offsets = [0, 512], sizes = [400, 256], strides = [1, 1]} : vector<400x1024xf32> to vector<400x256xf32>
    %tanh3A_401 = math.tanh %slice3A_400 : vector<400x256xf32>
    %slice3A_402 = vector.extract_strided_slice %add3A_385 {offsets = [0, 768], sizes = [400, 256], strides = [1, 1]} : vector<400x1024xf32> to vector<400x256xf32>
    %logistic3A_403 = arith.negf %slice3A_402 : vector<400x256xf32>
    %logistic3A_404 = math.exp %logistic3A_403 : vector<400x256xf32>
    %logistic3A_405 = arith.constant 1.000000e+00 : f32
    %logistic3A_406 = vector.broadcast %logistic3A_405 : f32 to vector<400x256xf32>
    %logistic3A_407 = arith.addf %logistic3A_406, %logistic3A_404 : vector<400x256xf32>
    %logistic3A_408 = arith.divf %logistic3A_406, %logistic3A_407 : vector<400x256xf32>
    %mul3A_409 = arith.mulf %logistic3A_399, %add3A_374 : vector<400x256xf32>
    %mul3A_410 = arith.mulf %logistic3A_392, %tanh3A_401 : vector<400x256xf32>
    %add3A_411 = arith.addf %mul3A_409, %mul3A_410 : vector<400x256xf32>
    %tanh3A_412 = math.tanh %add3A_411 : vector<400x256xf32>
    %mul3A_413 = arith.mulf %logistic3A_408, %tanh3A_412 : vector<400x256xf32>
    %slice3A_414 = vector.extract_strided_slice %reshape3A {offsets = [0, 11, 0], sizes = [400, 1, 256], strides = [1, 1, 1]} : vector<400x16x256xf32> to vector<400x1x256xf32>
    %squeeze3A_415 = vector.shape_cast %slice3A_414 : vector<400x1x256xf32> to vector<400x256xf32>
    %dot_general3A_416 = arith.constant dense<0.000000e+00> : vector<400x1024xf32>
    %dot_general3A_417 = tpu.matmul %squeeze3A_415, %get3A_4, %dot_general3A_416 {dimension_numbers = #tpu.dot_dimension_numbers<[1], [0], [0], [1], [0, 0, 1, 1], [], []>, transpose_lhs_hint = false} : vector<400x256xf32>, vector<256x1024xf32>, vector<400x1024xf32> -> vector<400x1024xf32>
    %dot_general3A_418 = arith.constant dense<0.000000e+00> : vector<400x1024xf32>
    %dot_general3A_419 = tpu.matmul %mul3A_413, %get3A_7, %dot_general3A_418 {dimension_numbers = #tpu.dot_dimension_numbers<[1], [0], [0], [1], [0, 0, 1, 1], [], []>, transpose_lhs_hint = false} : vector<400x256xf32>, vector<256x1024xf32>, vector<400x1024xf32> -> vector<400x1024xf32>
    %add3A_420 = arith.addf %dot_general3A_417, %dot_general3A_419 : vector<400x1024xf32>
    %add3A_421 = vector.broadcast %get3A_10 : vector<1x1024xf32> to vector<400x1024xf32>
    %add3A_422 = arith.addf %add3A_420, %add3A_421 : vector<400x1024xf32>
    %slice3A_423 = vector.extract_strided_slice %add3A_422 {offsets = [0, 0], sizes = [400, 256], strides = [1, 1]} : vector<400x1024xf32> to vector<400x256xf32>
    %logistic3A_424 = arith.negf %slice3A_423 : vector<400x256xf32>
    %logistic3A_425 = math.exp %logistic3A_424 : vector<400x256xf32>
    %logistic3A_426 = arith.constant 1.000000e+00 : f32
    %logistic3A_427 = vector.broadcast %logistic3A_426 : f32 to vector<400x256xf32>
    %logistic3A_428 = arith.addf %logistic3A_427, %logistic3A_425 : vector<400x256xf32>
    %logistic3A_429 = arith.divf %logistic3A_427, %logistic3A_428 : vector<400x256xf32>
    %slice3A_430 = vector.extract_strided_slice %add3A_422 {offsets = [0, 256], sizes = [400, 256], strides = [1, 1]} : vector<400x1024xf32> to vector<400x256xf32>
    %logistic3A_431 = arith.negf %slice3A_430 : vector<400x256xf32>
    %logistic3A_432 = math.exp %logistic3A_431 : vector<400x256xf32>
    %logistic3A_433 = arith.constant 1.000000e+00 : f32
    %logistic3A_434 = vector.broadcast %logistic3A_433 : f32 to vector<400x256xf32>
    %logistic3A_435 = arith.addf %logistic3A_434, %logistic3A_432 : vector<400x256xf32>
    %logistic3A_436 = arith.divf %logistic3A_434, %logistic3A_435 : vector<400x256xf32>
    %slice3A_437 = vector.extract_strided_slice %add3A_422 {offsets = [0, 512], sizes = [400, 256], strides = [1, 1]} : vector<400x1024xf32> to vector<400x256xf32>
    %tanh3A_438 = math.tanh %slice3A_437 : vector<400x256xf32>
    %slice3A_439 = vector.extract_strided_slice %add3A_422 {offsets = [0, 768], sizes = [400, 256], strides = [1, 1]} : vector<400x1024xf32> to vector<400x256xf32>
    %logistic3A_440 = arith.negf %slice3A_439 : vector<400x256xf32>
    %logistic3A_441 = math.exp %logistic3A_440 : vector<400x256xf32>
    %logistic3A_442 = arith.constant 1.000000e+00 : f32
    %logistic3A_443 = vector.broadcast %logistic3A_442 : f32 to vector<400x256xf32>
    %logistic3A_444 = arith.addf %logistic3A_443, %logistic3A_441 : vector<400x256xf32>
    %logistic3A_445 = arith.divf %logistic3A_443, %logistic3A_444 : vector<400x256xf32>
    %mul3A_446 = arith.mulf %logistic3A_436, %add3A_411 : vector<400x256xf32>
    %mul3A_447 = arith.mulf %logistic3A_429, %tanh3A_438 : vector<400x256xf32>
    %add3A_448 = arith.addf %mul3A_446, %mul3A_447 : vector<400x256xf32>
    %tanh3A_449 = math.tanh %add3A_448 : vector<400x256xf32>
    %mul3A_450 = arith.mulf %logistic3A_445, %tanh3A_449 : vector<400x256xf32>
    %slice3A_451 = vector.extract_strided_slice %reshape3A {offsets = [0, 12, 0], sizes = [400, 1, 256], strides = [1, 1, 1]} : vector<400x16x256xf32> to vector<400x1x256xf32>
    %squeeze3A_452 = vector.shape_cast %slice3A_451 : vector<400x1x256xf32> to vector<400x256xf32>
    %dot_general3A_453 = arith.constant dense<0.000000e+00> : vector<400x1024xf32>
    %dot_general3A_454 = tpu.matmul %squeeze3A_452, %get3A_4, %dot_general3A_453 {dimension_numbers = #tpu.dot_dimension_numbers<[1], [0], [0], [1], [0, 0, 1, 1], [], []>, transpose_lhs_hint = false} : vector<400x256xf32>, vector<256x1024xf32>, vector<400x1024xf32> -> vector<400x1024xf32>
    %dot_general3A_455 = arith.constant dense<0.000000e+00> : vector<400x1024xf32>
    %dot_general3A_456 = tpu.matmul %mul3A_450, %get3A_7, %dot_general3A_455 {dimension_numbers = #tpu.dot_dimension_numbers<[1], [0], [0], [1], [0, 0, 1, 1], [], []>, transpose_lhs_hint = false} : vector<400x256xf32>, vector<256x1024xf32>, vector<400x1024xf32> -> vector<400x1024xf32>
    %add3A_457 = arith.addf %dot_general3A_454, %dot_general3A_456 : vector<400x1024xf32>
    %add3A_458 = vector.broadcast %get3A_10 : vector<1x1024xf32> to vector<400x1024xf32>
    %add3A_459 = arith.addf %add3A_457, %add3A_458 : vector<400x1024xf32>
    %slice3A_460 = vector.extract_strided_slice %add3A_459 {offsets = [0, 0], sizes = [400, 256], strides = [1, 1]} : vector<400x1024xf32> to vector<400x256xf32>
    %logistic3A_461 = arith.negf %slice3A_460 : vector<400x256xf32>
    %logistic3A_462 = math.exp %logistic3A_461 : vector<400x256xf32>
    %logistic3A_463 = arith.constant 1.000000e+00 : f32
    %logistic3A_464 = vector.broadcast %logistic3A_463 : f32 to vector<400x256xf32>
    %logistic3A_465 = arith.addf %logistic3A_464, %logistic3A_462 : vector<400x256xf32>
    %logistic3A_466 = arith.divf %logistic3A_464, %logistic3A_465 : vector<400x256xf32>
    %slice3A_467 = vector.extract_strided_slice %add3A_459 {offsets = [0, 256], sizes = [400, 256], strides = [1, 1]} : vector<400x1024xf32> to vector<400x256xf32>
    %logistic3A_468 = arith.negf %slice3A_467 : vector<400x256xf32>
    %logistic3A_469 = math.exp %logistic3A_468 : vector<400x256xf32>
    %logistic3A_470 = arith.constant 1.000000e+00 : f32
    %logistic3A_471 = vector.broadcast %logistic3A_470 : f32 to vector<400x256xf32>
    %logistic3A_472 = arith.addf %logistic3A_471, %logistic3A_469 : vector<400x256xf32>
    %logistic3A_473 = arith.divf %logistic3A_471, %logistic3A_472 : vector<400x256xf32>
    %slice3A_474 = vector.extract_strided_slice %add3A_459 {offsets = [0, 512], sizes = [400, 256], strides = [1, 1]} : vector<400x1024xf32> to vector<400x256xf32>
    %tanh3A_475 = math.tanh %slice3A_474 : vector<400x256xf32>
    %slice3A_476 = vector.extract_strided_slice %add3A_459 {offsets = [0, 768], sizes = [400, 256], strides = [1, 1]} : vector<400x1024xf32> to vector<400x256xf32>
    %logistic3A_477 = arith.negf %slice3A_476 : vector<400x256xf32>
    %logistic3A_478 = math.exp %logistic3A_477 : vector<400x256xf32>
    %logistic3A_479 = arith.constant 1.000000e+00 : f32
    %logistic3A_480 = vector.broadcast %logistic3A_479 : f32 to vector<400x256xf32>
    %logistic3A_481 = arith.addf %logistic3A_480, %logistic3A_478 : vector<400x256xf32>
    %logistic3A_482 = arith.divf %logistic3A_480, %logistic3A_481 : vector<400x256xf32>
    %mul3A_483 = arith.mulf %logistic3A_473, %add3A_448 : vector<400x256xf32>
    %mul3A_484 = arith.mulf %logistic3A_466, %tanh3A_475 : vector<400x256xf32>
    %add3A_485 = arith.addf %mul3A_483, %mul3A_484 : vector<400x256xf32>
    %tanh3A_486 = math.tanh %add3A_485 : vector<400x256xf32>
    %mul3A_487 = arith.mulf %logistic3A_482, %tanh3A_486 : vector<400x256xf32>
    %slice3A_488 = vector.extract_strided_slice %reshape3A {offsets = [0, 13, 0], sizes = [400, 1, 256], strides = [1, 1, 1]} : vector<400x16x256xf32> to vector<400x1x256xf32>
    %squeeze3A_489 = vector.shape_cast %slice3A_488 : vector<400x1x256xf32> to vector<400x256xf32>
    %dot_general3A_490 = arith.constant dense<0.000000e+00> : vector<400x1024xf32>
    %dot_general3A_491 = tpu.matmul %squeeze3A_489, %get3A_4, %dot_general3A_490 {dimension_numbers = #tpu.dot_dimension_numbers<[1], [0], [0], [1], [0, 0, 1, 1], [], []>, transpose_lhs_hint = false} : vector<400x256xf32>, vector<256x1024xf32>, vector<400x1024xf32> -> vector<400x1024xf32>
    %dot_general3A_492 = arith.constant dense<0.000000e+00> : vector<400x1024xf32>
    %dot_general3A_493 = tpu.matmul %mul3A_487, %get3A_7, %dot_general3A_492 {dimension_numbers = #tpu.dot_dimension_numbers<[1], [0], [0], [1], [0, 0, 1, 1], [], []>, transpose_lhs_hint = false} : vector<400x256xf32>, vector<256x1024xf32>, vector<400x1024xf32> -> vector<400x1024xf32>
    %add3A_494 = arith.addf %dot_general3A_491, %dot_general3A_493 : vector<400x1024xf32>
    %add3A_495 = vector.broadcast %get3A_10 : vector<1x1024xf32> to vector<400x1024xf32>
    %add3A_496 = arith.addf %add3A_494, %add3A_495 : vector<400x1024xf32>
    %slice3A_497 = vector.extract_strided_slice %add3A_496 {offsets = [0, 0], sizes = [400, 256], strides = [1, 1]} : vector<400x1024xf32> to vector<400x256xf32>
    %logistic3A_498 = arith.negf %slice3A_497 : vector<400x256xf32>
    %logistic3A_499 = math.exp %logistic3A_498 : vector<400x256xf32>
    %logistic3A_500 = arith.constant 1.000000e+00 : f32
    %logistic3A_501 = vector.broadcast %logistic3A_500 : f32 to vector<400x256xf32>
    %logistic3A_502 = arith.addf %logistic3A_501, %logistic3A_499 : vector<400x256xf32>
    %logistic3A_503 = arith.divf %logistic3A_501, %logistic3A_502 : vector<400x256xf32>
    %slice3A_504 = vector.extract_strided_slice %add3A_496 {offsets = [0, 256], sizes = [400, 256], strides = [1, 1]} : vector<400x1024xf32> to vector<400x256xf32>
    %logistic3A_505 = arith.negf %slice3A_504 : vector<400x256xf32>
    %logistic3A_506 = math.exp %logistic3A_505 : vector<400x256xf32>
    %logistic3A_507 = arith.constant 1.000000e+00 : f32
    %logistic3A_508 = vector.broadcast %logistic3A_507 : f32 to vector<400x256xf32>
    %logistic3A_509 = arith.addf %logistic3A_508, %logistic3A_506 : vector<400x256xf32>
    %logistic3A_510 = arith.divf %logistic3A_508, %logistic3A_509 : vector<400x256xf32>
    %slice3A_511 = vector.extract_strided_slice %add3A_496 {offsets = [0, 512], sizes = [400, 256], strides = [1, 1]} : vector<400x1024xf32> to vector<400x256xf32>
    %tanh3A_512 = math.tanh %slice3A_511 : vector<400x256xf32>
    %slice3A_513 = vector.extract_strided_slice %add3A_496 {offsets = [0, 768], sizes = [400, 256], strides = [1, 1]} : vector<400x1024xf32> to vector<400x256xf32>
    %logistic3A_514 = arith.negf %slice3A_513 : vector<400x256xf32>
    %logistic3A_515 = math.exp %logistic3A_514 : vector<400x256xf32>
    %logistic3A_516 = arith.constant 1.000000e+00 : f32
    %logistic3A_517 = vector.broadcast %logistic3A_516 : f32 to vector<400x256xf32>
    %logistic3A_518 = arith.addf %logistic3A_517, %logistic3A_515 : vector<400x256xf32>
    %logistic3A_519 = arith.divf %logistic3A_517, %logistic3A_518 : vector<400x256xf32>
    %mul3A_520 = arith.mulf %logistic3A_510, %add3A_485 : vector<400x256xf32>
    %mul3A_521 = arith.mulf %logistic3A_503, %tanh3A_512 : vector<400x256xf32>
    %add3A_522 = arith.addf %mul3A_520, %mul3A_521 : vector<400x256xf32>
    %tanh3A_523 = math.tanh %add3A_522 : vector<400x256xf32>
    %mul3A_524 = arith.mulf %logistic3A_519, %tanh3A_523 : vector<400x256xf32>
    %slice3A_525 = vector.extract_strided_slice %reshape3A {offsets = [0, 14, 0], sizes = [400, 1, 256], strides = [1, 1, 1]} : vector<400x16x256xf32> to vector<400x1x256xf32>
    %squeeze3A_526 = vector.shape_cast %slice3A_525 : vector<400x1x256xf32> to vector<400x256xf32>
    %dot_general3A_527 = arith.constant dense<0.000000e+00> : vector<400x1024xf32>
    %dot_general3A_528 = tpu.matmul %squeeze3A_526, %get3A_4, %dot_general3A_527 {dimension_numbers = #tpu.dot_dimension_numbers<[1], [0], [0], [1], [0, 0, 1, 1], [], []>, transpose_lhs_hint = false} : vector<400x256xf32>, vector<256x1024xf32>, vector<400x1024xf32> -> vector<400x1024xf32>
    %dot_general3A_529 = arith.constant dense<0.000000e+00> : vector<400x1024xf32>
    %dot_general3A_530 = tpu.matmul %mul3A_524, %get3A_7, %dot_general3A_529 {dimension_numbers = #tpu.dot_dimension_numbers<[1], [0], [0], [1], [0, 0, 1, 1], [], []>, transpose_lhs_hint = false} : vector<400x256xf32>, vector<256x1024xf32>, vector<400x1024xf32> -> vector<400x1024xf32>
    %add3A_531 = arith.addf %dot_general3A_528, %dot_general3A_530 : vector<400x1024xf32>
    %add3A_532 = vector.broadcast %get3A_10 : vector<1x1024xf32> to vector<400x1024xf32>
    %add3A_533 = arith.addf %add3A_531, %add3A_532 : vector<400x1024xf32>
    %slice3A_534 = vector.extract_strided_slice %add3A_533 {offsets = [0, 0], sizes = [400, 256], strides = [1, 1]} : vector<400x1024xf32> to vector<400x256xf32>
    %logistic3A_535 = arith.negf %slice3A_534 : vector<400x256xf32>
    %logistic3A_536 = math.exp %logistic3A_535 : vector<400x256xf32>
    %logistic3A_537 = arith.constant 1.000000e+00 : f32
    %logistic3A_538 = vector.broadcast %logistic3A_537 : f32 to vector<400x256xf32>
    %logistic3A_539 = arith.addf %logistic3A_538, %logistic3A_536 : vector<400x256xf32>
    %logistic3A_540 = arith.divf %logistic3A_538, %logistic3A_539 : vector<400x256xf32>
    %slice3A_541 = vector.extract_strided_slice %add3A_533 {offsets = [0, 256], sizes = [400, 256], strides = [1, 1]} : vector<400x1024xf32> to vector<400x256xf32>
    %logistic3A_542 = arith.negf %slice3A_541 : vector<400x256xf32>
    %logistic3A_543 = math.exp %logistic3A_542 : vector<400x256xf32>
    %logistic3A_544 = arith.constant 1.000000e+00 : f32
    %logistic3A_545 = vector.broadcast %logistic3A_544 : f32 to vector<400x256xf32>
    %logistic3A_546 = arith.addf %logistic3A_545, %logistic3A_543 : vector<400x256xf32>
    %logistic3A_547 = arith.divf %logistic3A_545, %logistic3A_546 : vector<400x256xf32>
    %slice3A_548 = vector.extract_strided_slice %add3A_533 {offsets = [0, 512], sizes = [400, 256], strides = [1, 1]} : vector<400x1024xf32> to vector<400x256xf32>
    %tanh3A_549 = math.tanh %slice3A_548 : vector<400x256xf32>
    %slice3A_550 = vector.extract_strided_slice %add3A_533 {offsets = [0, 768], sizes = [400, 256], strides = [1, 1]} : vector<400x1024xf32> to vector<400x256xf32>
    %logistic3A_551 = arith.negf %slice3A_550 : vector<400x256xf32>
    %logistic3A_552 = math.exp %logistic3A_551 : vector<400x256xf32>
    %logistic3A_553 = arith.constant 1.000000e+00 : f32
    %logistic3A_554 = vector.broadcast %logistic3A_553 : f32 to vector<400x256xf32>
    %logistic3A_555 = arith.addf %logistic3A_554, %logistic3A_552 : vector<400x256xf32>
    %logistic3A_556 = arith.divf %logistic3A_554, %logistic3A_555 : vector<400x256xf32>
    %mul3A_557 = arith.mulf %logistic3A_547, %add3A_522 : vector<400x256xf32>
    %mul3A_558 = arith.mulf %logistic3A_540, %tanh3A_549 : vector<400x256xf32>
    %add3A_559 = arith.addf %mul3A_557, %mul3A_558 : vector<400x256xf32>
    %tanh3A_560 = math.tanh %add3A_559 : vector<400x256xf32>
    %mul3A_561 = arith.mulf %logistic3A_556, %tanh3A_560 : vector<400x256xf32>
    %slice3A_562 = vector.extract_strided_slice %reshape3A {offsets = [0, 15, 0], sizes = [400, 1, 256], strides = [1, 1, 1]} : vector<400x16x256xf32> to vector<400x1x256xf32>
    %squeeze3A_563 = vector.shape_cast %slice3A_562 : vector<400x1x256xf32> to vector<400x256xf32>
    %dot_general3A_564 = arith.constant dense<0.000000e+00> : vector<400x1024xf32>
    %dot_general3A_565 = tpu.matmul %squeeze3A_563, %get3A_4, %dot_general3A_564 {dimension_numbers = #tpu.dot_dimension_numbers<[1], [0], [0], [1], [0, 0, 1, 1], [], []>, transpose_lhs_hint = false} : vector<400x256xf32>, vector<256x1024xf32>, vector<400x1024xf32> -> vector<400x1024xf32>
    %dot_general3A_566 = arith.constant dense<0.000000e+00> : vector<400x1024xf32>
    %dot_general3A_567 = tpu.matmul %mul3A_561, %get3A_7, %dot_general3A_566 {dimension_numbers = #tpu.dot_dimension_numbers<[1], [0], [0], [1], [0, 0, 1, 1], [], []>, transpose_lhs_hint = false} : vector<400x256xf32>, vector<256x1024xf32>, vector<400x1024xf32> -> vector<400x1024xf32>
    %add3A_568 = arith.addf %dot_general3A_565, %dot_general3A_567 : vector<400x1024xf32>
    %add3A_569 = vector.broadcast %get3A_10 : vector<1x1024xf32> to vector<400x1024xf32>
    %add3A_570 = arith.addf %add3A_568, %add3A_569 : vector<400x1024xf32>
    %slice3A_571 = vector.extract_strided_slice %add3A_570 {offsets = [0, 0], sizes = [400, 256], strides = [1, 1]} : vector<400x1024xf32> to vector<400x256xf32>
    %logistic3A_572 = arith.negf %slice3A_571 : vector<400x256xf32>
    %logistic3A_573 = math.exp %logistic3A_572 : vector<400x256xf32>
    %logistic3A_574 = arith.constant 1.000000e+00 : f32
    %logistic3A_575 = vector.broadcast %logistic3A_574 : f32 to vector<400x256xf32>
    %logistic3A_576 = arith.addf %logistic3A_575, %logistic3A_573 : vector<400x256xf32>
    %logistic3A_577 = arith.divf %logistic3A_575, %logistic3A_576 : vector<400x256xf32>
    %slice3A_578 = vector.extract_strided_slice %add3A_570 {offsets = [0, 256], sizes = [400, 256], strides = [1, 1]} : vector<400x1024xf32> to vector<400x256xf32>
    %logistic3A_579 = arith.negf %slice3A_578 : vector<400x256xf32>
    %logistic3A_580 = math.exp %logistic3A_579 : vector<400x256xf32>
    %logistic3A_581 = arith.constant 1.000000e+00 : f32
    %logistic3A_582 = vector.broadcast %logistic3A_581 : f32 to vector<400x256xf32>
    %logistic3A_583 = arith.addf %logistic3A_582, %logistic3A_580 : vector<400x256xf32>
    %logistic3A_584 = arith.divf %logistic3A_582, %logistic3A_583 : vector<400x256xf32>
    %slice3A_585 = vector.extract_strided_slice %add3A_570 {offsets = [0, 512], sizes = [400, 256], strides = [1, 1]} : vector<400x1024xf32> to vector<400x256xf32>
    %tanh3A_586 = math.tanh %slice3A_585 : vector<400x256xf32>
    %slice3A_587 = vector.extract_strided_slice %add3A_570 {offsets = [0, 768], sizes = [400, 256], strides = [1, 1]} : vector<400x1024xf32> to vector<400x256xf32>
    %logistic3A_588 = arith.negf %slice3A_587 : vector<400x256xf32>
    %logistic3A_589 = math.exp %logistic3A_588 : vector<400x256xf32>
    %logistic3A_590 = arith.constant 1.000000e+00 : f32
    %logistic3A_591 = vector.broadcast %logistic3A_590 : f32 to vector<400x256xf32>
    %logistic3A_592 = arith.addf %logistic3A_591, %logistic3A_589 : vector<400x256xf32>
    %logistic3A_593 = arith.divf %logistic3A_591, %logistic3A_592 : vector<400x256xf32>
    %mul3A_594 = arith.mulf %logistic3A_584, %add3A_559 : vector<400x256xf32>
    %mul3A_595 = arith.mulf %logistic3A_577, %tanh3A_586 : vector<400x256xf32>
    %add3A_596 = arith.addf %mul3A_594, %mul3A_595 : vector<400x256xf32>
    %tanh3A_597 = math.tanh %add3A_596 : vector<400x256xf32>
    %mul3A_598 = arith.mulf %logistic3A_593, %tanh3A_597 : vector<400x256xf32>
    %get3A_599 = arith.constant 0 : index
    %get3A_600 = arith.constant 0 : index
    %get3A_601 = vector.load %arg2[%get3A_599, %get3A_600] : memref<400x256xf32, #tpu.memory_space<vmem>>, vector<400x256xf32>
    %get3A_602 = arith.constant 0 : index
    %get3A_603 = arith.constant 0 : index
    %get3A_604 = vector.load %arg6[%get3A_602, %get3A_603] : memref<256x32xf32, #tpu.memory_space<vmem>>, vector<256x32xf32>
    %dot_general3A_605 = arith.constant dense<0.000000e+00> : vector<400x32xf32>
    %dot_general3A_606 = tpu.matmul %get3A_601, %get3A_604, %dot_general3A_605 {dimension_numbers = #tpu.dot_dimension_numbers<[1], [0], [0], [1], [0, 0, 1, 1], [], []>, transpose_lhs_hint = false} : vector<400x256xf32>, vector<256x32xf32>, vector<400x32xf32> -> vector<400x32xf32>
    %get3A_607 = arith.constant 0 : index
    %get3A_608 = arith.constant 0 : index
    %get3A_609 = vector.load %arg7[%get3A_607, %get3A_608] : memref<1x32xf32, #tpu.memory_space<vmem>>, vector<1x32xf32>
    %add3A_610 = vector.broadcast %get3A_609 : vector<1x32xf32> to vector<400x32xf32>
    %add3A_611 = arith.addf %dot_general3A_606, %add3A_610 : vector<400x32xf32>
    %get3A_612 = arith.constant 0 : index
    %get3A_613 = arith.constant 0 : index
    %get3A_614 = vector.load %arg8[%get3A_612, %get3A_613] : memref<256x32xf32, #tpu.memory_space<vmem>>, vector<256x32xf32>
    %dot_general3A_615 = arith.constant dense<0.000000e+00> : vector<400x32xf32>
    %dot_general3A_616 = tpu.matmul %mul3A_598, %get3A_614, %dot_general3A_615 {dimension_numbers = #tpu.dot_dimension_numbers<[1], [0], [0], [1], [0, 0, 1, 1], [], []>, transpose_lhs_hint = false} : vector<400x256xf32>, vector<256x32xf32>, vector<400x32xf32> -> vector<400x32xf32>
    %add3A_617 = arith.addf %add3A_611, %dot_general3A_616 : vector<400x32xf32>
    %max3A = arith.constant 0.000000e+00 : f32
    %max3A_618 = vector.broadcast %max3A : f32 to vector<400x32xf32>
    %max3A_619 = arith.maximumf %add3A_617, %max3A_618 : vector<400x32xf32>
    %swap3A = arith.constant 0 : index
    %swap3A_620 = arith.constant 0 : index
    %swap3A_621 = vector.load %arg10[%swap3A, %swap3A_620] : memref<400x32xf32, #tpu.memory_space<vmem>>, vector<400x32xf32>
    tpu.vector_store %arg10[%swap3A, %swap3A_620], %max3A_619 {strides = array<i32>} : memref<400x32xf32, #tpu.memory_space<vmem>>, vector<400x32xf32>,
    %get3A_622 = arith.constant 0 : index
    %get3A_623 = arith.constant 0 : index
    %get3A_624 = vector.load %arg9[%get3A_622, %get3A_623] : memref<32x128xf32, #tpu.memory_space<vmem>>, vector<32x128xf32>
    %dot_general3A_625 = arith.constant dense<0.000000e+00> : vector<400x128xf32>
    %dot_general3A_626 = tpu.matmul %max3A_619, %get3A_624, %dot_general3A_625 {dimension_numbers = #tpu.dot_dimension_numbers<[1], [0], [0], [1], [0, 0, 1, 1], [], []>, transpose_lhs_hint = false} : vector<400x32xf32>, vector<32x128xf32>, vector<400x128xf32> -> vector<400x128xf32>
    %swap3A_627 = arith.constant 0 : index
    %swap3A_628 = arith.constant 0 : index
    %swap3A_629 = vector.load %arg11[%swap3A_627, %swap3A_628] : memref<400x128xf32, #tpu.memory_space<vmem>>, vector<400x128xf32>
    tpu.vector_store %arg11[%swap3A_627, %swap3A_628], %dot_general3A_626 {strides = array<i32>} : memref<400x128xf32, #tpu.memory_space<vmem>>, vector<400x128xf32>,
    return
  }
  func.func @transform_0(%arg0: i32) -> (i32, i32) {
    %c0_i32 = arith.constant 0 : i32
    %c0_i32_0 = arith.constant 0 : i32
    return %arg0, %c0_i32 : i32, i32
  }
  func.func @transform_1(%arg0: i32) -> (i32, i32) {
    %c0_i32 = arith.constant 0 : i32
    %c0_i32_0 = arith.constant 0 : i32
    return %arg0, %c0_i32 : i32, i32
  }
  func.func @transform_2(%arg0: i32) -> (i32, i32) {
    %c0_i32 = arith.constant 0 : i32
    %c0_i32_0 = arith.constant 0 : i32
    %c0_i32_1 = arith.constant 0 : i32
    return %c0_i32, %c0_i32_0 : i32, i32
  }
  func.func @transform_3(%arg0: i32) -> (i32, i32) {
    %c0_i32 = arith.constant 0 : i32
    %c0_i32_0 = arith.constant 0 : i32
    %c0_i32_1 = arith.constant 0 : i32
    return %c0_i32, %c0_i32_0 : i32, i32
  }
  func.func @transform_4(%arg0: i32) -> (i32, i32) {
    %c0_i32 = arith.constant 0 : i32
    %c0_i32_0 = arith.constant 0 : i32
    %c0_i32_1 = arith.constant 0 : i32
    return %c0_i32, %c0_i32_0 : i32, i32
  }
  func.func @transform_5(%arg0: i32) -> (i32, i32) {
    %c0_i32 = arith.constant 0 : i32
    %c0_i32_0 = arith.constant 0 : i32
    %c0_i32_1 = arith.constant 0 : i32
    return %c0_i32, %c0_i32_0 : i32, i32
  }
  func.func @transform_6(%arg0: i32) -> (i32, i32) {
    %c0_i32 = arith.constant 0 : i32
    %c0_i32_0 = arith.constant 0 : i32
    %c0_i32_1 = arith.constant 0 : i32
    return %c0_i32, %c0_i32_0 : i32, i32
  }
  func.func @transform_7(%arg0: i32) -> (i32, i32) {
    %c0_i32 = arith.constant 0 : i32
    %c0_i32_0 = arith.constant 0 : i32
    %c0_i32_1 = arith.constant 0 : i32
    return %c0_i32, %c0_i32_0 : i32, i32
  }
  func.func @transform_8(%arg0: i32) -> (i32, i32) {
    %c0_i32 = arith.constant 0 : i32
    %c0_i32_0 = arith.constant 0 : i32
    %c0_i32_1 = arith.constant 0 : i32
    return %c0_i32, %c0_i32_0 : i32, i32
  }
  func.func @transform_9(%arg0: i32) -> (i32, i32) {
    %c0_i32 = arith.constant 0 : i32
    %c0_i32_0 = arith.constant 0 : i32
    return %arg0, %c0_i32 : i32, i32
  }
  func.func @transform_10(%arg0: i32) -> (i32, i32) {
    %c0_i32 = arith.constant 0 : i32
    %c0_i32_0 = arith.constant 0 : i32
    return %arg0, %c0_i32 : i32, i32
  }
}

module attributes {stable_mosaic.version = 14 : i64} {
  func.func @_nnconv_body(%arg0: i32, %arg1: memref<3200x128xf32, #tpu.memory_space<vmem>>, %arg2: memref<3200x16xf32, #tpu.memory_space<vmem>>, %arg3: memref<512x32xf32, #tpu.memory_space<vmem>>, %arg4: memref<32x32xf32, #tpu.memory_space<vmem>>, %arg5: memref<1x32xf32, #tpu.memory_space<vmem>>, %arg6: memref<32x128xf32, #tpu.memory_space<vmem>>, %arg7: memref<200x32xf32, #tpu.memory_space<vmem>>, %arg8: memref<200x128xf32, #tpu.memory_space<vmem>>) attributes {dimension_semantics = [#tpu.dimension_semantics<arbitrary>], iteration_bounds = array<i64: 50>, scalar_prefetch = 0 : i64, scratch_operands = 0 : i64, tpu.core_type = #tpu.core_type<tc>, window_params = [{transform_indices = @transform_0, window_bounds = array<i64: 3200, 128>}, {transform_indices = @transform_1, window_bounds = array<i64: 3200, 16>}, {pipeline_mode = #tpu.pipeline_mode<synchronous>, transform_indices = @transform_2, window_bounds = array<i64: 512, 32>}, {pipeline_mode = #tpu.pipeline_mode<synchronous>, transform_indices = @transform_3, window_bounds = array<i64: 32, 32>}, {pipeline_mode = #tpu.pipeline_mode<synchronous>, transform_indices = @transform_4, window_bounds = array<i64: 1, 32>}, {pipeline_mode = #tpu.pipeline_mode<synchronous>, transform_indices = @transform_5, window_bounds = array<i64: 32, 128>}, {transform_indices = @transform_6, window_bounds = array<i64: 200, 32>}, {transform_indices = @transform_7, window_bounds = array<i64: 200, 128>}]} {
    %get3A = arith.constant 0 : index
    %get3A_0 = arith.constant 0 : index
    %get3A_1 = vector.load %arg1[%get3A, %get3A_0] : memref<3200x128xf32, #tpu.memory_space<vmem>>, vector<3200x128xf32>
    %slice3A = vector.extract_strided_slice %get3A_1 {offsets = [0, 0], sizes = [3200, 32], strides = [1, 1]} : vector<3200x128xf32> to vector<3200x32xf32>
    %reshape3A = vector.shape_cast %slice3A : vector<3200x32xf32> to vector<200x16x32xf32>
    %get3A_2 = arith.constant 0 : index
    %get3A_3 = arith.constant 0 : index
    %get3A_4 = vector.load %arg2[%get3A_2, %get3A_3] : memref<3200x16xf32, #tpu.memory_space<vmem>>, vector<3200x16xf32>
    %reshape3A_5 = vector.shape_cast %get3A_4 : vector<3200x16xf32> to vector<200x16x16xf32>
    %broadcast_in_dim3A = arith.constant 0.000000e+00 : f32
    %broadcast_in_dim3A_6 = vector.broadcast %broadcast_in_dim3A : f32 to vector<200x512xf32>
    %slice3A_7 = vector.extract_strided_slice %reshape3A {offsets = [0, 0, 0], sizes = [200, 1, 32], strides = [1, 1, 1]} : vector<200x16x32xf32> to vector<200x1x32xf32>
    %squeeze3A = vector.shape_cast %slice3A_7 : vector<200x1x32xf32> to vector<200x32xf32>
    %broadcast_in_dim3A_8 = vector.shape_cast %squeeze3A : vector<200x32xf32> to vector<200x32x1xf32>
    %slice3A_9 = vector.extract_strided_slice %reshape3A_5 {offsets = [0, 0, 0], sizes = [200, 1, 16], strides = [1, 1, 1]} : vector<200x16x16xf32> to vector<200x1x16xf32>
    %squeeze3A_10 = vector.shape_cast %slice3A_9 : vector<200x1x16xf32> to vector<200x16xf32>
    %broadcast_in_dim3A_11 = vector.shape_cast %squeeze3A_10 : vector<200x16xf32> to vector<200x1x16xf32>
    %mul3A = vector.broadcast %broadcast_in_dim3A_8 : vector<200x32x1xf32> to vector<200x32x16xf32>
    %mul3A_12 = vector.broadcast %broadcast_in_dim3A_11 : vector<200x1x16xf32> to vector<200x32x16xf32>
    %mul3A_13 = arith.mulf %mul3A, %mul3A_12 : vector<200x32x16xf32>
    %reshape3A_14 = vector.shape_cast %mul3A_13 : vector<200x32x16xf32> to vector<200x512xf32>
    %add3A = arith.addf %broadcast_in_dim3A_6, %reshape3A_14 : vector<200x512xf32>
    %slice3A_15 = vector.extract_strided_slice %reshape3A {offsets = [0, 1, 0], sizes = [200, 1, 32], strides = [1, 1, 1]} : vector<200x16x32xf32> to vector<200x1x32xf32>
    %squeeze3A_16 = vector.shape_cast %slice3A_15 : vector<200x1x32xf32> to vector<200x32xf32>
    %broadcast_in_dim3A_17 = vector.shape_cast %squeeze3A_16 : vector<200x32xf32> to vector<200x32x1xf32>
    %slice3A_18 = vector.extract_strided_slice %reshape3A_5 {offsets = [0, 1, 0], sizes = [200, 1, 16], strides = [1, 1, 1]} : vector<200x16x16xf32> to vector<200x1x16xf32>
    %squeeze3A_19 = vector.shape_cast %slice3A_18 : vector<200x1x16xf32> to vector<200x16xf32>
    %broadcast_in_dim3A_20 = vector.shape_cast %squeeze3A_19 : vector<200x16xf32> to vector<200x1x16xf32>
    %mul3A_21 = vector.broadcast %broadcast_in_dim3A_17 : vector<200x32x1xf32> to vector<200x32x16xf32>
    %mul3A_22 = vector.broadcast %broadcast_in_dim3A_20 : vector<200x1x16xf32> to vector<200x32x16xf32>
    %mul3A_23 = arith.mulf %mul3A_21, %mul3A_22 : vector<200x32x16xf32>
    %reshape3A_24 = vector.shape_cast %mul3A_23 : vector<200x32x16xf32> to vector<200x512xf32>
    %add3A_25 = arith.addf %add3A, %reshape3A_24 : vector<200x512xf32>
    %slice3A_26 = vector.extract_strided_slice %reshape3A {offsets = [0, 2, 0], sizes = [200, 1, 32], strides = [1, 1, 1]} : vector<200x16x32xf32> to vector<200x1x32xf32>
    %squeeze3A_27 = vector.shape_cast %slice3A_26 : vector<200x1x32xf32> to vector<200x32xf32>
    %broadcast_in_dim3A_28 = vector.shape_cast %squeeze3A_27 : vector<200x32xf32> to vector<200x32x1xf32>
    %slice3A_29 = vector.extract_strided_slice %reshape3A_5 {offsets = [0, 2, 0], sizes = [200, 1, 16], strides = [1, 1, 1]} : vector<200x16x16xf32> to vector<200x1x16xf32>
    %squeeze3A_30 = vector.shape_cast %slice3A_29 : vector<200x1x16xf32> to vector<200x16xf32>
    %broadcast_in_dim3A_31 = vector.shape_cast %squeeze3A_30 : vector<200x16xf32> to vector<200x1x16xf32>
    %mul3A_32 = vector.broadcast %broadcast_in_dim3A_28 : vector<200x32x1xf32> to vector<200x32x16xf32>
    %mul3A_33 = vector.broadcast %broadcast_in_dim3A_31 : vector<200x1x16xf32> to vector<200x32x16xf32>
    %mul3A_34 = arith.mulf %mul3A_32, %mul3A_33 : vector<200x32x16xf32>
    %reshape3A_35 = vector.shape_cast %mul3A_34 : vector<200x32x16xf32> to vector<200x512xf32>
    %add3A_36 = arith.addf %add3A_25, %reshape3A_35 : vector<200x512xf32>
    %slice3A_37 = vector.extract_strided_slice %reshape3A {offsets = [0, 3, 0], sizes = [200, 1, 32], strides = [1, 1, 1]} : vector<200x16x32xf32> to vector<200x1x32xf32>
    %squeeze3A_38 = vector.shape_cast %slice3A_37 : vector<200x1x32xf32> to vector<200x32xf32>
    %broadcast_in_dim3A_39 = vector.shape_cast %squeeze3A_38 : vector<200x32xf32> to vector<200x32x1xf32>
    %slice3A_40 = vector.extract_strided_slice %reshape3A_5 {offsets = [0, 3, 0], sizes = [200, 1, 16], strides = [1, 1, 1]} : vector<200x16x16xf32> to vector<200x1x16xf32>
    %squeeze3A_41 = vector.shape_cast %slice3A_40 : vector<200x1x16xf32> to vector<200x16xf32>
    %broadcast_in_dim3A_42 = vector.shape_cast %squeeze3A_41 : vector<200x16xf32> to vector<200x1x16xf32>
    %mul3A_43 = vector.broadcast %broadcast_in_dim3A_39 : vector<200x32x1xf32> to vector<200x32x16xf32>
    %mul3A_44 = vector.broadcast %broadcast_in_dim3A_42 : vector<200x1x16xf32> to vector<200x32x16xf32>
    %mul3A_45 = arith.mulf %mul3A_43, %mul3A_44 : vector<200x32x16xf32>
    %reshape3A_46 = vector.shape_cast %mul3A_45 : vector<200x32x16xf32> to vector<200x512xf32>
    %add3A_47 = arith.addf %add3A_36, %reshape3A_46 : vector<200x512xf32>
    %slice3A_48 = vector.extract_strided_slice %reshape3A {offsets = [0, 4, 0], sizes = [200, 1, 32], strides = [1, 1, 1]} : vector<200x16x32xf32> to vector<200x1x32xf32>
    %squeeze3A_49 = vector.shape_cast %slice3A_48 : vector<200x1x32xf32> to vector<200x32xf32>
    %broadcast_in_dim3A_50 = vector.shape_cast %squeeze3A_49 : vector<200x32xf32> to vector<200x32x1xf32>
    %slice3A_51 = vector.extract_strided_slice %reshape3A_5 {offsets = [0, 4, 0], sizes = [200, 1, 16], strides = [1, 1, 1]} : vector<200x16x16xf32> to vector<200x1x16xf32>
    %squeeze3A_52 = vector.shape_cast %slice3A_51 : vector<200x1x16xf32> to vector<200x16xf32>
    %broadcast_in_dim3A_53 = vector.shape_cast %squeeze3A_52 : vector<200x16xf32> to vector<200x1x16xf32>
    %mul3A_54 = vector.broadcast %broadcast_in_dim3A_50 : vector<200x32x1xf32> to vector<200x32x16xf32>
    %mul3A_55 = vector.broadcast %broadcast_in_dim3A_53 : vector<200x1x16xf32> to vector<200x32x16xf32>
    %mul3A_56 = arith.mulf %mul3A_54, %mul3A_55 : vector<200x32x16xf32>
    %reshape3A_57 = vector.shape_cast %mul3A_56 : vector<200x32x16xf32> to vector<200x512xf32>
    %add3A_58 = arith.addf %add3A_47, %reshape3A_57 : vector<200x512xf32>
    %slice3A_59 = vector.extract_strided_slice %reshape3A {offsets = [0, 5, 0], sizes = [200, 1, 32], strides = [1, 1, 1]} : vector<200x16x32xf32> to vector<200x1x32xf32>
    %squeeze3A_60 = vector.shape_cast %slice3A_59 : vector<200x1x32xf32> to vector<200x32xf32>
    %broadcast_in_dim3A_61 = vector.shape_cast %squeeze3A_60 : vector<200x32xf32> to vector<200x32x1xf32>
    %slice3A_62 = vector.extract_strided_slice %reshape3A_5 {offsets = [0, 5, 0], sizes = [200, 1, 16], strides = [1, 1, 1]} : vector<200x16x16xf32> to vector<200x1x16xf32>
    %squeeze3A_63 = vector.shape_cast %slice3A_62 : vector<200x1x16xf32> to vector<200x16xf32>
    %broadcast_in_dim3A_64 = vector.shape_cast %squeeze3A_63 : vector<200x16xf32> to vector<200x1x16xf32>
    %mul3A_65 = vector.broadcast %broadcast_in_dim3A_61 : vector<200x32x1xf32> to vector<200x32x16xf32>
    %mul3A_66 = vector.broadcast %broadcast_in_dim3A_64 : vector<200x1x16xf32> to vector<200x32x16xf32>
    %mul3A_67 = arith.mulf %mul3A_65, %mul3A_66 : vector<200x32x16xf32>
    %reshape3A_68 = vector.shape_cast %mul3A_67 : vector<200x32x16xf32> to vector<200x512xf32>
    %add3A_69 = arith.addf %add3A_58, %reshape3A_68 : vector<200x512xf32>
    %slice3A_70 = vector.extract_strided_slice %reshape3A {offsets = [0, 6, 0], sizes = [200, 1, 32], strides = [1, 1, 1]} : vector<200x16x32xf32> to vector<200x1x32xf32>
    %squeeze3A_71 = vector.shape_cast %slice3A_70 : vector<200x1x32xf32> to vector<200x32xf32>
    %broadcast_in_dim3A_72 = vector.shape_cast %squeeze3A_71 : vector<200x32xf32> to vector<200x32x1xf32>
    %slice3A_73 = vector.extract_strided_slice %reshape3A_5 {offsets = [0, 6, 0], sizes = [200, 1, 16], strides = [1, 1, 1]} : vector<200x16x16xf32> to vector<200x1x16xf32>
    %squeeze3A_74 = vector.shape_cast %slice3A_73 : vector<200x1x16xf32> to vector<200x16xf32>
    %broadcast_in_dim3A_75 = vector.shape_cast %squeeze3A_74 : vector<200x16xf32> to vector<200x1x16xf32>
    %mul3A_76 = vector.broadcast %broadcast_in_dim3A_72 : vector<200x32x1xf32> to vector<200x32x16xf32>
    %mul3A_77 = vector.broadcast %broadcast_in_dim3A_75 : vector<200x1x16xf32> to vector<200x32x16xf32>
    %mul3A_78 = arith.mulf %mul3A_76, %mul3A_77 : vector<200x32x16xf32>
    %reshape3A_79 = vector.shape_cast %mul3A_78 : vector<200x32x16xf32> to vector<200x512xf32>
    %add3A_80 = arith.addf %add3A_69, %reshape3A_79 : vector<200x512xf32>
    %slice3A_81 = vector.extract_strided_slice %reshape3A {offsets = [0, 7, 0], sizes = [200, 1, 32], strides = [1, 1, 1]} : vector<200x16x32xf32> to vector<200x1x32xf32>
    %squeeze3A_82 = vector.shape_cast %slice3A_81 : vector<200x1x32xf32> to vector<200x32xf32>
    %broadcast_in_dim3A_83 = vector.shape_cast %squeeze3A_82 : vector<200x32xf32> to vector<200x32x1xf32>
    %slice3A_84 = vector.extract_strided_slice %reshape3A_5 {offsets = [0, 7, 0], sizes = [200, 1, 16], strides = [1, 1, 1]} : vector<200x16x16xf32> to vector<200x1x16xf32>
    %squeeze3A_85 = vector.shape_cast %slice3A_84 : vector<200x1x16xf32> to vector<200x16xf32>
    %broadcast_in_dim3A_86 = vector.shape_cast %squeeze3A_85 : vector<200x16xf32> to vector<200x1x16xf32>
    %mul3A_87 = vector.broadcast %broadcast_in_dim3A_83 : vector<200x32x1xf32> to vector<200x32x16xf32>
    %mul3A_88 = vector.broadcast %broadcast_in_dim3A_86 : vector<200x1x16xf32> to vector<200x32x16xf32>
    %mul3A_89 = arith.mulf %mul3A_87, %mul3A_88 : vector<200x32x16xf32>
    %reshape3A_90 = vector.shape_cast %mul3A_89 : vector<200x32x16xf32> to vector<200x512xf32>
    %add3A_91 = arith.addf %add3A_80, %reshape3A_90 : vector<200x512xf32>
    %slice3A_92 = vector.extract_strided_slice %reshape3A {offsets = [0, 8, 0], sizes = [200, 1, 32], strides = [1, 1, 1]} : vector<200x16x32xf32> to vector<200x1x32xf32>
    %squeeze3A_93 = vector.shape_cast %slice3A_92 : vector<200x1x32xf32> to vector<200x32xf32>
    %broadcast_in_dim3A_94 = vector.shape_cast %squeeze3A_93 : vector<200x32xf32> to vector<200x32x1xf32>
    %slice3A_95 = vector.extract_strided_slice %reshape3A_5 {offsets = [0, 8, 0], sizes = [200, 1, 16], strides = [1, 1, 1]} : vector<200x16x16xf32> to vector<200x1x16xf32>
    %squeeze3A_96 = vector.shape_cast %slice3A_95 : vector<200x1x16xf32> to vector<200x16xf32>
    %broadcast_in_dim3A_97 = vector.shape_cast %squeeze3A_96 : vector<200x16xf32> to vector<200x1x16xf32>
    %mul3A_98 = vector.broadcast %broadcast_in_dim3A_94 : vector<200x32x1xf32> to vector<200x32x16xf32>
    %mul3A_99 = vector.broadcast %broadcast_in_dim3A_97 : vector<200x1x16xf32> to vector<200x32x16xf32>
    %mul3A_100 = arith.mulf %mul3A_98, %mul3A_99 : vector<200x32x16xf32>
    %reshape3A_101 = vector.shape_cast %mul3A_100 : vector<200x32x16xf32> to vector<200x512xf32>
    %add3A_102 = arith.addf %add3A_91, %reshape3A_101 : vector<200x512xf32>
    %slice3A_103 = vector.extract_strided_slice %reshape3A {offsets = [0, 9, 0], sizes = [200, 1, 32], strides = [1, 1, 1]} : vector<200x16x32xf32> to vector<200x1x32xf32>
    %squeeze3A_104 = vector.shape_cast %slice3A_103 : vector<200x1x32xf32> to vector<200x32xf32>
    %broadcast_in_dim3A_105 = vector.shape_cast %squeeze3A_104 : vector<200x32xf32> to vector<200x32x1xf32>
    %slice3A_106 = vector.extract_strided_slice %reshape3A_5 {offsets = [0, 9, 0], sizes = [200, 1, 16], strides = [1, 1, 1]} : vector<200x16x16xf32> to vector<200x1x16xf32>
    %squeeze3A_107 = vector.shape_cast %slice3A_106 : vector<200x1x16xf32> to vector<200x16xf32>
    %broadcast_in_dim3A_108 = vector.shape_cast %squeeze3A_107 : vector<200x16xf32> to vector<200x1x16xf32>
    %mul3A_109 = vector.broadcast %broadcast_in_dim3A_105 : vector<200x32x1xf32> to vector<200x32x16xf32>
    %mul3A_110 = vector.broadcast %broadcast_in_dim3A_108 : vector<200x1x16xf32> to vector<200x32x16xf32>
    %mul3A_111 = arith.mulf %mul3A_109, %mul3A_110 : vector<200x32x16xf32>
    %reshape3A_112 = vector.shape_cast %mul3A_111 : vector<200x32x16xf32> to vector<200x512xf32>
    %add3A_113 = arith.addf %add3A_102, %reshape3A_112 : vector<200x512xf32>
    %slice3A_114 = vector.extract_strided_slice %reshape3A {offsets = [0, 10, 0], sizes = [200, 1, 32], strides = [1, 1, 1]} : vector<200x16x32xf32> to vector<200x1x32xf32>
    %squeeze3A_115 = vector.shape_cast %slice3A_114 : vector<200x1x32xf32> to vector<200x32xf32>
    %broadcast_in_dim3A_116 = vector.shape_cast %squeeze3A_115 : vector<200x32xf32> to vector<200x32x1xf32>
    %slice3A_117 = vector.extract_strided_slice %reshape3A_5 {offsets = [0, 10, 0], sizes = [200, 1, 16], strides = [1, 1, 1]} : vector<200x16x16xf32> to vector<200x1x16xf32>
    %squeeze3A_118 = vector.shape_cast %slice3A_117 : vector<200x1x16xf32> to vector<200x16xf32>
    %broadcast_in_dim3A_119 = vector.shape_cast %squeeze3A_118 : vector<200x16xf32> to vector<200x1x16xf32>
    %mul3A_120 = vector.broadcast %broadcast_in_dim3A_116 : vector<200x32x1xf32> to vector<200x32x16xf32>
    %mul3A_121 = vector.broadcast %broadcast_in_dim3A_119 : vector<200x1x16xf32> to vector<200x32x16xf32>
    %mul3A_122 = arith.mulf %mul3A_120, %mul3A_121 : vector<200x32x16xf32>
    %reshape3A_123 = vector.shape_cast %mul3A_122 : vector<200x32x16xf32> to vector<200x512xf32>
    %add3A_124 = arith.addf %add3A_113, %reshape3A_123 : vector<200x512xf32>
    %slice3A_125 = vector.extract_strided_slice %reshape3A {offsets = [0, 11, 0], sizes = [200, 1, 32], strides = [1, 1, 1]} : vector<200x16x32xf32> to vector<200x1x32xf32>
    %squeeze3A_126 = vector.shape_cast %slice3A_125 : vector<200x1x32xf32> to vector<200x32xf32>
    %broadcast_in_dim3A_127 = vector.shape_cast %squeeze3A_126 : vector<200x32xf32> to vector<200x32x1xf32>
    %slice3A_128 = vector.extract_strided_slice %reshape3A_5 {offsets = [0, 11, 0], sizes = [200, 1, 16], strides = [1, 1, 1]} : vector<200x16x16xf32> to vector<200x1x16xf32>
    %squeeze3A_129 = vector.shape_cast %slice3A_128 : vector<200x1x16xf32> to vector<200x16xf32>
    %broadcast_in_dim3A_130 = vector.shape_cast %squeeze3A_129 : vector<200x16xf32> to vector<200x1x16xf32>
    %mul3A_131 = vector.broadcast %broadcast_in_dim3A_127 : vector<200x32x1xf32> to vector<200x32x16xf32>
    %mul3A_132 = vector.broadcast %broadcast_in_dim3A_130 : vector<200x1x16xf32> to vector<200x32x16xf32>
    %mul3A_133 = arith.mulf %mul3A_131, %mul3A_132 : vector<200x32x16xf32>
    %reshape3A_134 = vector.shape_cast %mul3A_133 : vector<200x32x16xf32> to vector<200x512xf32>
    %add3A_135 = arith.addf %add3A_124, %reshape3A_134 : vector<200x512xf32>
    %slice3A_136 = vector.extract_strided_slice %reshape3A {offsets = [0, 12, 0], sizes = [200, 1, 32], strides = [1, 1, 1]} : vector<200x16x32xf32> to vector<200x1x32xf32>
    %squeeze3A_137 = vector.shape_cast %slice3A_136 : vector<200x1x32xf32> to vector<200x32xf32>
    %broadcast_in_dim3A_138 = vector.shape_cast %squeeze3A_137 : vector<200x32xf32> to vector<200x32x1xf32>
    %slice3A_139 = vector.extract_strided_slice %reshape3A_5 {offsets = [0, 12, 0], sizes = [200, 1, 16], strides = [1, 1, 1]} : vector<200x16x16xf32> to vector<200x1x16xf32>
    %squeeze3A_140 = vector.shape_cast %slice3A_139 : vector<200x1x16xf32> to vector<200x16xf32>
    %broadcast_in_dim3A_141 = vector.shape_cast %squeeze3A_140 : vector<200x16xf32> to vector<200x1x16xf32>
    %mul3A_142 = vector.broadcast %broadcast_in_dim3A_138 : vector<200x32x1xf32> to vector<200x32x16xf32>
    %mul3A_143 = vector.broadcast %broadcast_in_dim3A_141 : vector<200x1x16xf32> to vector<200x32x16xf32>
    %mul3A_144 = arith.mulf %mul3A_142, %mul3A_143 : vector<200x32x16xf32>
    %reshape3A_145 = vector.shape_cast %mul3A_144 : vector<200x32x16xf32> to vector<200x512xf32>
    %add3A_146 = arith.addf %add3A_135, %reshape3A_145 : vector<200x512xf32>
    %slice3A_147 = vector.extract_strided_slice %reshape3A {offsets = [0, 13, 0], sizes = [200, 1, 32], strides = [1, 1, 1]} : vector<200x16x32xf32> to vector<200x1x32xf32>
    %squeeze3A_148 = vector.shape_cast %slice3A_147 : vector<200x1x32xf32> to vector<200x32xf32>
    %broadcast_in_dim3A_149 = vector.shape_cast %squeeze3A_148 : vector<200x32xf32> to vector<200x32x1xf32>
    %slice3A_150 = vector.extract_strided_slice %reshape3A_5 {offsets = [0, 13, 0], sizes = [200, 1, 16], strides = [1, 1, 1]} : vector<200x16x16xf32> to vector<200x1x16xf32>
    %squeeze3A_151 = vector.shape_cast %slice3A_150 : vector<200x1x16xf32> to vector<200x16xf32>
    %broadcast_in_dim3A_152 = vector.shape_cast %squeeze3A_151 : vector<200x16xf32> to vector<200x1x16xf32>
    %mul3A_153 = vector.broadcast %broadcast_in_dim3A_149 : vector<200x32x1xf32> to vector<200x32x16xf32>
    %mul3A_154 = vector.broadcast %broadcast_in_dim3A_152 : vector<200x1x16xf32> to vector<200x32x16xf32>
    %mul3A_155 = arith.mulf %mul3A_153, %mul3A_154 : vector<200x32x16xf32>
    %reshape3A_156 = vector.shape_cast %mul3A_155 : vector<200x32x16xf32> to vector<200x512xf32>
    %add3A_157 = arith.addf %add3A_146, %reshape3A_156 : vector<200x512xf32>
    %slice3A_158 = vector.extract_strided_slice %reshape3A {offsets = [0, 14, 0], sizes = [200, 1, 32], strides = [1, 1, 1]} : vector<200x16x32xf32> to vector<200x1x32xf32>
    %squeeze3A_159 = vector.shape_cast %slice3A_158 : vector<200x1x32xf32> to vector<200x32xf32>
    %broadcast_in_dim3A_160 = vector.shape_cast %squeeze3A_159 : vector<200x32xf32> to vector<200x32x1xf32>
    %slice3A_161 = vector.extract_strided_slice %reshape3A_5 {offsets = [0, 14, 0], sizes = [200, 1, 16], strides = [1, 1, 1]} : vector<200x16x16xf32> to vector<200x1x16xf32>
    %squeeze3A_162 = vector.shape_cast %slice3A_161 : vector<200x1x16xf32> to vector<200x16xf32>
    %broadcast_in_dim3A_163 = vector.shape_cast %squeeze3A_162 : vector<200x16xf32> to vector<200x1x16xf32>
    %mul3A_164 = vector.broadcast %broadcast_in_dim3A_160 : vector<200x32x1xf32> to vector<200x32x16xf32>
    %mul3A_165 = vector.broadcast %broadcast_in_dim3A_163 : vector<200x1x16xf32> to vector<200x32x16xf32>
    %mul3A_166 = arith.mulf %mul3A_164, %mul3A_165 : vector<200x32x16xf32>
    %reshape3A_167 = vector.shape_cast %mul3A_166 : vector<200x32x16xf32> to vector<200x512xf32>
    %add3A_168 = arith.addf %add3A_157, %reshape3A_167 : vector<200x512xf32>
    %slice3A_169 = vector.extract_strided_slice %reshape3A {offsets = [0, 15, 0], sizes = [200, 1, 32], strides = [1, 1, 1]} : vector<200x16x32xf32> to vector<200x1x32xf32>
    %squeeze3A_170 = vector.shape_cast %slice3A_169 : vector<200x1x32xf32> to vector<200x32xf32>
    %broadcast_in_dim3A_171 = vector.shape_cast %squeeze3A_170 : vector<200x32xf32> to vector<200x32x1xf32>
    %slice3A_172 = vector.extract_strided_slice %reshape3A_5 {offsets = [0, 15, 0], sizes = [200, 1, 16], strides = [1, 1, 1]} : vector<200x16x16xf32> to vector<200x1x16xf32>
    %squeeze3A_173 = vector.shape_cast %slice3A_172 : vector<200x1x16xf32> to vector<200x16xf32>
    %broadcast_in_dim3A_174 = vector.shape_cast %squeeze3A_173 : vector<200x16xf32> to vector<200x1x16xf32>
    %mul3A_175 = vector.broadcast %broadcast_in_dim3A_171 : vector<200x32x1xf32> to vector<200x32x16xf32>
    %mul3A_176 = vector.broadcast %broadcast_in_dim3A_174 : vector<200x1x16xf32> to vector<200x32x16xf32>
    %mul3A_177 = arith.mulf %mul3A_175, %mul3A_176 : vector<200x32x16xf32>
    %reshape3A_178 = vector.shape_cast %mul3A_177 : vector<200x32x16xf32> to vector<200x512xf32>
    %add3A_179 = arith.addf %add3A_168, %reshape3A_178 : vector<200x512xf32>
    %reduce_sum3A = arith.constant dense<0.000000e+00> : vector<200x32xf32>
    %reduce_sum3A_180 = vector.multi_reduction <add>, %reshape3A, %reduce_sum3A [1] : vector<200x16x32xf32> to vector<200x32xf32>
    %get3A_181 = arith.constant 0 : index
    %get3A_182 = arith.constant 0 : index
    %get3A_183 = vector.load %arg3[%get3A_181, %get3A_182] : memref<512x32xf32, #tpu.memory_space<vmem>>, vector<512x32xf32>
    %dot_general3A = arith.constant dense<0.000000e+00> : vector<200x32xf32>
    %dot_general3A_184 = tpu.matmul %add3A_179, %get3A_183, %dot_general3A {dimension_numbers = #tpu.dot_dimension_numbers<[1], [0], [0], [1], [0, 0, 1, 1], [], []>, transpose_lhs_hint = false} : vector<200x512xf32>, vector<512x32xf32>, vector<200x32xf32> -> vector<200x32xf32>
    %get3A_185 = arith.constant 0 : index
    %get3A_186 = arith.constant 0 : index
    %get3A_187 = vector.load %arg4[%get3A_185, %get3A_186] : memref<32x32xf32, #tpu.memory_space<vmem>>, vector<32x32xf32>
    %dot_general3A_188 = arith.constant dense<0.000000e+00> : vector<200x32xf32>
    %dot_general3A_189 = tpu.matmul %reduce_sum3A_180, %get3A_187, %dot_general3A_188 {dimension_numbers = #tpu.dot_dimension_numbers<[1], [0], [0], [1], [0, 0, 1, 1], [], []>, transpose_lhs_hint = false} : vector<200x32xf32>, vector<32x32xf32>, vector<200x32xf32> -> vector<200x32xf32>
    %add3A_190 = arith.addf %dot_general3A_184, %dot_general3A_189 : vector<200x32xf32>
    %get3A_191 = arith.constant 0 : index
    %get3A_192 = arith.constant 0 : index
    %get3A_193 = vector.load %arg5[%get3A_191, %get3A_192] : memref<1x32xf32, #tpu.memory_space<vmem>>, vector<1x32xf32>
    %add3A_194 = vector.broadcast %get3A_193 : vector<1x32xf32> to vector<200x32xf32>
    %add3A_195 = arith.addf %add3A_190, %add3A_194 : vector<200x32xf32>
    %max3A = arith.constant 0.000000e+00 : f32
    %max3A_196 = vector.broadcast %max3A : f32 to vector<200x32xf32>
    %max3A_197 = arith.maximumf %add3A_195, %max3A_196 : vector<200x32xf32>
    %swap3A = arith.constant 0 : index
    %swap3A_198 = arith.constant 0 : index
    %swap3A_199 = vector.load %arg7[%swap3A, %swap3A_198] : memref<200x32xf32, #tpu.memory_space<vmem>>, vector<200x32xf32>
    tpu.vector_store %arg7[%swap3A, %swap3A_198], %max3A_197 {strides = array<i32>} : memref<200x32xf32, #tpu.memory_space<vmem>>, vector<200x32xf32>,
    %get3A_200 = arith.constant 0 : index
    %get3A_201 = arith.constant 0 : index
    %get3A_202 = vector.load %arg6[%get3A_200, %get3A_201] : memref<32x128xf32, #tpu.memory_space<vmem>>, vector<32x128xf32>
    %dot_general3A_203 = arith.constant dense<0.000000e+00> : vector<200x128xf32>
    %dot_general3A_204 = tpu.matmul %max3A_197, %get3A_202, %dot_general3A_203 {dimension_numbers = #tpu.dot_dimension_numbers<[1], [0], [0], [1], [0, 0, 1, 1], [], []>, transpose_lhs_hint = false} : vector<200x32xf32>, vector<32x128xf32>, vector<200x128xf32> -> vector<200x128xf32>
    %swap3A_205 = arith.constant 0 : index
    %swap3A_206 = arith.constant 0 : index
    %swap3A_207 = vector.load %arg8[%swap3A_205, %swap3A_206] : memref<200x128xf32, #tpu.memory_space<vmem>>, vector<200x128xf32>
    tpu.vector_store %arg8[%swap3A_205, %swap3A_206], %dot_general3A_204 {strides = array<i32>} : memref<200x128xf32, #tpu.memory_space<vmem>>, vector<200x128xf32>,
    return
  }
  func.func @transform_0(%arg0: i32) -> (i32, i32) {
    %c0_i32 = arith.constant 0 : i32
    %c0_i32_0 = arith.constant 0 : i32
    return %arg0, %c0_i32 : i32, i32
  }
  func.func @transform_1(%arg0: i32) -> (i32, i32) {
    %c0_i32 = arith.constant 0 : i32
    %c0_i32_0 = arith.constant 0 : i32
    return %arg0, %c0_i32 : i32, i32
  }
  func.func @transform_2(%arg0: i32) -> (i32, i32) {
    %c0_i32 = arith.constant 0 : i32
    %c0_i32_0 = arith.constant 0 : i32
    %c0_i32_1 = arith.constant 0 : i32
    return %c0_i32, %c0_i32_0 : i32, i32
  }
  func.func @transform_3(%arg0: i32) -> (i32, i32) {
    %c0_i32 = arith.constant 0 : i32
    %c0_i32_0 = arith.constant 0 : i32
    %c0_i32_1 = arith.constant 0 : i32
    return %c0_i32, %c0_i32_0 : i32, i32
  }
  func.func @transform_4(%arg0: i32) -> (i32, i32) {
    %c0_i32 = arith.constant 0 : i32
    %c0_i32_0 = arith.constant 0 : i32
    %c0_i32_1 = arith.constant 0 : i32
    return %c0_i32, %c0_i32_0 : i32, i32
  }
  func.func @transform_5(%arg0: i32) -> (i32, i32) {
    %c0_i32 = arith.constant 0 : i32
    %c0_i32_0 = arith.constant 0 : i32
    %c0_i32_1 = arith.constant 0 : i32
    return %c0_i32, %c0_i32_0 : i32, i32
  }
  func.func @transform_6(%arg0: i32) -> (i32, i32) {
    %c0_i32 = arith.constant 0 : i32
    %c0_i32_0 = arith.constant 0 : i32
    return %arg0, %c0_i32 : i32, i32
  }
  func.func @transform_7(%arg0: i32) -> (i32, i32) {
    %c0_i32 = arith.constant 0 : i32
    %c0_i32_0 = arith.constant 0 : i32
    return %arg0, %c0_i32 : i32, i32
  }
}

module attributes {stable_mosaic.version = 14 : i64} {
  func.func @_conv_small_body(%arg0: i32, %arg1: memref<6400x128xf32, #tpu.memory_space<vmem>>, %arg2: memref<400x32xf32, #tpu.memory_space<vmem>>, %arg3: memref<32x128xf32, #tpu.memory_space<vmem>>, %arg4: memref<1x128xf32, #tpu.memory_space<vmem>>, %arg5: memref<32x32xf32, #tpu.memory_space<vmem>>, %arg6: memref<1x32xf32, #tpu.memory_space<vmem>>, %arg7: memref<32x32xf32, #tpu.memory_space<vmem>>, %arg8: memref<400x32xf32, #tpu.memory_space<vmem>>) attributes {dimension_semantics = [#tpu.dimension_semantics<arbitrary>], iteration_bounds = array<i64: 25>, scalar_prefetch = 0 : i64, scratch_operands = 0 : i64, tpu.core_type = #tpu.core_type<tc>, window_params = [{transform_indices = @transform_0, window_bounds = array<i64: 6400, 128>}, {transform_indices = @transform_1, window_bounds = array<i64: 400, 32>}, {pipeline_mode = #tpu.pipeline_mode<synchronous>, transform_indices = @transform_2, window_bounds = array<i64: 32, 128>}, {pipeline_mode = #tpu.pipeline_mode<synchronous>, transform_indices = @transform_3, window_bounds = array<i64: 1, 128>}, {pipeline_mode = #tpu.pipeline_mode<synchronous>, transform_indices = @transform_4, window_bounds = array<i64: 32, 32>}, {pipeline_mode = #tpu.pipeline_mode<synchronous>, transform_indices = @transform_5, window_bounds = array<i64: 1, 32>}, {pipeline_mode = #tpu.pipeline_mode<synchronous>, transform_indices = @transform_6, window_bounds = array<i64: 32, 32>}, {transform_indices = @transform_7, window_bounds = array<i64: 400, 32>}]} {
    %get3A = arith.constant 0 : index
    %get3A_0 = arith.constant 0 : index
    %get3A_1 = vector.load %arg1[%get3A, %get3A_0] : memref<6400x128xf32, #tpu.memory_space<vmem>>, vector<6400x128xf32>
    %reshape3A = vector.shape_cast %get3A_1 : vector<6400x128xf32> to vector<400x16x128xf32>
    %get3A_2 = arith.constant 0 : index
    %get3A_3 = arith.constant 0 : index
    %get3A_4 = vector.load %arg3[%get3A_2, %get3A_3] : memref<32x128xf32, #tpu.memory_space<vmem>>, vector<32x128xf32>
    %get3A_5 = arith.constant 0 : index
    %get3A_6 = arith.constant 0 : index
    %get3A_7 = vector.load %arg4[%get3A_5, %get3A_6] : memref<1x128xf32, #tpu.memory_space<vmem>>, vector<1x128xf32>
    %broadcast_in_dim3A = arith.constant 0.000000e+00 : f32
    %broadcast_in_dim3A_8 = vector.broadcast %broadcast_in_dim3A : f32 to vector<400x32xf32>
    %broadcast_in_dim3A_9 = arith.constant 0.000000e+00 : f32
    %broadcast_in_dim3A_10 = vector.broadcast %broadcast_in_dim3A_9 : f32 to vector<400x32xf32>
    %slice3A = vector.extract_strided_slice %reshape3A {offsets = [0, 0, 0], sizes = [400, 1, 128], strides = [1, 1, 1]} : vector<400x16x128xf32> to vector<400x1x128xf32>
    %squeeze3A = vector.shape_cast %slice3A : vector<400x1x128xf32> to vector<400x128xf32>
    %dot_general3A = arith.constant dense<0.000000e+00> : vector<400x128xf32>
    %dot_general3A_11 = tpu.matmul %broadcast_in_dim3A_8, %get3A_4, %dot_general3A {dimension_numbers = #tpu.dot_dimension_numbers<[1], [0], [0], [1], [0, 0, 1, 1], [], []>, transpose_lhs_hint = false} : vector<400x32xf32>, vector<32x128xf32>, vector<400x128xf32> -> vector<400x128xf32>
    %add3A = arith.addf %squeeze3A, %dot_general3A_11 : vector<400x128xf32>
    %add3A_12 = vector.broadcast %get3A_7 : vector<1x128xf32> to vector<400x128xf32>
    %add3A_13 = arith.addf %add3A, %add3A_12 : vector<400x128xf32>
    %slice3A_14 = vector.extract_strided_slice %add3A_13 {offsets = [0, 0], sizes = [400, 32], strides = [1, 1]} : vector<400x128xf32> to vector<400x32xf32>
    %logistic3A = arith.negf %slice3A_14 : vector<400x32xf32>
    %logistic3A_15 = math.exp %logistic3A : vector<400x32xf32>
    %logistic3A_16 = arith.constant 1.000000e+00 : f32
    %logistic3A_17 = vector.broadcast %logistic3A_16 : f32 to vector<400x32xf32>
    %logistic3A_18 = arith.addf %logistic3A_17, %logistic3A_15 : vector<400x32xf32>
    %logistic3A_19 = arith.divf %logistic3A_17, %logistic3A_18 : vector<400x32xf32>
    %slice3A_20 = vector.extract_strided_slice %add3A_13 {offsets = [0, 32], sizes = [400, 32], strides = [1, 1]} : vector<400x128xf32> to vector<400x32xf32>
    %logistic3A_21 = arith.negf %slice3A_20 : vector<400x32xf32>
    %logistic3A_22 = math.exp %logistic3A_21 : vector<400x32xf32>
    %logistic3A_23 = arith.constant 1.000000e+00 : f32
    %logistic3A_24 = vector.broadcast %logistic3A_23 : f32 to vector<400x32xf32>
    %logistic3A_25 = arith.addf %logistic3A_24, %logistic3A_22 : vector<400x32xf32>
    %logistic3A_26 = arith.divf %logistic3A_24, %logistic3A_25 : vector<400x32xf32>
    %slice3A_27 = vector.extract_strided_slice %add3A_13 {offsets = [0, 64], sizes = [400, 32], strides = [1, 1]} : vector<400x128xf32> to vector<400x32xf32>
    %tanh3A = math.tanh %slice3A_27 : vector<400x32xf32>
    %slice3A_28 = vector.extract_strided_slice %add3A_13 {offsets = [0, 96], sizes = [400, 32], strides = [1, 1]} : vector<400x128xf32> to vector<400x32xf32>
    %logistic3A_29 = arith.negf %slice3A_28 : vector<400x32xf32>
    %logistic3A_30 = math.exp %logistic3A_29 : vector<400x32xf32>
    %logistic3A_31 = arith.constant 1.000000e+00 : f32
    %logistic3A_32 = vector.broadcast %logistic3A_31 : f32 to vector<400x32xf32>
    %logistic3A_33 = arith.addf %logistic3A_32, %logistic3A_30 : vector<400x32xf32>
    %logistic3A_34 = arith.divf %logistic3A_32, %logistic3A_33 : vector<400x32xf32>
    %mul3A = arith.mulf %logistic3A_26, %broadcast_in_dim3A_10 : vector<400x32xf32>
    %mul3A_35 = arith.mulf %logistic3A_19, %tanh3A : vector<400x32xf32>
    %add3A_36 = arith.addf %mul3A, %mul3A_35 : vector<400x32xf32>
    %tanh3A_37 = math.tanh %add3A_36 : vector<400x32xf32>
    %mul3A_38 = arith.mulf %logistic3A_34, %tanh3A_37 : vector<400x32xf32>
    %slice3A_39 = vector.extract_strided_slice %reshape3A {offsets = [0, 1, 0], sizes = [400, 1, 128], strides = [1, 1, 1]} : vector<400x16x128xf32> to vector<400x1x128xf32>
    %squeeze3A_40 = vector.shape_cast %slice3A_39 : vector<400x1x128xf32> to vector<400x128xf32>
    %dot_general3A_41 = arith.constant dense<0.000000e+00> : vector<400x128xf32>
    %dot_general3A_42 = tpu.matmul %mul3A_38, %get3A_4, %dot_general3A_41 {dimension_numbers = #tpu.dot_dimension_numbers<[1], [0], [0], [1], [0, 0, 1, 1], [], []>, transpose_lhs_hint = false} : vector<400x32xf32>, vector<32x128xf32>, vector<400x128xf32> -> vector<400x128xf32>
    %add3A_43 = arith.addf %squeeze3A_40, %dot_general3A_42 : vector<400x128xf32>
    %add3A_44 = vector.broadcast %get3A_7 : vector<1x128xf32> to vector<400x128xf32>
    %add3A_45 = arith.addf %add3A_43, %add3A_44 : vector<400x128xf32>
    %slice3A_46 = vector.extract_strided_slice %add3A_45 {offsets = [0, 0], sizes = [400, 32], strides = [1, 1]} : vector<400x128xf32> to vector<400x32xf32>
    %logistic3A_47 = arith.negf %slice3A_46 : vector<400x32xf32>
    %logistic3A_48 = math.exp %logistic3A_47 : vector<400x32xf32>
    %logistic3A_49 = arith.constant 1.000000e+00 : f32
    %logistic3A_50 = vector.broadcast %logistic3A_49 : f32 to vector<400x32xf32>
    %logistic3A_51 = arith.addf %logistic3A_50, %logistic3A_48 : vector<400x32xf32>
    %logistic3A_52 = arith.divf %logistic3A_50, %logistic3A_51 : vector<400x32xf32>
    %slice3A_53 = vector.extract_strided_slice %add3A_45 {offsets = [0, 32], sizes = [400, 32], strides = [1, 1]} : vector<400x128xf32> to vector<400x32xf32>
    %logistic3A_54 = arith.negf %slice3A_53 : vector<400x32xf32>
    %logistic3A_55 = math.exp %logistic3A_54 : vector<400x32xf32>
    %logistic3A_56 = arith.constant 1.000000e+00 : f32
    %logistic3A_57 = vector.broadcast %logistic3A_56 : f32 to vector<400x32xf32>
    %logistic3A_58 = arith.addf %logistic3A_57, %logistic3A_55 : vector<400x32xf32>
    %logistic3A_59 = arith.divf %logistic3A_57, %logistic3A_58 : vector<400x32xf32>
    %slice3A_60 = vector.extract_strided_slice %add3A_45 {offsets = [0, 64], sizes = [400, 32], strides = [1, 1]} : vector<400x128xf32> to vector<400x32xf32>
    %tanh3A_61 = math.tanh %slice3A_60 : vector<400x32xf32>
    %slice3A_62 = vector.extract_strided_slice %add3A_45 {offsets = [0, 96], sizes = [400, 32], strides = [1, 1]} : vector<400x128xf32> to vector<400x32xf32>
    %logistic3A_63 = arith.negf %slice3A_62 : vector<400x32xf32>
    %logistic3A_64 = math.exp %logistic3A_63 : vector<400x32xf32>
    %logistic3A_65 = arith.constant 1.000000e+00 : f32
    %logistic3A_66 = vector.broadcast %logistic3A_65 : f32 to vector<400x32xf32>
    %logistic3A_67 = arith.addf %logistic3A_66, %logistic3A_64 : vector<400x32xf32>
    %logistic3A_68 = arith.divf %logistic3A_66, %logistic3A_67 : vector<400x32xf32>
    %mul3A_69 = arith.mulf %logistic3A_59, %add3A_36 : vector<400x32xf32>
    %mul3A_70 = arith.mulf %logistic3A_52, %tanh3A_61 : vector<400x32xf32>
    %add3A_71 = arith.addf %mul3A_69, %mul3A_70 : vector<400x32xf32>
    %tanh3A_72 = math.tanh %add3A_71 : vector<400x32xf32>
    %mul3A_73 = arith.mulf %logistic3A_68, %tanh3A_72 : vector<400x32xf32>
    %slice3A_74 = vector.extract_strided_slice %reshape3A {offsets = [0, 2, 0], sizes = [400, 1, 128], strides = [1, 1, 1]} : vector<400x16x128xf32> to vector<400x1x128xf32>
    %squeeze3A_75 = vector.shape_cast %slice3A_74 : vector<400x1x128xf32> to vector<400x128xf32>
    %dot_general3A_76 = arith.constant dense<0.000000e+00> : vector<400x128xf32>
    %dot_general3A_77 = tpu.matmul %mul3A_73, %get3A_4, %dot_general3A_76 {dimension_numbers = #tpu.dot_dimension_numbers<[1], [0], [0], [1], [0, 0, 1, 1], [], []>, transpose_lhs_hint = false} : vector<400x32xf32>, vector<32x128xf32>, vector<400x128xf32> -> vector<400x128xf32>
    %add3A_78 = arith.addf %squeeze3A_75, %dot_general3A_77 : vector<400x128xf32>
    %add3A_79 = vector.broadcast %get3A_7 : vector<1x128xf32> to vector<400x128xf32>
    %add3A_80 = arith.addf %add3A_78, %add3A_79 : vector<400x128xf32>
    %slice3A_81 = vector.extract_strided_slice %add3A_80 {offsets = [0, 0], sizes = [400, 32], strides = [1, 1]} : vector<400x128xf32> to vector<400x32xf32>
    %logistic3A_82 = arith.negf %slice3A_81 : vector<400x32xf32>
    %logistic3A_83 = math.exp %logistic3A_82 : vector<400x32xf32>
    %logistic3A_84 = arith.constant 1.000000e+00 : f32
    %logistic3A_85 = vector.broadcast %logistic3A_84 : f32 to vector<400x32xf32>
    %logistic3A_86 = arith.addf %logistic3A_85, %logistic3A_83 : vector<400x32xf32>
    %logistic3A_87 = arith.divf %logistic3A_85, %logistic3A_86 : vector<400x32xf32>
    %slice3A_88 = vector.extract_strided_slice %add3A_80 {offsets = [0, 32], sizes = [400, 32], strides = [1, 1]} : vector<400x128xf32> to vector<400x32xf32>
    %logistic3A_89 = arith.negf %slice3A_88 : vector<400x32xf32>
    %logistic3A_90 = math.exp %logistic3A_89 : vector<400x32xf32>
    %logistic3A_91 = arith.constant 1.000000e+00 : f32
    %logistic3A_92 = vector.broadcast %logistic3A_91 : f32 to vector<400x32xf32>
    %logistic3A_93 = arith.addf %logistic3A_92, %logistic3A_90 : vector<400x32xf32>
    %logistic3A_94 = arith.divf %logistic3A_92, %logistic3A_93 : vector<400x32xf32>
    %slice3A_95 = vector.extract_strided_slice %add3A_80 {offsets = [0, 64], sizes = [400, 32], strides = [1, 1]} : vector<400x128xf32> to vector<400x32xf32>
    %tanh3A_96 = math.tanh %slice3A_95 : vector<400x32xf32>
    %slice3A_97 = vector.extract_strided_slice %add3A_80 {offsets = [0, 96], sizes = [400, 32], strides = [1, 1]} : vector<400x128xf32> to vector<400x32xf32>
    %logistic3A_98 = arith.negf %slice3A_97 : vector<400x32xf32>
    %logistic3A_99 = math.exp %logistic3A_98 : vector<400x32xf32>
    %logistic3A_100 = arith.constant 1.000000e+00 : f32
    %logistic3A_101 = vector.broadcast %logistic3A_100 : f32 to vector<400x32xf32>
    %logistic3A_102 = arith.addf %logistic3A_101, %logistic3A_99 : vector<400x32xf32>
    %logistic3A_103 = arith.divf %logistic3A_101, %logistic3A_102 : vector<400x32xf32>
    %mul3A_104 = arith.mulf %logistic3A_94, %add3A_71 : vector<400x32xf32>
    %mul3A_105 = arith.mulf %logistic3A_87, %tanh3A_96 : vector<400x32xf32>
    %add3A_106 = arith.addf %mul3A_104, %mul3A_105 : vector<400x32xf32>
    %tanh3A_107 = math.tanh %add3A_106 : vector<400x32xf32>
    %mul3A_108 = arith.mulf %logistic3A_103, %tanh3A_107 : vector<400x32xf32>
    %slice3A_109 = vector.extract_strided_slice %reshape3A {offsets = [0, 3, 0], sizes = [400, 1, 128], strides = [1, 1, 1]} : vector<400x16x128xf32> to vector<400x1x128xf32>
    %squeeze3A_110 = vector.shape_cast %slice3A_109 : vector<400x1x128xf32> to vector<400x128xf32>
    %dot_general3A_111 = arith.constant dense<0.000000e+00> : vector<400x128xf32>
    %dot_general3A_112 = tpu.matmul %mul3A_108, %get3A_4, %dot_general3A_111 {dimension_numbers = #tpu.dot_dimension_numbers<[1], [0], [0], [1], [0, 0, 1, 1], [], []>, transpose_lhs_hint = false} : vector<400x32xf32>, vector<32x128xf32>, vector<400x128xf32> -> vector<400x128xf32>
    %add3A_113 = arith.addf %squeeze3A_110, %dot_general3A_112 : vector<400x128xf32>
    %add3A_114 = vector.broadcast %get3A_7 : vector<1x128xf32> to vector<400x128xf32>
    %add3A_115 = arith.addf %add3A_113, %add3A_114 : vector<400x128xf32>
    %slice3A_116 = vector.extract_strided_slice %add3A_115 {offsets = [0, 0], sizes = [400, 32], strides = [1, 1]} : vector<400x128xf32> to vector<400x32xf32>
    %logistic3A_117 = arith.negf %slice3A_116 : vector<400x32xf32>
    %logistic3A_118 = math.exp %logistic3A_117 : vector<400x32xf32>
    %logistic3A_119 = arith.constant 1.000000e+00 : f32
    %logistic3A_120 = vector.broadcast %logistic3A_119 : f32 to vector<400x32xf32>
    %logistic3A_121 = arith.addf %logistic3A_120, %logistic3A_118 : vector<400x32xf32>
    %logistic3A_122 = arith.divf %logistic3A_120, %logistic3A_121 : vector<400x32xf32>
    %slice3A_123 = vector.extract_strided_slice %add3A_115 {offsets = [0, 32], sizes = [400, 32], strides = [1, 1]} : vector<400x128xf32> to vector<400x32xf32>
    %logistic3A_124 = arith.negf %slice3A_123 : vector<400x32xf32>
    %logistic3A_125 = math.exp %logistic3A_124 : vector<400x32xf32>
    %logistic3A_126 = arith.constant 1.000000e+00 : f32
    %logistic3A_127 = vector.broadcast %logistic3A_126 : f32 to vector<400x32xf32>
    %logistic3A_128 = arith.addf %logistic3A_127, %logistic3A_125 : vector<400x32xf32>
    %logistic3A_129 = arith.divf %logistic3A_127, %logistic3A_128 : vector<400x32xf32>
    %slice3A_130 = vector.extract_strided_slice %add3A_115 {offsets = [0, 64], sizes = [400, 32], strides = [1, 1]} : vector<400x128xf32> to vector<400x32xf32>
    %tanh3A_131 = math.tanh %slice3A_130 : vector<400x32xf32>
    %slice3A_132 = vector.extract_strided_slice %add3A_115 {offsets = [0, 96], sizes = [400, 32], strides = [1, 1]} : vector<400x128xf32> to vector<400x32xf32>
    %logistic3A_133 = arith.negf %slice3A_132 : vector<400x32xf32>
    %logistic3A_134 = math.exp %logistic3A_133 : vector<400x32xf32>
    %logistic3A_135 = arith.constant 1.000000e+00 : f32
    %logistic3A_136 = vector.broadcast %logistic3A_135 : f32 to vector<400x32xf32>
    %logistic3A_137 = arith.addf %logistic3A_136, %logistic3A_134 : vector<400x32xf32>
    %logistic3A_138 = arith.divf %logistic3A_136, %logistic3A_137 : vector<400x32xf32>
    %mul3A_139 = arith.mulf %logistic3A_129, %add3A_106 : vector<400x32xf32>
    %mul3A_140 = arith.mulf %logistic3A_122, %tanh3A_131 : vector<400x32xf32>
    %add3A_141 = arith.addf %mul3A_139, %mul3A_140 : vector<400x32xf32>
    %tanh3A_142 = math.tanh %add3A_141 : vector<400x32xf32>
    %mul3A_143 = arith.mulf %logistic3A_138, %tanh3A_142 : vector<400x32xf32>
    %slice3A_144 = vector.extract_strided_slice %reshape3A {offsets = [0, 4, 0], sizes = [400, 1, 128], strides = [1, 1, 1]} : vector<400x16x128xf32> to vector<400x1x128xf32>
    %squeeze3A_145 = vector.shape_cast %slice3A_144 : vector<400x1x128xf32> to vector<400x128xf32>
    %dot_general3A_146 = arith.constant dense<0.000000e+00> : vector<400x128xf32>
    %dot_general3A_147 = tpu.matmul %mul3A_143, %get3A_4, %dot_general3A_146 {dimension_numbers = #tpu.dot_dimension_numbers<[1], [0], [0], [1], [0, 0, 1, 1], [], []>, transpose_lhs_hint = false} : vector<400x32xf32>, vector<32x128xf32>, vector<400x128xf32> -> vector<400x128xf32>
    %add3A_148 = arith.addf %squeeze3A_145, %dot_general3A_147 : vector<400x128xf32>
    %add3A_149 = vector.broadcast %get3A_7 : vector<1x128xf32> to vector<400x128xf32>
    %add3A_150 = arith.addf %add3A_148, %add3A_149 : vector<400x128xf32>
    %slice3A_151 = vector.extract_strided_slice %add3A_150 {offsets = [0, 0], sizes = [400, 32], strides = [1, 1]} : vector<400x128xf32> to vector<400x32xf32>
    %logistic3A_152 = arith.negf %slice3A_151 : vector<400x32xf32>
    %logistic3A_153 = math.exp %logistic3A_152 : vector<400x32xf32>
    %logistic3A_154 = arith.constant 1.000000e+00 : f32
    %logistic3A_155 = vector.broadcast %logistic3A_154 : f32 to vector<400x32xf32>
    %logistic3A_156 = arith.addf %logistic3A_155, %logistic3A_153 : vector<400x32xf32>
    %logistic3A_157 = arith.divf %logistic3A_155, %logistic3A_156 : vector<400x32xf32>
    %slice3A_158 = vector.extract_strided_slice %add3A_150 {offsets = [0, 32], sizes = [400, 32], strides = [1, 1]} : vector<400x128xf32> to vector<400x32xf32>
    %logistic3A_159 = arith.negf %slice3A_158 : vector<400x32xf32>
    %logistic3A_160 = math.exp %logistic3A_159 : vector<400x32xf32>
    %logistic3A_161 = arith.constant 1.000000e+00 : f32
    %logistic3A_162 = vector.broadcast %logistic3A_161 : f32 to vector<400x32xf32>
    %logistic3A_163 = arith.addf %logistic3A_162, %logistic3A_160 : vector<400x32xf32>
    %logistic3A_164 = arith.divf %logistic3A_162, %logistic3A_163 : vector<400x32xf32>
    %slice3A_165 = vector.extract_strided_slice %add3A_150 {offsets = [0, 64], sizes = [400, 32], strides = [1, 1]} : vector<400x128xf32> to vector<400x32xf32>
    %tanh3A_166 = math.tanh %slice3A_165 : vector<400x32xf32>
    %slice3A_167 = vector.extract_strided_slice %add3A_150 {offsets = [0, 96], sizes = [400, 32], strides = [1, 1]} : vector<400x128xf32> to vector<400x32xf32>
    %logistic3A_168 = arith.negf %slice3A_167 : vector<400x32xf32>
    %logistic3A_169 = math.exp %logistic3A_168 : vector<400x32xf32>
    %logistic3A_170 = arith.constant 1.000000e+00 : f32
    %logistic3A_171 = vector.broadcast %logistic3A_170 : f32 to vector<400x32xf32>
    %logistic3A_172 = arith.addf %logistic3A_171, %logistic3A_169 : vector<400x32xf32>
    %logistic3A_173 = arith.divf %logistic3A_171, %logistic3A_172 : vector<400x32xf32>
    %mul3A_174 = arith.mulf %logistic3A_164, %add3A_141 : vector<400x32xf32>
    %mul3A_175 = arith.mulf %logistic3A_157, %tanh3A_166 : vector<400x32xf32>
    %add3A_176 = arith.addf %mul3A_174, %mul3A_175 : vector<400x32xf32>
    %tanh3A_177 = math.tanh %add3A_176 : vector<400x32xf32>
    %mul3A_178 = arith.mulf %logistic3A_173, %tanh3A_177 : vector<400x32xf32>
    %slice3A_179 = vector.extract_strided_slice %reshape3A {offsets = [0, 5, 0], sizes = [400, 1, 128], strides = [1, 1, 1]} : vector<400x16x128xf32> to vector<400x1x128xf32>
    %squeeze3A_180 = vector.shape_cast %slice3A_179 : vector<400x1x128xf32> to vector<400x128xf32>
    %dot_general3A_181 = arith.constant dense<0.000000e+00> : vector<400x128xf32>
    %dot_general3A_182 = tpu.matmul %mul3A_178, %get3A_4, %dot_general3A_181 {dimension_numbers = #tpu.dot_dimension_numbers<[1], [0], [0], [1], [0, 0, 1, 1], [], []>, transpose_lhs_hint = false} : vector<400x32xf32>, vector<32x128xf32>, vector<400x128xf32> -> vector<400x128xf32>
    %add3A_183 = arith.addf %squeeze3A_180, %dot_general3A_182 : vector<400x128xf32>
    %add3A_184 = vector.broadcast %get3A_7 : vector<1x128xf32> to vector<400x128xf32>
    %add3A_185 = arith.addf %add3A_183, %add3A_184 : vector<400x128xf32>
    %slice3A_186 = vector.extract_strided_slice %add3A_185 {offsets = [0, 0], sizes = [400, 32], strides = [1, 1]} : vector<400x128xf32> to vector<400x32xf32>
    %logistic3A_187 = arith.negf %slice3A_186 : vector<400x32xf32>
    %logistic3A_188 = math.exp %logistic3A_187 : vector<400x32xf32>
    %logistic3A_189 = arith.constant 1.000000e+00 : f32
    %logistic3A_190 = vector.broadcast %logistic3A_189 : f32 to vector<400x32xf32>
    %logistic3A_191 = arith.addf %logistic3A_190, %logistic3A_188 : vector<400x32xf32>
    %logistic3A_192 = arith.divf %logistic3A_190, %logistic3A_191 : vector<400x32xf32>
    %slice3A_193 = vector.extract_strided_slice %add3A_185 {offsets = [0, 32], sizes = [400, 32], strides = [1, 1]} : vector<400x128xf32> to vector<400x32xf32>
    %logistic3A_194 = arith.negf %slice3A_193 : vector<400x32xf32>
    %logistic3A_195 = math.exp %logistic3A_194 : vector<400x32xf32>
    %logistic3A_196 = arith.constant 1.000000e+00 : f32
    %logistic3A_197 = vector.broadcast %logistic3A_196 : f32 to vector<400x32xf32>
    %logistic3A_198 = arith.addf %logistic3A_197, %logistic3A_195 : vector<400x32xf32>
    %logistic3A_199 = arith.divf %logistic3A_197, %logistic3A_198 : vector<400x32xf32>
    %slice3A_200 = vector.extract_strided_slice %add3A_185 {offsets = [0, 64], sizes = [400, 32], strides = [1, 1]} : vector<400x128xf32> to vector<400x32xf32>
    %tanh3A_201 = math.tanh %slice3A_200 : vector<400x32xf32>
    %slice3A_202 = vector.extract_strided_slice %add3A_185 {offsets = [0, 96], sizes = [400, 32], strides = [1, 1]} : vector<400x128xf32> to vector<400x32xf32>
    %logistic3A_203 = arith.negf %slice3A_202 : vector<400x32xf32>
    %logistic3A_204 = math.exp %logistic3A_203 : vector<400x32xf32>
    %logistic3A_205 = arith.constant 1.000000e+00 : f32
    %logistic3A_206 = vector.broadcast %logistic3A_205 : f32 to vector<400x32xf32>
    %logistic3A_207 = arith.addf %logistic3A_206, %logistic3A_204 : vector<400x32xf32>
    %logistic3A_208 = arith.divf %logistic3A_206, %logistic3A_207 : vector<400x32xf32>
    %mul3A_209 = arith.mulf %logistic3A_199, %add3A_176 : vector<400x32xf32>
    %mul3A_210 = arith.mulf %logistic3A_192, %tanh3A_201 : vector<400x32xf32>
    %add3A_211 = arith.addf %mul3A_209, %mul3A_210 : vector<400x32xf32>
    %tanh3A_212 = math.tanh %add3A_211 : vector<400x32xf32>
    %mul3A_213 = arith.mulf %logistic3A_208, %tanh3A_212 : vector<400x32xf32>
    %slice3A_214 = vector.extract_strided_slice %reshape3A {offsets = [0, 6, 0], sizes = [400, 1, 128], strides = [1, 1, 1]} : vector<400x16x128xf32> to vector<400x1x128xf32>
    %squeeze3A_215 = vector.shape_cast %slice3A_214 : vector<400x1x128xf32> to vector<400x128xf32>
    %dot_general3A_216 = arith.constant dense<0.000000e+00> : vector<400x128xf32>
    %dot_general3A_217 = tpu.matmul %mul3A_213, %get3A_4, %dot_general3A_216 {dimension_numbers = #tpu.dot_dimension_numbers<[1], [0], [0], [1], [0, 0, 1, 1], [], []>, transpose_lhs_hint = false} : vector<400x32xf32>, vector<32x128xf32>, vector<400x128xf32> -> vector<400x128xf32>
    %add3A_218 = arith.addf %squeeze3A_215, %dot_general3A_217 : vector<400x128xf32>
    %add3A_219 = vector.broadcast %get3A_7 : vector<1x128xf32> to vector<400x128xf32>
    %add3A_220 = arith.addf %add3A_218, %add3A_219 : vector<400x128xf32>
    %slice3A_221 = vector.extract_strided_slice %add3A_220 {offsets = [0, 0], sizes = [400, 32], strides = [1, 1]} : vector<400x128xf32> to vector<400x32xf32>
    %logistic3A_222 = arith.negf %slice3A_221 : vector<400x32xf32>
    %logistic3A_223 = math.exp %logistic3A_222 : vector<400x32xf32>
    %logistic3A_224 = arith.constant 1.000000e+00 : f32
    %logistic3A_225 = vector.broadcast %logistic3A_224 : f32 to vector<400x32xf32>
    %logistic3A_226 = arith.addf %logistic3A_225, %logistic3A_223 : vector<400x32xf32>
    %logistic3A_227 = arith.divf %logistic3A_225, %logistic3A_226 : vector<400x32xf32>
    %slice3A_228 = vector.extract_strided_slice %add3A_220 {offsets = [0, 32], sizes = [400, 32], strides = [1, 1]} : vector<400x128xf32> to vector<400x32xf32>
    %logistic3A_229 = arith.negf %slice3A_228 : vector<400x32xf32>
    %logistic3A_230 = math.exp %logistic3A_229 : vector<400x32xf32>
    %logistic3A_231 = arith.constant 1.000000e+00 : f32
    %logistic3A_232 = vector.broadcast %logistic3A_231 : f32 to vector<400x32xf32>
    %logistic3A_233 = arith.addf %logistic3A_232, %logistic3A_230 : vector<400x32xf32>
    %logistic3A_234 = arith.divf %logistic3A_232, %logistic3A_233 : vector<400x32xf32>
    %slice3A_235 = vector.extract_strided_slice %add3A_220 {offsets = [0, 64], sizes = [400, 32], strides = [1, 1]} : vector<400x128xf32> to vector<400x32xf32>
    %tanh3A_236 = math.tanh %slice3A_235 : vector<400x32xf32>
    %slice3A_237 = vector.extract_strided_slice %add3A_220 {offsets = [0, 96], sizes = [400, 32], strides = [1, 1]} : vector<400x128xf32> to vector<400x32xf32>
    %logistic3A_238 = arith.negf %slice3A_237 : vector<400x32xf32>
    %logistic3A_239 = math.exp %logistic3A_238 : vector<400x32xf32>
    %logistic3A_240 = arith.constant 1.000000e+00 : f32
    %logistic3A_241 = vector.broadcast %logistic3A_240 : f32 to vector<400x32xf32>
    %logistic3A_242 = arith.addf %logistic3A_241, %logistic3A_239 : vector<400x32xf32>
    %logistic3A_243 = arith.divf %logistic3A_241, %logistic3A_242 : vector<400x32xf32>
    %mul3A_244 = arith.mulf %logistic3A_234, %add3A_211 : vector<400x32xf32>
    %mul3A_245 = arith.mulf %logistic3A_227, %tanh3A_236 : vector<400x32xf32>
    %add3A_246 = arith.addf %mul3A_244, %mul3A_245 : vector<400x32xf32>
    %tanh3A_247 = math.tanh %add3A_246 : vector<400x32xf32>
    %mul3A_248 = arith.mulf %logistic3A_243, %tanh3A_247 : vector<400x32xf32>
    %slice3A_249 = vector.extract_strided_slice %reshape3A {offsets = [0, 7, 0], sizes = [400, 1, 128], strides = [1, 1, 1]} : vector<400x16x128xf32> to vector<400x1x128xf32>
    %squeeze3A_250 = vector.shape_cast %slice3A_249 : vector<400x1x128xf32> to vector<400x128xf32>
    %dot_general3A_251 = arith.constant dense<0.000000e+00> : vector<400x128xf32>
    %dot_general3A_252 = tpu.matmul %mul3A_248, %get3A_4, %dot_general3A_251 {dimension_numbers = #tpu.dot_dimension_numbers<[1], [0], [0], [1], [0, 0, 1, 1], [], []>, transpose_lhs_hint = false} : vector<400x32xf32>, vector<32x128xf32>, vector<400x128xf32> -> vector<400x128xf32>
    %add3A_253 = arith.addf %squeeze3A_250, %dot_general3A_252 : vector<400x128xf32>
    %add3A_254 = vector.broadcast %get3A_7 : vector<1x128xf32> to vector<400x128xf32>
    %add3A_255 = arith.addf %add3A_253, %add3A_254 : vector<400x128xf32>
    %slice3A_256 = vector.extract_strided_slice %add3A_255 {offsets = [0, 0], sizes = [400, 32], strides = [1, 1]} : vector<400x128xf32> to vector<400x32xf32>
    %logistic3A_257 = arith.negf %slice3A_256 : vector<400x32xf32>
    %logistic3A_258 = math.exp %logistic3A_257 : vector<400x32xf32>
    %logistic3A_259 = arith.constant 1.000000e+00 : f32
    %logistic3A_260 = vector.broadcast %logistic3A_259 : f32 to vector<400x32xf32>
    %logistic3A_261 = arith.addf %logistic3A_260, %logistic3A_258 : vector<400x32xf32>
    %logistic3A_262 = arith.divf %logistic3A_260, %logistic3A_261 : vector<400x32xf32>
    %slice3A_263 = vector.extract_strided_slice %add3A_255 {offsets = [0, 32], sizes = [400, 32], strides = [1, 1]} : vector<400x128xf32> to vector<400x32xf32>
    %logistic3A_264 = arith.negf %slice3A_263 : vector<400x32xf32>
    %logistic3A_265 = math.exp %logistic3A_264 : vector<400x32xf32>
    %logistic3A_266 = arith.constant 1.000000e+00 : f32
    %logistic3A_267 = vector.broadcast %logistic3A_266 : f32 to vector<400x32xf32>
    %logistic3A_268 = arith.addf %logistic3A_267, %logistic3A_265 : vector<400x32xf32>
    %logistic3A_269 = arith.divf %logistic3A_267, %logistic3A_268 : vector<400x32xf32>
    %slice3A_270 = vector.extract_strided_slice %add3A_255 {offsets = [0, 64], sizes = [400, 32], strides = [1, 1]} : vector<400x128xf32> to vector<400x32xf32>
    %tanh3A_271 = math.tanh %slice3A_270 : vector<400x32xf32>
    %slice3A_272 = vector.extract_strided_slice %add3A_255 {offsets = [0, 96], sizes = [400, 32], strides = [1, 1]} : vector<400x128xf32> to vector<400x32xf32>
    %logistic3A_273 = arith.negf %slice3A_272 : vector<400x32xf32>
    %logistic3A_274 = math.exp %logistic3A_273 : vector<400x32xf32>
    %logistic3A_275 = arith.constant 1.000000e+00 : f32
    %logistic3A_276 = vector.broadcast %logistic3A_275 : f32 to vector<400x32xf32>
    %logistic3A_277 = arith.addf %logistic3A_276, %logistic3A_274 : vector<400x32xf32>
    %logistic3A_278 = arith.divf %logistic3A_276, %logistic3A_277 : vector<400x32xf32>
    %mul3A_279 = arith.mulf %logistic3A_269, %add3A_246 : vector<400x32xf32>
    %mul3A_280 = arith.mulf %logistic3A_262, %tanh3A_271 : vector<400x32xf32>
    %add3A_281 = arith.addf %mul3A_279, %mul3A_280 : vector<400x32xf32>
    %tanh3A_282 = math.tanh %add3A_281 : vector<400x32xf32>
    %mul3A_283 = arith.mulf %logistic3A_278, %tanh3A_282 : vector<400x32xf32>
    %slice3A_284 = vector.extract_strided_slice %reshape3A {offsets = [0, 8, 0], sizes = [400, 1, 128], strides = [1, 1, 1]} : vector<400x16x128xf32> to vector<400x1x128xf32>
    %squeeze3A_285 = vector.shape_cast %slice3A_284 : vector<400x1x128xf32> to vector<400x128xf32>
    %dot_general3A_286 = arith.constant dense<0.000000e+00> : vector<400x128xf32>
    %dot_general3A_287 = tpu.matmul %mul3A_283, %get3A_4, %dot_general3A_286 {dimension_numbers = #tpu.dot_dimension_numbers<[1], [0], [0], [1], [0, 0, 1, 1], [], []>, transpose_lhs_hint = false} : vector<400x32xf32>, vector<32x128xf32>, vector<400x128xf32> -> vector<400x128xf32>
    %add3A_288 = arith.addf %squeeze3A_285, %dot_general3A_287 : vector<400x128xf32>
    %add3A_289 = vector.broadcast %get3A_7 : vector<1x128xf32> to vector<400x128xf32>
    %add3A_290 = arith.addf %add3A_288, %add3A_289 : vector<400x128xf32>
    %slice3A_291 = vector.extract_strided_slice %add3A_290 {offsets = [0, 0], sizes = [400, 32], strides = [1, 1]} : vector<400x128xf32> to vector<400x32xf32>
    %logistic3A_292 = arith.negf %slice3A_291 : vector<400x32xf32>
    %logistic3A_293 = math.exp %logistic3A_292 : vector<400x32xf32>
    %logistic3A_294 = arith.constant 1.000000e+00 : f32
    %logistic3A_295 = vector.broadcast %logistic3A_294 : f32 to vector<400x32xf32>
    %logistic3A_296 = arith.addf %logistic3A_295, %logistic3A_293 : vector<400x32xf32>
    %logistic3A_297 = arith.divf %logistic3A_295, %logistic3A_296 : vector<400x32xf32>
    %slice3A_298 = vector.extract_strided_slice %add3A_290 {offsets = [0, 32], sizes = [400, 32], strides = [1, 1]} : vector<400x128xf32> to vector<400x32xf32>
    %logistic3A_299 = arith.negf %slice3A_298 : vector<400x32xf32>
    %logistic3A_300 = math.exp %logistic3A_299 : vector<400x32xf32>
    %logistic3A_301 = arith.constant 1.000000e+00 : f32
    %logistic3A_302 = vector.broadcast %logistic3A_301 : f32 to vector<400x32xf32>
    %logistic3A_303 = arith.addf %logistic3A_302, %logistic3A_300 : vector<400x32xf32>
    %logistic3A_304 = arith.divf %logistic3A_302, %logistic3A_303 : vector<400x32xf32>
    %slice3A_305 = vector.extract_strided_slice %add3A_290 {offsets = [0, 64], sizes = [400, 32], strides = [1, 1]} : vector<400x128xf32> to vector<400x32xf32>
    %tanh3A_306 = math.tanh %slice3A_305 : vector<400x32xf32>
    %slice3A_307 = vector.extract_strided_slice %add3A_290 {offsets = [0, 96], sizes = [400, 32], strides = [1, 1]} : vector<400x128xf32> to vector<400x32xf32>
    %logistic3A_308 = arith.negf %slice3A_307 : vector<400x32xf32>
    %logistic3A_309 = math.exp %logistic3A_308 : vector<400x32xf32>
    %logistic3A_310 = arith.constant 1.000000e+00 : f32
    %logistic3A_311 = vector.broadcast %logistic3A_310 : f32 to vector<400x32xf32>
    %logistic3A_312 = arith.addf %logistic3A_311, %logistic3A_309 : vector<400x32xf32>
    %logistic3A_313 = arith.divf %logistic3A_311, %logistic3A_312 : vector<400x32xf32>
    %mul3A_314 = arith.mulf %logistic3A_304, %add3A_281 : vector<400x32xf32>
    %mul3A_315 = arith.mulf %logistic3A_297, %tanh3A_306 : vector<400x32xf32>
    %add3A_316 = arith.addf %mul3A_314, %mul3A_315 : vector<400x32xf32>
    %tanh3A_317 = math.tanh %add3A_316 : vector<400x32xf32>
    %mul3A_318 = arith.mulf %logistic3A_313, %tanh3A_317 : vector<400x32xf32>
    %slice3A_319 = vector.extract_strided_slice %reshape3A {offsets = [0, 9, 0], sizes = [400, 1, 128], strides = [1, 1, 1]} : vector<400x16x128xf32> to vector<400x1x128xf32>
    %squeeze3A_320 = vector.shape_cast %slice3A_319 : vector<400x1x128xf32> to vector<400x128xf32>
    %dot_general3A_321 = arith.constant dense<0.000000e+00> : vector<400x128xf32>
    %dot_general3A_322 = tpu.matmul %mul3A_318, %get3A_4, %dot_general3A_321 {dimension_numbers = #tpu.dot_dimension_numbers<[1], [0], [0], [1], [0, 0, 1, 1], [], []>, transpose_lhs_hint = false} : vector<400x32xf32>, vector<32x128xf32>, vector<400x128xf32> -> vector<400x128xf32>
    %add3A_323 = arith.addf %squeeze3A_320, %dot_general3A_322 : vector<400x128xf32>
    %add3A_324 = vector.broadcast %get3A_7 : vector<1x128xf32> to vector<400x128xf32>
    %add3A_325 = arith.addf %add3A_323, %add3A_324 : vector<400x128xf32>
    %slice3A_326 = vector.extract_strided_slice %add3A_325 {offsets = [0, 0], sizes = [400, 32], strides = [1, 1]} : vector<400x128xf32> to vector<400x32xf32>
    %logistic3A_327 = arith.negf %slice3A_326 : vector<400x32xf32>
    %logistic3A_328 = math.exp %logistic3A_327 : vector<400x32xf32>
    %logistic3A_329 = arith.constant 1.000000e+00 : f32
    %logistic3A_330 = vector.broadcast %logistic3A_329 : f32 to vector<400x32xf32>
    %logistic3A_331 = arith.addf %logistic3A_330, %logistic3A_328 : vector<400x32xf32>
    %logistic3A_332 = arith.divf %logistic3A_330, %logistic3A_331 : vector<400x32xf32>
    %slice3A_333 = vector.extract_strided_slice %add3A_325 {offsets = [0, 32], sizes = [400, 32], strides = [1, 1]} : vector<400x128xf32> to vector<400x32xf32>
    %logistic3A_334 = arith.negf %slice3A_333 : vector<400x32xf32>
    %logistic3A_335 = math.exp %logistic3A_334 : vector<400x32xf32>
    %logistic3A_336 = arith.constant 1.000000e+00 : f32
    %logistic3A_337 = vector.broadcast %logistic3A_336 : f32 to vector<400x32xf32>
    %logistic3A_338 = arith.addf %logistic3A_337, %logistic3A_335 : vector<400x32xf32>
    %logistic3A_339 = arith.divf %logistic3A_337, %logistic3A_338 : vector<400x32xf32>
    %slice3A_340 = vector.extract_strided_slice %add3A_325 {offsets = [0, 64], sizes = [400, 32], strides = [1, 1]} : vector<400x128xf32> to vector<400x32xf32>
    %tanh3A_341 = math.tanh %slice3A_340 : vector<400x32xf32>
    %slice3A_342 = vector.extract_strided_slice %add3A_325 {offsets = [0, 96], sizes = [400, 32], strides = [1, 1]} : vector<400x128xf32> to vector<400x32xf32>
    %logistic3A_343 = arith.negf %slice3A_342 : vector<400x32xf32>
    %logistic3A_344 = math.exp %logistic3A_343 : vector<400x32xf32>
    %logistic3A_345 = arith.constant 1.000000e+00 : f32
    %logistic3A_346 = vector.broadcast %logistic3A_345 : f32 to vector<400x32xf32>
    %logistic3A_347 = arith.addf %logistic3A_346, %logistic3A_344 : vector<400x32xf32>
    %logistic3A_348 = arith.divf %logistic3A_346, %logistic3A_347 : vector<400x32xf32>
    %mul3A_349 = arith.mulf %logistic3A_339, %add3A_316 : vector<400x32xf32>
    %mul3A_350 = arith.mulf %logistic3A_332, %tanh3A_341 : vector<400x32xf32>
    %add3A_351 = arith.addf %mul3A_349, %mul3A_350 : vector<400x32xf32>
    %tanh3A_352 = math.tanh %add3A_351 : vector<400x32xf32>
    %mul3A_353 = arith.mulf %logistic3A_348, %tanh3A_352 : vector<400x32xf32>
    %slice3A_354 = vector.extract_strided_slice %reshape3A {offsets = [0, 10, 0], sizes = [400, 1, 128], strides = [1, 1, 1]} : vector<400x16x128xf32> to vector<400x1x128xf32>
    %squeeze3A_355 = vector.shape_cast %slice3A_354 : vector<400x1x128xf32> to vector<400x128xf32>
    %dot_general3A_356 = arith.constant dense<0.000000e+00> : vector<400x128xf32>
    %dot_general3A_357 = tpu.matmul %mul3A_353, %get3A_4, %dot_general3A_356 {dimension_numbers = #tpu.dot_dimension_numbers<[1], [0], [0], [1], [0, 0, 1, 1], [], []>, transpose_lhs_hint = false} : vector<400x32xf32>, vector<32x128xf32>, vector<400x128xf32> -> vector<400x128xf32>
    %add3A_358 = arith.addf %squeeze3A_355, %dot_general3A_357 : vector<400x128xf32>
    %add3A_359 = vector.broadcast %get3A_7 : vector<1x128xf32> to vector<400x128xf32>
    %add3A_360 = arith.addf %add3A_358, %add3A_359 : vector<400x128xf32>
    %slice3A_361 = vector.extract_strided_slice %add3A_360 {offsets = [0, 0], sizes = [400, 32], strides = [1, 1]} : vector<400x128xf32> to vector<400x32xf32>
    %logistic3A_362 = arith.negf %slice3A_361 : vector<400x32xf32>
    %logistic3A_363 = math.exp %logistic3A_362 : vector<400x32xf32>
    %logistic3A_364 = arith.constant 1.000000e+00 : f32
    %logistic3A_365 = vector.broadcast %logistic3A_364 : f32 to vector<400x32xf32>
    %logistic3A_366 = arith.addf %logistic3A_365, %logistic3A_363 : vector<400x32xf32>
    %logistic3A_367 = arith.divf %logistic3A_365, %logistic3A_366 : vector<400x32xf32>
    %slice3A_368 = vector.extract_strided_slice %add3A_360 {offsets = [0, 32], sizes = [400, 32], strides = [1, 1]} : vector<400x128xf32> to vector<400x32xf32>
    %logistic3A_369 = arith.negf %slice3A_368 : vector<400x32xf32>
    %logistic3A_370 = math.exp %logistic3A_369 : vector<400x32xf32>
    %logistic3A_371 = arith.constant 1.000000e+00 : f32
    %logistic3A_372 = vector.broadcast %logistic3A_371 : f32 to vector<400x32xf32>
    %logistic3A_373 = arith.addf %logistic3A_372, %logistic3A_370 : vector<400x32xf32>
    %logistic3A_374 = arith.divf %logistic3A_372, %logistic3A_373 : vector<400x32xf32>
    %slice3A_375 = vector.extract_strided_slice %add3A_360 {offsets = [0, 64], sizes = [400, 32], strides = [1, 1]} : vector<400x128xf32> to vector<400x32xf32>
    %tanh3A_376 = math.tanh %slice3A_375 : vector<400x32xf32>
    %slice3A_377 = vector.extract_strided_slice %add3A_360 {offsets = [0, 96], sizes = [400, 32], strides = [1, 1]} : vector<400x128xf32> to vector<400x32xf32>
    %logistic3A_378 = arith.negf %slice3A_377 : vector<400x32xf32>
    %logistic3A_379 = math.exp %logistic3A_378 : vector<400x32xf32>
    %logistic3A_380 = arith.constant 1.000000e+00 : f32
    %logistic3A_381 = vector.broadcast %logistic3A_380 : f32 to vector<400x32xf32>
    %logistic3A_382 = arith.addf %logistic3A_381, %logistic3A_379 : vector<400x32xf32>
    %logistic3A_383 = arith.divf %logistic3A_381, %logistic3A_382 : vector<400x32xf32>
    %mul3A_384 = arith.mulf %logistic3A_374, %add3A_351 : vector<400x32xf32>
    %mul3A_385 = arith.mulf %logistic3A_367, %tanh3A_376 : vector<400x32xf32>
    %add3A_386 = arith.addf %mul3A_384, %mul3A_385 : vector<400x32xf32>
    %tanh3A_387 = math.tanh %add3A_386 : vector<400x32xf32>
    %mul3A_388 = arith.mulf %logistic3A_383, %tanh3A_387 : vector<400x32xf32>
    %slice3A_389 = vector.extract_strided_slice %reshape3A {offsets = [0, 11, 0], sizes = [400, 1, 128], strides = [1, 1, 1]} : vector<400x16x128xf32> to vector<400x1x128xf32>
    %squeeze3A_390 = vector.shape_cast %slice3A_389 : vector<400x1x128xf32> to vector<400x128xf32>
    %dot_general3A_391 = arith.constant dense<0.000000e+00> : vector<400x128xf32>
    %dot_general3A_392 = tpu.matmul %mul3A_388, %get3A_4, %dot_general3A_391 {dimension_numbers = #tpu.dot_dimension_numbers<[1], [0], [0], [1], [0, 0, 1, 1], [], []>, transpose_lhs_hint = false} : vector<400x32xf32>, vector<32x128xf32>, vector<400x128xf32> -> vector<400x128xf32>
    %add3A_393 = arith.addf %squeeze3A_390, %dot_general3A_392 : vector<400x128xf32>
    %add3A_394 = vector.broadcast %get3A_7 : vector<1x128xf32> to vector<400x128xf32>
    %add3A_395 = arith.addf %add3A_393, %add3A_394 : vector<400x128xf32>
    %slice3A_396 = vector.extract_strided_slice %add3A_395 {offsets = [0, 0], sizes = [400, 32], strides = [1, 1]} : vector<400x128xf32> to vector<400x32xf32>
    %logistic3A_397 = arith.negf %slice3A_396 : vector<400x32xf32>
    %logistic3A_398 = math.exp %logistic3A_397 : vector<400x32xf32>
    %logistic3A_399 = arith.constant 1.000000e+00 : f32
    %logistic3A_400 = vector.broadcast %logistic3A_399 : f32 to vector<400x32xf32>
    %logistic3A_401 = arith.addf %logistic3A_400, %logistic3A_398 : vector<400x32xf32>
    %logistic3A_402 = arith.divf %logistic3A_400, %logistic3A_401 : vector<400x32xf32>
    %slice3A_403 = vector.extract_strided_slice %add3A_395 {offsets = [0, 32], sizes = [400, 32], strides = [1, 1]} : vector<400x128xf32> to vector<400x32xf32>
    %logistic3A_404 = arith.negf %slice3A_403 : vector<400x32xf32>
    %logistic3A_405 = math.exp %logistic3A_404 : vector<400x32xf32>
    %logistic3A_406 = arith.constant 1.000000e+00 : f32
    %logistic3A_407 = vector.broadcast %logistic3A_406 : f32 to vector<400x32xf32>
    %logistic3A_408 = arith.addf %logistic3A_407, %logistic3A_405 : vector<400x32xf32>
    %logistic3A_409 = arith.divf %logistic3A_407, %logistic3A_408 : vector<400x32xf32>
    %slice3A_410 = vector.extract_strided_slice %add3A_395 {offsets = [0, 64], sizes = [400, 32], strides = [1, 1]} : vector<400x128xf32> to vector<400x32xf32>
    %tanh3A_411 = math.tanh %slice3A_410 : vector<400x32xf32>
    %slice3A_412 = vector.extract_strided_slice %add3A_395 {offsets = [0, 96], sizes = [400, 32], strides = [1, 1]} : vector<400x128xf32> to vector<400x32xf32>
    %logistic3A_413 = arith.negf %slice3A_412 : vector<400x32xf32>
    %logistic3A_414 = math.exp %logistic3A_413 : vector<400x32xf32>
    %logistic3A_415 = arith.constant 1.000000e+00 : f32
    %logistic3A_416 = vector.broadcast %logistic3A_415 : f32 to vector<400x32xf32>
    %logistic3A_417 = arith.addf %logistic3A_416, %logistic3A_414 : vector<400x32xf32>
    %logistic3A_418 = arith.divf %logistic3A_416, %logistic3A_417 : vector<400x32xf32>
    %mul3A_419 = arith.mulf %logistic3A_409, %add3A_386 : vector<400x32xf32>
    %mul3A_420 = arith.mulf %logistic3A_402, %tanh3A_411 : vector<400x32xf32>
    %add3A_421 = arith.addf %mul3A_419, %mul3A_420 : vector<400x32xf32>
    %tanh3A_422 = math.tanh %add3A_421 : vector<400x32xf32>
    %mul3A_423 = arith.mulf %logistic3A_418, %tanh3A_422 : vector<400x32xf32>
    %slice3A_424 = vector.extract_strided_slice %reshape3A {offsets = [0, 12, 0], sizes = [400, 1, 128], strides = [1, 1, 1]} : vector<400x16x128xf32> to vector<400x1x128xf32>
    %squeeze3A_425 = vector.shape_cast %slice3A_424 : vector<400x1x128xf32> to vector<400x128xf32>
    %dot_general3A_426 = arith.constant dense<0.000000e+00> : vector<400x128xf32>
    %dot_general3A_427 = tpu.matmul %mul3A_423, %get3A_4, %dot_general3A_426 {dimension_numbers = #tpu.dot_dimension_numbers<[1], [0], [0], [1], [0, 0, 1, 1], [], []>, transpose_lhs_hint = false} : vector<400x32xf32>, vector<32x128xf32>, vector<400x128xf32> -> vector<400x128xf32>
    %add3A_428 = arith.addf %squeeze3A_425, %dot_general3A_427 : vector<400x128xf32>
    %add3A_429 = vector.broadcast %get3A_7 : vector<1x128xf32> to vector<400x128xf32>
    %add3A_430 = arith.addf %add3A_428, %add3A_429 : vector<400x128xf32>
    %slice3A_431 = vector.extract_strided_slice %add3A_430 {offsets = [0, 0], sizes = [400, 32], strides = [1, 1]} : vector<400x128xf32> to vector<400x32xf32>
    %logistic3A_432 = arith.negf %slice3A_431 : vector<400x32xf32>
    %logistic3A_433 = math.exp %logistic3A_432 : vector<400x32xf32>
    %logistic3A_434 = arith.constant 1.000000e+00 : f32
    %logistic3A_435 = vector.broadcast %logistic3A_434 : f32 to vector<400x32xf32>
    %logistic3A_436 = arith.addf %logistic3A_435, %logistic3A_433 : vector<400x32xf32>
    %logistic3A_437 = arith.divf %logistic3A_435, %logistic3A_436 : vector<400x32xf32>
    %slice3A_438 = vector.extract_strided_slice %add3A_430 {offsets = [0, 32], sizes = [400, 32], strides = [1, 1]} : vector<400x128xf32> to vector<400x32xf32>
    %logistic3A_439 = arith.negf %slice3A_438 : vector<400x32xf32>
    %logistic3A_440 = math.exp %logistic3A_439 : vector<400x32xf32>
    %logistic3A_441 = arith.constant 1.000000e+00 : f32
    %logistic3A_442 = vector.broadcast %logistic3A_441 : f32 to vector<400x32xf32>
    %logistic3A_443 = arith.addf %logistic3A_442, %logistic3A_440 : vector<400x32xf32>
    %logistic3A_444 = arith.divf %logistic3A_442, %logistic3A_443 : vector<400x32xf32>
    %slice3A_445 = vector.extract_strided_slice %add3A_430 {offsets = [0, 64], sizes = [400, 32], strides = [1, 1]} : vector<400x128xf32> to vector<400x32xf32>
    %tanh3A_446 = math.tanh %slice3A_445 : vector<400x32xf32>
    %slice3A_447 = vector.extract_strided_slice %add3A_430 {offsets = [0, 96], sizes = [400, 32], strides = [1, 1]} : vector<400x128xf32> to vector<400x32xf32>
    %logistic3A_448 = arith.negf %slice3A_447 : vector<400x32xf32>
    %logistic3A_449 = math.exp %logistic3A_448 : vector<400x32xf32>
    %logistic3A_450 = arith.constant 1.000000e+00 : f32
    %logistic3A_451 = vector.broadcast %logistic3A_450 : f32 to vector<400x32xf32>
    %logistic3A_452 = arith.addf %logistic3A_451, %logistic3A_449 : vector<400x32xf32>
    %logistic3A_453 = arith.divf %logistic3A_451, %logistic3A_452 : vector<400x32xf32>
    %mul3A_454 = arith.mulf %logistic3A_444, %add3A_421 : vector<400x32xf32>
    %mul3A_455 = arith.mulf %logistic3A_437, %tanh3A_446 : vector<400x32xf32>
    %add3A_456 = arith.addf %mul3A_454, %mul3A_455 : vector<400x32xf32>
    %tanh3A_457 = math.tanh %add3A_456 : vector<400x32xf32>
    %mul3A_458 = arith.mulf %logistic3A_453, %tanh3A_457 : vector<400x32xf32>
    %slice3A_459 = vector.extract_strided_slice %reshape3A {offsets = [0, 13, 0], sizes = [400, 1, 128], strides = [1, 1, 1]} : vector<400x16x128xf32> to vector<400x1x128xf32>
    %squeeze3A_460 = vector.shape_cast %slice3A_459 : vector<400x1x128xf32> to vector<400x128xf32>
    %dot_general3A_461 = arith.constant dense<0.000000e+00> : vector<400x128xf32>
    %dot_general3A_462 = tpu.matmul %mul3A_458, %get3A_4, %dot_general3A_461 {dimension_numbers = #tpu.dot_dimension_numbers<[1], [0], [0], [1], [0, 0, 1, 1], [], []>, transpose_lhs_hint = false} : vector<400x32xf32>, vector<32x128xf32>, vector<400x128xf32> -> vector<400x128xf32>
    %add3A_463 = arith.addf %squeeze3A_460, %dot_general3A_462 : vector<400x128xf32>
    %add3A_464 = vector.broadcast %get3A_7 : vector<1x128xf32> to vector<400x128xf32>
    %add3A_465 = arith.addf %add3A_463, %add3A_464 : vector<400x128xf32>
    %slice3A_466 = vector.extract_strided_slice %add3A_465 {offsets = [0, 0], sizes = [400, 32], strides = [1, 1]} : vector<400x128xf32> to vector<400x32xf32>
    %logistic3A_467 = arith.negf %slice3A_466 : vector<400x32xf32>
    %logistic3A_468 = math.exp %logistic3A_467 : vector<400x32xf32>
    %logistic3A_469 = arith.constant 1.000000e+00 : f32
    %logistic3A_470 = vector.broadcast %logistic3A_469 : f32 to vector<400x32xf32>
    %logistic3A_471 = arith.addf %logistic3A_470, %logistic3A_468 : vector<400x32xf32>
    %logistic3A_472 = arith.divf %logistic3A_470, %logistic3A_471 : vector<400x32xf32>
    %slice3A_473 = vector.extract_strided_slice %add3A_465 {offsets = [0, 32], sizes = [400, 32], strides = [1, 1]} : vector<400x128xf32> to vector<400x32xf32>
    %logistic3A_474 = arith.negf %slice3A_473 : vector<400x32xf32>
    %logistic3A_475 = math.exp %logistic3A_474 : vector<400x32xf32>
    %logistic3A_476 = arith.constant 1.000000e+00 : f32
    %logistic3A_477 = vector.broadcast %logistic3A_476 : f32 to vector<400x32xf32>
    %logistic3A_478 = arith.addf %logistic3A_477, %logistic3A_475 : vector<400x32xf32>
    %logistic3A_479 = arith.divf %logistic3A_477, %logistic3A_478 : vector<400x32xf32>
    %slice3A_480 = vector.extract_strided_slice %add3A_465 {offsets = [0, 64], sizes = [400, 32], strides = [1, 1]} : vector<400x128xf32> to vector<400x32xf32>
    %tanh3A_481 = math.tanh %slice3A_480 : vector<400x32xf32>
    %slice3A_482 = vector.extract_strided_slice %add3A_465 {offsets = [0, 96], sizes = [400, 32], strides = [1, 1]} : vector<400x128xf32> to vector<400x32xf32>
    %logistic3A_483 = arith.negf %slice3A_482 : vector<400x32xf32>
    %logistic3A_484 = math.exp %logistic3A_483 : vector<400x32xf32>
    %logistic3A_485 = arith.constant 1.000000e+00 : f32
    %logistic3A_486 = vector.broadcast %logistic3A_485 : f32 to vector<400x32xf32>
    %logistic3A_487 = arith.addf %logistic3A_486, %logistic3A_484 : vector<400x32xf32>
    %logistic3A_488 = arith.divf %logistic3A_486, %logistic3A_487 : vector<400x32xf32>
    %mul3A_489 = arith.mulf %logistic3A_479, %add3A_456 : vector<400x32xf32>
    %mul3A_490 = arith.mulf %logistic3A_472, %tanh3A_481 : vector<400x32xf32>
    %add3A_491 = arith.addf %mul3A_489, %mul3A_490 : vector<400x32xf32>
    %tanh3A_492 = math.tanh %add3A_491 : vector<400x32xf32>
    %mul3A_493 = arith.mulf %logistic3A_488, %tanh3A_492 : vector<400x32xf32>
    %slice3A_494 = vector.extract_strided_slice %reshape3A {offsets = [0, 14, 0], sizes = [400, 1, 128], strides = [1, 1, 1]} : vector<400x16x128xf32> to vector<400x1x128xf32>
    %squeeze3A_495 = vector.shape_cast %slice3A_494 : vector<400x1x128xf32> to vector<400x128xf32>
    %dot_general3A_496 = arith.constant dense<0.000000e+00> : vector<400x128xf32>
    %dot_general3A_497 = tpu.matmul %mul3A_493, %get3A_4, %dot_general3A_496 {dimension_numbers = #tpu.dot_dimension_numbers<[1], [0], [0], [1], [0, 0, 1, 1], [], []>, transpose_lhs_hint = false} : vector<400x32xf32>, vector<32x128xf32>, vector<400x128xf32> -> vector<400x128xf32>
    %add3A_498 = arith.addf %squeeze3A_495, %dot_general3A_497 : vector<400x128xf32>
    %add3A_499 = vector.broadcast %get3A_7 : vector<1x128xf32> to vector<400x128xf32>
    %add3A_500 = arith.addf %add3A_498, %add3A_499 : vector<400x128xf32>
    %slice3A_501 = vector.extract_strided_slice %add3A_500 {offsets = [0, 0], sizes = [400, 32], strides = [1, 1]} : vector<400x128xf32> to vector<400x32xf32>
    %logistic3A_502 = arith.negf %slice3A_501 : vector<400x32xf32>
    %logistic3A_503 = math.exp %logistic3A_502 : vector<400x32xf32>
    %logistic3A_504 = arith.constant 1.000000e+00 : f32
    %logistic3A_505 = vector.broadcast %logistic3A_504 : f32 to vector<400x32xf32>
    %logistic3A_506 = arith.addf %logistic3A_505, %logistic3A_503 : vector<400x32xf32>
    %logistic3A_507 = arith.divf %logistic3A_505, %logistic3A_506 : vector<400x32xf32>
    %slice3A_508 = vector.extract_strided_slice %add3A_500 {offsets = [0, 32], sizes = [400, 32], strides = [1, 1]} : vector<400x128xf32> to vector<400x32xf32>
    %logistic3A_509 = arith.negf %slice3A_508 : vector<400x32xf32>
    %logistic3A_510 = math.exp %logistic3A_509 : vector<400x32xf32>
    %logistic3A_511 = arith.constant 1.000000e+00 : f32
    %logistic3A_512 = vector.broadcast %logistic3A_511 : f32 to vector<400x32xf32>
    %logistic3A_513 = arith.addf %logistic3A_512, %logistic3A_510 : vector<400x32xf32>
    %logistic3A_514 = arith.divf %logistic3A_512, %logistic3A_513 : vector<400x32xf32>
    %slice3A_515 = vector.extract_strided_slice %add3A_500 {offsets = [0, 64], sizes = [400, 32], strides = [1, 1]} : vector<400x128xf32> to vector<400x32xf32>
    %tanh3A_516 = math.tanh %slice3A_515 : vector<400x32xf32>
    %slice3A_517 = vector.extract_strided_slice %add3A_500 {offsets = [0, 96], sizes = [400, 32], strides = [1, 1]} : vector<400x128xf32> to vector<400x32xf32>
    %logistic3A_518 = arith.negf %slice3A_517 : vector<400x32xf32>
    %logistic3A_519 = math.exp %logistic3A_518 : vector<400x32xf32>
    %logistic3A_520 = arith.constant 1.000000e+00 : f32
    %logistic3A_521 = vector.broadcast %logistic3A_520 : f32 to vector<400x32xf32>
    %logistic3A_522 = arith.addf %logistic3A_521, %logistic3A_519 : vector<400x32xf32>
    %logistic3A_523 = arith.divf %logistic3A_521, %logistic3A_522 : vector<400x32xf32>
    %mul3A_524 = arith.mulf %logistic3A_514, %add3A_491 : vector<400x32xf32>
    %mul3A_525 = arith.mulf %logistic3A_507, %tanh3A_516 : vector<400x32xf32>
    %add3A_526 = arith.addf %mul3A_524, %mul3A_525 : vector<400x32xf32>
    %tanh3A_527 = math.tanh %add3A_526 : vector<400x32xf32>
    %mul3A_528 = arith.mulf %logistic3A_523, %tanh3A_527 : vector<400x32xf32>
    %slice3A_529 = vector.extract_strided_slice %reshape3A {offsets = [0, 15, 0], sizes = [400, 1, 128], strides = [1, 1, 1]} : vector<400x16x128xf32> to vector<400x1x128xf32>
    %squeeze3A_530 = vector.shape_cast %slice3A_529 : vector<400x1x128xf32> to vector<400x128xf32>
    %dot_general3A_531 = arith.constant dense<0.000000e+00> : vector<400x128xf32>
    %dot_general3A_532 = tpu.matmul %mul3A_528, %get3A_4, %dot_general3A_531 {dimension_numbers = #tpu.dot_dimension_numbers<[1], [0], [0], [1], [0, 0, 1, 1], [], []>, transpose_lhs_hint = false} : vector<400x32xf32>, vector<32x128xf32>, vector<400x128xf32> -> vector<400x128xf32>
    %add3A_533 = arith.addf %squeeze3A_530, %dot_general3A_532 : vector<400x128xf32>
    %add3A_534 = vector.broadcast %get3A_7 : vector<1x128xf32> to vector<400x128xf32>
    %add3A_535 = arith.addf %add3A_533, %add3A_534 : vector<400x128xf32>
    %slice3A_536 = vector.extract_strided_slice %add3A_535 {offsets = [0, 0], sizes = [400, 32], strides = [1, 1]} : vector<400x128xf32> to vector<400x32xf32>
    %logistic3A_537 = arith.negf %slice3A_536 : vector<400x32xf32>
    %logistic3A_538 = math.exp %logistic3A_537 : vector<400x32xf32>
    %logistic3A_539 = arith.constant 1.000000e+00 : f32
    %logistic3A_540 = vector.broadcast %logistic3A_539 : f32 to vector<400x32xf32>
    %logistic3A_541 = arith.addf %logistic3A_540, %logistic3A_538 : vector<400x32xf32>
    %logistic3A_542 = arith.divf %logistic3A_540, %logistic3A_541 : vector<400x32xf32>
    %slice3A_543 = vector.extract_strided_slice %add3A_535 {offsets = [0, 32], sizes = [400, 32], strides = [1, 1]} : vector<400x128xf32> to vector<400x32xf32>
    %logistic3A_544 = arith.negf %slice3A_543 : vector<400x32xf32>
    %logistic3A_545 = math.exp %logistic3A_544 : vector<400x32xf32>
    %logistic3A_546 = arith.constant 1.000000e+00 : f32
    %logistic3A_547 = vector.broadcast %logistic3A_546 : f32 to vector<400x32xf32>
    %logistic3A_548 = arith.addf %logistic3A_547, %logistic3A_545 : vector<400x32xf32>
    %logistic3A_549 = arith.divf %logistic3A_547, %logistic3A_548 : vector<400x32xf32>
    %slice3A_550 = vector.extract_strided_slice %add3A_535 {offsets = [0, 64], sizes = [400, 32], strides = [1, 1]} : vector<400x128xf32> to vector<400x32xf32>
    %tanh3A_551 = math.tanh %slice3A_550 : vector<400x32xf32>
    %slice3A_552 = vector.extract_strided_slice %add3A_535 {offsets = [0, 96], sizes = [400, 32], strides = [1, 1]} : vector<400x128xf32> to vector<400x32xf32>
    %logistic3A_553 = arith.negf %slice3A_552 : vector<400x32xf32>
    %logistic3A_554 = math.exp %logistic3A_553 : vector<400x32xf32>
    %logistic3A_555 = arith.constant 1.000000e+00 : f32
    %logistic3A_556 = vector.broadcast %logistic3A_555 : f32 to vector<400x32xf32>
    %logistic3A_557 = arith.addf %logistic3A_556, %logistic3A_554 : vector<400x32xf32>
    %logistic3A_558 = arith.divf %logistic3A_556, %logistic3A_557 : vector<400x32xf32>
    %mul3A_559 = arith.mulf %logistic3A_549, %add3A_526 : vector<400x32xf32>
    %mul3A_560 = arith.mulf %logistic3A_542, %tanh3A_551 : vector<400x32xf32>
    %add3A_561 = arith.addf %mul3A_559, %mul3A_560 : vector<400x32xf32>
    %tanh3A_562 = math.tanh %add3A_561 : vector<400x32xf32>
    %mul3A_563 = arith.mulf %logistic3A_558, %tanh3A_562 : vector<400x32xf32>
    %get3A_564 = arith.constant 0 : index
    %get3A_565 = arith.constant 0 : index
    %get3A_566 = vector.load %arg2[%get3A_564, %get3A_565] : memref<400x32xf32, #tpu.memory_space<vmem>>, vector<400x32xf32>
    %get3A_567 = arith.constant 0 : index
    %get3A_568 = arith.constant 0 : index
    %get3A_569 = vector.load %arg5[%get3A_567, %get3A_568] : memref<32x32xf32, #tpu.memory_space<vmem>>, vector<32x32xf32>
    %dot_general3A_570 = arith.constant dense<0.000000e+00> : vector<400x32xf32>
    %dot_general3A_571 = tpu.matmul %get3A_566, %get3A_569, %dot_general3A_570 {dimension_numbers = #tpu.dot_dimension_numbers<[1], [0], [0], [1], [0, 0, 1, 1], [], []>, transpose_lhs_hint = false} : vector<400x32xf32>, vector<32x32xf32>, vector<400x32xf32> -> vector<400x32xf32>
    %get3A_572 = arith.constant 0 : index
    %get3A_573 = arith.constant 0 : index
    %get3A_574 = vector.load %arg6[%get3A_572, %get3A_573] : memref<1x32xf32, #tpu.memory_space<vmem>>, vector<1x32xf32>
    %add3A_575 = vector.broadcast %get3A_574 : vector<1x32xf32> to vector<400x32xf32>
    %add3A_576 = arith.addf %dot_general3A_571, %add3A_575 : vector<400x32xf32>
    %get3A_577 = arith.constant 0 : index
    %get3A_578 = arith.constant 0 : index
    %get3A_579 = vector.load %arg7[%get3A_577, %get3A_578] : memref<32x32xf32, #tpu.memory_space<vmem>>, vector<32x32xf32>
    %dot_general3A_580 = arith.constant dense<0.000000e+00> : vector<400x32xf32>
    %dot_general3A_581 = tpu.matmul %mul3A_563, %get3A_579, %dot_general3A_580 {dimension_numbers = #tpu.dot_dimension_numbers<[1], [0], [0], [1], [0, 0, 1, 1], [], []>, transpose_lhs_hint = false} : vector<400x32xf32>, vector<32x32xf32>, vector<400x32xf32> -> vector<400x32xf32>
    %add3A_582 = arith.addf %add3A_576, %dot_general3A_581 : vector<400x32xf32>
    %swap3A = arith.constant 0 : index
    %swap3A_583 = arith.constant 0 : index
    %swap3A_584 = vector.load %arg8[%swap3A, %swap3A_583] : memref<400x32xf32, #tpu.memory_space<vmem>>, vector<400x32xf32>
    tpu.vector_store %arg8[%swap3A, %swap3A_583], %add3A_582 {strides = array<i32>} : memref<400x32xf32, #tpu.memory_space<vmem>>, vector<400x32xf32>,
    return
  }
  func.func @transform_0(%arg0: i32) -> (i32, i32) {
    %c0_i32 = arith.constant 0 : i32
    %c0_i32_0 = arith.constant 0 : i32
    return %arg0, %c0_i32 : i32, i32
  }
  func.func @transform_1(%arg0: i32) -> (i32, i32) {
    %c0_i32 = arith.constant 0 : i32
    %c0_i32_0 = arith.constant 0 : i32
    return %arg0, %c0_i32 : i32, i32
  }
  func.func @transform_2(%arg0: i32) -> (i32, i32) {
    %c0_i32 = arith.constant 0 : i32
    %c0_i32_0 = arith.constant 0 : i32
    %c0_i32_1 = arith.constant 0 : i32
    return %c0_i32, %c0_i32_0 : i32, i32
  }
  func.func @transform_3(%arg0: i32) -> (i32, i32) {
    %c0_i32 = arith.constant 0 : i32
    %c0_i32_0 = arith.constant 0 : i32
    %c0_i32_1 = arith.constant 0 : i32
    return %c0_i32, %c0_i32_0 : i32, i32
  }
  func.func @transform_4(%arg0: i32) -> (i32, i32) {
    %c0_i32 = arith.constant 0 : i32
    %c0_i32_0 = arith.constant 0 : i32
    %c0_i32_1 = arith.constant 0 : i32
    return %c0_i32, %c0_i32_0 : i32, i32
  }
  func.func @transform_5(%arg0: i32) -> (i32, i32) {
    %c0_i32 = arith.constant 0 : i32
    %c0_i32_0 = arith.constant 0 : i32
    %c0_i32_1 = arith.constant 0 : i32
    return %c0_i32, %c0_i32_0 : i32, i32
  }
  func.func @transform_6(%arg0: i32) -> (i32, i32) {
    %c0_i32 = arith.constant 0 : i32
    %c0_i32_0 = arith.constant 0 : i32
    %c0_i32_1 = arith.constant 0 : i32
    return %c0_i32, %c0_i32_0 : i32, i32
  }
  func.func @transform_7(%arg0: i32) -> (i32, i32) {
    %c0_i32 = arith.constant 0 : i32
    %c0_i32_0 = arith.constant 0 : i32
    return %arg0, %c0_i32 : i32, i32
  }
}

module attributes {stable_mosaic.version = 14 : i64} {
  func.func @_pool_body(%arg0: memref<10000x32xf32, #tpu.memory_space<vmem>>, %arg1: memref<32x16xf32, #tpu.memory_space<vmem>>, %arg2: memref<1x16xf32, #tpu.memory_space<vmem>>, %arg3: memref<1x16xf32, #tpu.memory_space<vmem>>, %arg4: memref<1x1xf32, #tpu.memory_space<vmem>>, %arg5: memref<32x32xf32, #tpu.memory_space<vmem>>, %arg6: memref<1x32xf32, #tpu.memory_space<vmem>>, %arg7: memref<32x32xf32, #tpu.memory_space<vmem>>, %arg8: memref<1x32xf32, #tpu.memory_space<vmem>>, %arg9: memref<1x32xf32, #tpu.memory_space<vmem>>, %arg10: memref<1x1xf32, #tpu.memory_space<vmem>>, %arg11: memref<1x1xf32, #tpu.memory_space<vmem>>) attributes {dimension_semantics = [], scalar_prefetch = 0 : i64, scratch_operands = 0 : i64, tpu.core_type = #tpu.core_type<tc>} {
    %get3A = arith.constant 0 : index
    %get3A_0 = arith.constant 0 : index
    %get3A_1 = vector.load %arg0[%get3A, %get3A_0] : memref<10000x32xf32, #tpu.memory_space<vmem>>, vector<10000x32xf32>
    %get3A_2 = arith.constant 0 : index
    %get3A_3 = arith.constant 0 : index
    %get3A_4 = vector.load %arg1[%get3A_2, %get3A_3] : memref<32x16xf32, #tpu.memory_space<vmem>>, vector<32x16xf32>
    %dot_general3A = arith.constant dense<0.000000e+00> : vector<10000x16xf32>
    %dot_general3A_5 = tpu.matmul %get3A_1, %get3A_4, %dot_general3A {dimension_numbers = #tpu.dot_dimension_numbers<[1], [0], [0], [1], [0, 0, 1, 1], [], []>, transpose_lhs_hint = false} : vector<10000x32xf32>, vector<32x16xf32>, vector<10000x16xf32> -> vector<10000x16xf32>
    %get3A_6 = arith.constant 0 : index
    %get3A_7 = arith.constant 0 : index
    %get3A_8 = vector.load %arg2[%get3A_6, %get3A_7] : memref<1x16xf32, #tpu.memory_space<vmem>>, vector<1x16xf32>
    %add3A = vector.broadcast %get3A_8 : vector<1x16xf32> to vector<10000x16xf32>
    %add3A_9 = arith.addf %dot_general3A_5, %add3A : vector<10000x16xf32>
    %max3A = arith.constant 0.000000e+00 : f32
    %max3A_10 = vector.broadcast %max3A : f32 to vector<10000x16xf32>
    %max3A_11 = arith.maximumf %add3A_9, %max3A_10 : vector<10000x16xf32>
    %get3A_12 = arith.constant 0 : index
    %get3A_13 = arith.constant 0 : index
    %get3A_14 = vector.load %arg3[%get3A_12, %get3A_13] : memref<1x16xf32, #tpu.memory_space<vmem>>, vector<1x16xf32>
    %mul3A = vector.broadcast %get3A_14 : vector<1x16xf32> to vector<10000x16xf32>
    %mul3A_15 = arith.mulf %max3A_11, %mul3A : vector<10000x16xf32>
    %reduce_sum3A = arith.constant dense<0.000000e+00> : vector<10000xf32>
    %reduce_sum3A_16 = vector.multi_reduction <add>, %mul3A_15, %reduce_sum3A [1] : vector<10000x16xf32> to vector<10000xf32>
    %broadcast_in_dim3A = vector.shape_cast %reduce_sum3A_16 : vector<10000xf32> to vector<10000x1xf32>
    %get3A_17 = arith.constant 0 : index
    %get3A_18 = arith.constant 0 : index
    %get3A_19 = vector.load %arg4[%get3A_17, %get3A_18] : memref<1x1xf32, #tpu.memory_space<vmem>>, vector<1x1xf32>
    %add3A_20 = vector.broadcast %get3A_19 : vector<1x1xf32> to vector<10000x1xf32>
    %add3A_21 = arith.addf %broadcast_in_dim3A, %add3A_20 : vector<10000x1xf32>
    %reduce_max3A = vector.shape_cast %add3A_21 : vector<10000x1xf32> to vector<1x10000x1xf32>
    %reduce_max3A_22 = arith.constant dense<0xFF800000> : vector<1xf32>
    %reduce_max3A_23 = vector.multi_reduction <maximumf>, %reduce_max3A, %reduce_max3A_22 [1, 2] : vector<1x10000x1xf32> to vector<1xf32>
    %reduce_max3A_24 = vector.shape_cast %reduce_max3A_23 : vector<1xf32> to vector<1x1x1xf32>
    %reduce_max3A_25 = vector.extract %reduce_max3A_24[0, 0, 0] : f32 from vector<1x1x1xf32>
    %sub3A = vector.broadcast %reduce_max3A_25 : f32 to vector<10000x1xf32>
    %sub3A_26 = arith.subf %add3A_21, %sub3A : vector<10000x1xf32>
    %exp3A = math.exp %sub3A_26 : vector<10000x1xf32>
    %reduce_sum3A_27 = vector.shape_cast %exp3A : vector<10000x1xf32> to vector<1x10000x1xf32>
    %reduce_sum3A_28 = arith.constant dense<0.000000e+00> : vector<1xf32>
    %reduce_sum3A_29 = vector.multi_reduction <add>, %reduce_sum3A_27, %reduce_sum3A_28 [1, 2] : vector<1x10000x1xf32> to vector<1xf32>
    %reduce_sum3A_30 = vector.shape_cast %reduce_sum3A_29 : vector<1xf32> to vector<1x1x1xf32>
    %reduce_sum3A_31 = vector.extract %reduce_sum3A_30[0, 0, 0] : f32 from vector<1x1x1xf32>
    %mul3A_32 = vector.broadcast %exp3A : vector<10000x1xf32> to vector<10000x32xf32>
    %mul3A_33 = arith.mulf %mul3A_32, %get3A_1 : vector<10000x32xf32>
    %reduce_sum3A_34 = arith.constant dense<0.000000e+00> : vector<32xf32>
    %reduce_sum3A_35 = vector.multi_reduction <add>, %mul3A_33, %reduce_sum3A_34 [0] : vector<10000x32xf32> to vector<32xf32>
    %broadcast_in_dim3A_36 = vector.shape_cast %reduce_sum3A_35 : vector<32xf32> to vector<1x32xf32>
    %div3A = vector.broadcast %reduce_sum3A_31 : f32 to vector<1x32xf32>
    %div3A_37 = arith.divf %broadcast_in_dim3A_36, %div3A : vector<1x32xf32>
    %gt3A = arith.constant 0.000000e+00 : f32
    %gt3A_38 = vector.broadcast %gt3A : f32 to vector<1x32xf32>
    %gt3A_39 = arith.cmpf ogt, %div3A_37, %gt3A_38 : vector<1x32xf32>
    %min3A = arith.constant 0.000000e+00 : f32
    %min3A_40 = vector.broadcast %min3A : f32 to vector<1x32xf32>
    %min3A_41 = arith.minimumf %div3A_37, %min3A_40 : vector<1x32xf32>
    %exp3A_42 = math.exp %min3A_41 : vector<1x32xf32>
    %sub3A_43 = arith.constant 1.000000e+00 : f32
    %sub3A_44 = vector.broadcast %sub3A_43 : f32 to vector<1x32xf32>
    %sub3A_45 = arith.subf %exp3A_42, %sub3A_44 : vector<1x32xf32>
    %select_n3A = arith.select %gt3A_39, %div3A_37, %sub3A_45 : vector<1x32xi1>, vector<1x32xf32>
    %get3A_46 = arith.constant 0 : index
    %get3A_47 = arith.constant 0 : index
    %get3A_48 = vector.load %arg5[%get3A_46, %get3A_47] : memref<32x32xf32, #tpu.memory_space<vmem>>, vector<32x32xf32>
    %dot_general3A_49 = arith.constant dense<0.000000e+00> : vector<1x32xf32>
    %dot_general3A_50 = tpu.matmul %select_n3A, %get3A_48, %dot_general3A_49 {dimension_numbers = #tpu.dot_dimension_numbers<[1], [0], [0], [1], [0, 0, 1, 1], [], []>, transpose_lhs_hint = false} : vector<1x32xf32>, vector<32x32xf32>, vector<1x32xf32> -> vector<1x32xf32>
    %get3A_51 = arith.constant 0 : index
    %get3A_52 = arith.constant 0 : index
    %get3A_53 = vector.load %arg6[%get3A_51, %get3A_52] : memref<1x32xf32, #tpu.memory_space<vmem>>, vector<1x32xf32>
    %add3A_54 = arith.addf %dot_general3A_50, %get3A_53 : vector<1x32xf32>
    %max3A_55 = arith.constant 0.000000e+00 : f32
    %max3A_56 = vector.broadcast %max3A_55 : f32 to vector<1x32xf32>
    %max3A_57 = arith.maximumf %add3A_54, %max3A_56 : vector<1x32xf32>
    %get3A_58 = arith.constant 0 : index
    %get3A_59 = arith.constant 0 : index
    %get3A_60 = vector.load %arg7[%get3A_58, %get3A_59] : memref<32x32xf32, #tpu.memory_space<vmem>>, vector<32x32xf32>
    %dot_general3A_61 = arith.constant dense<0.000000e+00> : vector<1x32xf32>
    %dot_general3A_62 = tpu.matmul %max3A_57, %get3A_60, %dot_general3A_61 {dimension_numbers = #tpu.dot_dimension_numbers<[1], [0], [0], [1], [0, 0, 1, 1], [], []>, transpose_lhs_hint = false} : vector<1x32xf32>, vector<32x32xf32>, vector<1x32xf32> -> vector<1x32xf32>
    %get3A_63 = arith.constant 0 : index
    %get3A_64 = arith.constant 0 : index
    %get3A_65 = vector.load %arg8[%get3A_63, %get3A_64] : memref<1x32xf32, #tpu.memory_space<vmem>>, vector<1x32xf32>
    %add3A_66 = arith.addf %dot_general3A_62, %get3A_65 : vector<1x32xf32>
    %max3A_67 = arith.constant 0.000000e+00 : f32
    %max3A_68 = vector.broadcast %max3A_67 : f32 to vector<1x32xf32>
    %max3A_69 = arith.maximumf %add3A_66, %max3A_68 : vector<1x32xf32>
    %get3A_70 = arith.constant 0 : index
    %get3A_71 = arith.constant 0 : index
    %get3A_72 = vector.load %arg9[%get3A_70, %get3A_71] : memref<1x32xf32, #tpu.memory_space<vmem>>, vector<1x32xf32>
    %mul3A_73 = arith.mulf %max3A_69, %get3A_72 : vector<1x32xf32>
    %reduce_sum3A_74 = arith.constant dense<0.000000e+00> : vector<1xf32>
    %reduce_sum3A_75 = vector.multi_reduction <add>, %mul3A_73, %reduce_sum3A_74 [1] : vector<1x32xf32> to vector<1xf32>
    %broadcast_in_dim3A_76 = vector.shape_cast %reduce_sum3A_75 : vector<1xf32> to vector<1x1xf32>
    %get3A_77 = arith.constant 0 : index
    %get3A_78 = arith.constant 0 : index
    %get3A_79 = vector.load %arg10[%get3A_77, %get3A_78] : memref<1x1xf32, #tpu.memory_space<vmem>>, vector<1x1xf32>
    %add3A_80 = arith.addf %broadcast_in_dim3A_76, %get3A_79 : vector<1x1xf32>
    %swap3A = arith.constant 0 : index
    %swap3A_81 = arith.constant 0 : index
    %swap3A_82 = vector.load %arg11[%swap3A, %swap3A_81] : memref<1x1xf32, #tpu.memory_space<vmem>>, vector<1x1xf32>
    tpu.vector_store %arg11[%swap3A, %swap3A_81], %add3A_80 {strides = array<i32>} : memref<1x1xf32, #tpu.memory_space<vmem>>, vector<1x1xf32>,
    return
  }
}

</mosaic_0001>

<sc_bundles>
// kernel: kernel.11.cloned.1.call-start
scs
__scs_entry_jumppad:
0x0: {  	(pc) =	sbr.rel $0x88, $3  }
0x1: {  	(tag) =	ssettag $0x0;
	lr =	simm.s32 $0x1  }
0x2: {  	[smem:$0x3F83] =	sst lr;
	_ =	strace $0xD0000000  }
0x3: {  	_ = 	snop  }
0x4: {  	_ = 	snop  }
0x5: {  	_ = 	snop  }
0x6: {  	_ = 	snop  }
0x7: {  	_ = 	snop  }
__scs_overlays_trampoline_lowered:
0x8: {  	[smem:$0x3F92] =	sst s0  }
0x9: {  	[smem:$0x3F93] =	sst s1  }
0xa: {  	[smem:$0x3F94] =	sst s2  }
0xb: {  	[smem:$0x3F95] =	sst s3  }
0xc: {  	[smem:$0x3F96] =	sst s4  }
0xd: {  	[smem:$0x3F97] =	sst s5  }
0xe: {  	[smem:$0x3F98] =	sst s6  }
0xf: {  	[smem:$0x3F99] =	sst s7  }
0x10: {  	[smem:$0x3F9A] =	sst s8  }
0x11: {  	[smem:$0x3F9B] =	sst s9;
	s0 =	simm.s32 @!p0 $0x0  }
0x12: {  	s1 =	sld [smem:$0x3F81];
	s0 =	simm.s32 @p0 $0x1  }
0x13: {  	[smem:$0x3F9C] =	sst s0;
	s0 =	simm.s32 @!p1 $0x0  }
0x14: {  	s2 =	sld [smem:$0x3F80];
	s0 =	simm.s32 @p1 $0x1  }
0x15: {  	[smem:$0x3F9D] =	sst s0;
	s0 =	simm.s32 @!p2 $0x0  }
0x16: {  	s3 =	sld [smem:$0x3FDB];
	s0 =	simm.s32 @p2 $0x1  }
0x17: {  	s4 =	simm.s32 $0x1BF5;
	[smem:$0x3F9F] =	sst s0  }
0x18: {  	s0 =	sld [smem:$0x3F82];
	_ =	swait.ge [sflag:s4], $0x0  }
0x19: {  	s7 =	sld [smem:$0x3F83]  }
0x1a: {  	s8 =	sadd.s32 $0xFFFFE003, lr  }
0x1b: {  	s9 =	sadd.s32 $0xFFFFFEF7, lr;
	s5 =	simm.s32 $0xFFFFFFFF;
	p2 =	slt.u32 s8, $0xFFFFF086  }
0x1c: {  	p1 =	slt.u32 s9, $0xF7A;
	s5 =	simm.s32 @!p2 $0x0  }
0x1d: {  	s5 =	simm.s32 @p1 $0x1;
	p0 =	seq.s32 s7, s2  }
0x1e: {  	s7 =	smul.u32 @!p0 $0xF7A, s2;
	p2 =	seq.s32 @!p0 s5, $0x0  }
0x1f: {  	s9 =	smul.u32 $0xF7A, s1;
	s8 =	simm.s32 @!p0 $0x1BF5;
	p2 =	por !p2, p0  }
0x20: {  	[sflag:s8] =	ssyncset.s32 @!p0 $0xFFFFF086;
	s6 =	sadd.s32 @!p0 s3, s7;
	s7 =	simm.s32 @!p0 $0x108  }
0x21: {  	s3 =	sadd.s32 s3, s9;
	s6 =	sadd.s32 @!p0 $0x88, s6;
	s7 =	simm.s32 @p2 $0x1082  }
0x22: {  	[simem:s7], [sflag:s8] =	dma.local @!p0 [hbm:s6], $0xF7A  }
0x23: {  	s9 =	sor.u32 $0xD0000000, s2;
	s6 =	simm.s32 $0x108;
	_ =	swait.ge @!p0 [sflag:s8], $0x0  }
0x24: {  	s3 =	sadd.s32 $0x88, s3;
	s6 =	simm.s32 @!p1 $0x1082;
	[sflag:s4] =	ssyncset.s32 $0xFFFFF086  }
0x25: {  	[simem:s6], [sflag:s4] =	dma.local [hbm:s3], $0xF7A  }
0x26: {  	[smem:$0x3F83] =	sst s1;
	(tag) =	ssettag s2;
	_ =	strace s9  }
0x27: {  	s1 =	sld [smem:$0x3F93]  }
0x28: {  	s2 =	sld [smem:$0x3F94]  }
0x29: {  	s4 =	sld [smem:$0x3F96]  }
0x2a: {  	p0 =	seq.s32 s5, $0x0;
	s5 =	sld [smem:$0x3F97]  }
0x2b: {  	s6 =	sld [smem:$0x3F98]  }
0x2c: {  	s7 =	sld [smem:$0x3F99]  }
0x2d: {  	s3 =	simm.s32 $0x108;
	s8 =	sld [smem:$0x3F9A]  }
0x2e: {  	s3 =	simm.s32 @!p0 $0x1082;
	s9 =	sld [smem:$0x3F9B]  }
0x2f: {  	lr =	sadd.s32 s0, s3;
	s0 =	sld [smem:$0x3F92]  }
0x30: {  	s3 =	sld [smem:$0x3F95]  }
0x31: {  	[smem:$0x3F9E] =	sst s10  }
0x32: {  	s10 =	sld [smem:$0x3F9C];
	_ =	sdelay $0x3  }
0x33: {  	p0 =	seq.s32 s10, $0x1;
	s10 =	sld [smem:$0x3F9E];
	_ =	sdelay $0x3  }
0x34: {  	[smem:$0x3F9E] =	sst s10  }
0x35: {  	s10 =	sld [smem:$0x3F9D];
	_ =	sdelay $0x3  }
0x36: {  	p1 =	seq.s32 s10, $0x1;
	s10 =	sld [smem:$0x3F9E];
	_ =	sdelay $0x3  }
0x37: {  	[smem:$0x3F9E] =	sst s10  }
0x38: {  	s10 =	sld [smem:$0x3F9F]  }
0x39: {  	_ = 	snop;
	(pc) =	sbr.ind lr, $3  }
0x3a: {  	_ = 	snop  }
0x3b: {  	_ = 	snop  }
0x3c: {  	p2 =	seq.s32 s10, $0x1;
	s10 =	sld [smem:$0x3F9E]  }
0x3d: {  	_ =	shalt  }
0x3e: {  	_ =	shalt  }
0x3f: {  	_ =	shalt  }
0x40: {  	_ =	shalt  }
0x41: {  	_ =	shalt  }
0x42: {  	_ =	shalt  }
0x43: {  	_ =	shalt  }
0x44: {  	_ =	shalt  }
0x45: {  	_ =	shalt  }
0x46: {  	_ =	shalt  }
0x47: {  	_ =	shalt  }
0x48: {  	_ =	shalt  }
0x49: {  	_ =	shalt  }
0x4a: {  	_ =	shalt  }
0x4b: {  	_ =	shalt  }
0x4c: {  	_ =	shalt  }
0x4d: {  	_ =	shalt  }
0x4e: {  	_ =	shalt  }
0x4f: {  	_ =	shalt  }
0x50: {  	_ =	shalt  }
0x51: {  	_ =	shalt  }
0x52: {  	_ =	shalt  }
0x53: {  	_ =	shalt  }
0x54: {  	_ =	shalt  }
0x55: {  	_ =	shalt  }
0x56: {  	_ =	shalt  }
0x57: {  	_ =	shalt  }
0x58: {  	_ =	shalt  }
0x59: {  	_ =	shalt  }
0x5a: {  	_ =	shalt  }
0x5b: {  	_ =	shalt  }
0x5c: {  	_ =	shalt  }
0x5d: {  	_ =	shalt  }
0x5e: {  	_ =	shalt  }
0x5f: {  	_ =	shalt  }
0x60: {  	_ =	shalt  }
0x61: {  	_ =	shalt  }
0x62: {  	_ =	shalt  }
0x63: {  	_ =	shalt  }
0x64: {  	_ =	shalt  }
0x65: {  	_ =	shalt  }
0x66: {  	_ =	shalt  }
0x67: {  	_ =	shalt  }
0x68: {  	_ =	shalt  }
0x69: {  	_ =	shalt  }
0x6a: {  	_ =	shalt  }
0x6b: {  	_ =	shalt  }
0x6c: {  	_ =	shalt  }
0x6d: {  	_ =	shalt  }
0x6e: {  	_ =	shalt  }
0x6f: {  	_ =	shalt  }
0x70: {  	_ =	shalt  }
0x71: {  	_ =	shalt  }
0x72: {  	_ =	shalt  }
0x73: {  	_ =	shalt  }
0x74: {  	_ =	shalt  }
0x75: {  	_ =	shalt  }
0x76: {  	_ =	shalt  }
0x77: {  	_ =	shalt  }
0x78: {  	_ =	shalt  }
0x79: {  	_ =	shalt  }
0x7a: {  	_ =	shalt  }
0x7b: {  	_ =	shalt  }
0x7c: {  	_ =	shalt  }
0x7d: {  	_ =	shalt  }
0x7e: {  	_ =	shalt  }
0x7f: {  	_ =	shalt  }
0x80: {  	_ =	shalt  }
0x81: {  	_ =	shalt  }
0x82: {  	_ =	shalt  }
0x83: {  	_ =	shalt  }
0x84: {  	_ =	shalt  }
0x85: {  	_ =	shalt  }
0x86: {  	_ =	shalt  }
0x87: {  	_ =	shalt  }
.Lfunc_end0:
.L_simem_size_0:
called_computation_lowered:
.L_overlay_start_0:
0x88: {  	s2 =	sld [smem:$0x3FD9]  }
0x89: {  	s3 =	sld [smem:$0x3FFE];
	_ =	sdelay $0x1  }
0x8a: {  	s1 =	srdreg.scid  }
0x8b: {  	s0 =	sand.u32 $0x1, s1  }
0x8c: {  	s17 =	sshll.u32 s0, $0xA;
	s2 =	sadd.s32 s3, s2  }
0x8d: {  	s2 =	sadd.s32 s2, s17  }
0x8e: {  	[smem:$0x3FAA] =	sst s2  }
0x8f: {  	_ = 	snop  }
0x90: {  	s2 =	sld [smem:$0x3FC9];
	(tm) =	ssettm $0x1  }
0x91: {  	s18 =	sld [smem:$0x3FFB];
	_ =	sdelay $0x3  }
0x92: {  	_ =	strace s18  }
0x93: {  	s3 =	sld [smem:$0x3FFC];
	_ =	sdelay $0x3  }
0x94: {  	_ =	strace s3  }
0x95: {  	s3 =	sld [smem:$0x3FFD];
	_ =	sdelay $0x3  }
0x96: {  	_ =	strace s3  }
0x97: {  	_ =	strace $0x8FFFFFFF  }
0x98: {  	s19 =	sld [smem:$0x3FDB];
	_ =	sdelay $0x1  }
0x99: {  	s4 =	simm.s32 $_scs_section_size  }
0x9a: {  	s5 =	simm.s32 $_size__tile_overlayer_lowered;
	s6 =	simm.s32 $_tile_overlayer_lowered  }
0x9b: {  	s22 =	simm.s32 $0x1BFF;
	s21 =	sshll.u32 s6, $0x1;
	s3 =	sadd.s32 s4, s19  }
0x9c: {  	s7 =	simm.s32 $0x0;
	s20 =	sshll.u32 s5, $0x1;
	s5 =	sadd.s32 s21, s3  }
0x9d: {  	[timem:s7], [sflag:s22] =	dma.local [hbm:s5], s20  }
0x9e: {  	_ =	swait.ge [sflag:s22], s20  }
0x9f: {  	s4 =	ssub.s32 $0x0, s20;
	[sflag:s22] =	ssyncset.done $0x0  }
0xa0: {  	[sflag:s22] =	ssyncadd.s32 s4;
	_ =	sdelay $0x1  }
0xa1: {  	s23 =	simm.s32 $0x1B8B  }
0xa2: {  	_ =	swait.ge [sflag:s23], $0x1  }
0xa3: {  	[sflag:s23] =	ssyncset.done $0x0  }
0xa4: {  	s25 =	simm.s32 $0x1B8E;
	s24 =	sld [smem:$0x3FFE];
	[sflag:s23] =	ssyncadd.s32 $0xFFFFFFFF  }
0xa5: {  	s26 =	simm.s32 $execute0_lowered;
	[smem:$0x3FD2] =	sst s25  }
0xa6: {  	s5 =	sshll.u32 s26, $0x1;
	_ =	strace $0x80000046;
	[dreg:$0x1] =	wrdreg $0xFFFFFFFF  }
0xa7: {  	s28 =	simm.s32 $_size_execute0_lowered;
	s3 =	sadd.s32 s3, s5;
	[dreg:$0x0] =	wrdreg $0x0  }
0xa8: {  	s5 =	sshll.u32 s28, $0x1;
	[dreg:$0x2] =	wrdreg s3  }
0xa9: {  	[dreg:$0x3] =	wrdreg s5  }
0xaa: {  	[dreg:$0x4] =	wrdreg $0xC0  }
0xab: {  	_ =	task [dreg:s7], $0x5FFFF  }
0xac: {  	[dreg:$0x1] =	wrdreg $0xFFFFFFFF  }
0xad: {  	[dreg:$0x0] =	wrdreg $0x60  }
0xae: {  	[dreg:$0x2] =	wrdreg s2  }
0xaf: {  	[dreg:$0x3] =	wrdreg s24  }
0xb0: {  	[dreg:$0x4] =	wrdreg $0x9  }
0xb1: {  	_ =	task.clear_ibuf [dreg:s7], $0x5FFFF;
	_ =	strace $0x90000046  }
0xb2: {  	s29 =	simm.s32 $0x9;
	_ =	strace $0x80000048  }
0xb3: {  	_ =	swait.ge [sflag:s29], $0x1  }
0xb4: {  	[sflag:s29] =	ssyncadd.s32 $0xFFFFFFFF  }
0xb5: {  	_ =	strace $0x90000048  }
0xb6: {  	_ =	sfence  }
0xb7: {  	s30 =	sld [smem:$0x0];
	_ =	sdelay $0x2  }
0xb8: {  	s31 =	sshll.u32 s1, $0xD;
	s1 =	sshrl.u32 s1, $0x2  }
0xb9: {  	s3 =	sand.u32 $0x4000, s31;
	s1 =	sadd.s32 s1, s30  }
0xba: {  	s0 =	sor.u32 s3, s0;
	s1 =	sshll.u32 s1, $0x11  }
0xbb: {  	s0 =	sor.u32 s1, s0  }
0xbc: {  	s0 =	sadd.s32 $0x8F2B, s0  }
0xbd: {  	[sflag:s0] =	ssyncadd.remote.s32 $0x1  }
0xbe: {  	_ =	sfence.sel $0xFFFF  }
0xbf: {  	[dreg:$0x0] =	wrdreg $0xFFFFFFFF;
	(pc) =	sbr.abs _section_cstart, $3  }
0xc0: {  	[dreg:$0x1] =	wrdreg $0xFFFFFFFF  }
0xc1: {  	_ =	task.clear_ibuf [dreg:s7], $0x2FFFF;
	_ =	strace $0x9FFFFFFF  }
0xc2: {  	(tm) =	ssettm $0x7FFFFFFF  }
0xc3: {  	_ =	shalt  }
tec
execute0_lowered:
.L_overlay_start_1:
0x0: {  	(tag) =	ssettag $0x1  }
0x1: {  	s1 =	rddreg [dreg:$0x0]  }
0x2: {  	s4 =	rddreg [dreg:$0x1]  }
0x3: {  	s0 =	rddreg [dreg:$0x2];
	s5 =	srdreg.scid  }
0x4: {  	s3 =	simm.s32 $0x0;
	s2 =	stileid.u32;
	s10 =	simm.s32 $0x1080  }
0x5: {  	s11 =	simm.s32 $0x1880;
	s12 =	simm.s32 $0x2080;
	s13 =	simm.s32 $0x2880  }
0x6: {  	s14 =	simm.s32 $0x3080;
	s15 =	simm.s32 $0x3880;
	s16 =	simm.s32 $0x4080  }
0x7: {  	s17 =	simm.s32 $0x4880;
	s18 =	simm.s32 $0x5080;
	s19 =	simm.s32 $0x5880  }
0x8: {  	s20 =	simm.s32 $0x6080;
	s21 =	simm.s32 $0x6880;
	s22 =	simm.s32 $0x7080  }
0x9: {  	s23 =	simm.s32 $0x7880;
	s24 =	simm.s32 $0x1;
	s25 =	simm.s32 $0x0  }
0xa: {  	s5 =	sand.u32 $0x1, s5;
	[smem:$0x7FF] =	sst s3;
	s6 =	sshll.u32 s2, $0x8  }
0xb: {  	s8 =	sshll.u32 s2, $0xD;
	s7 =	sshll.u32 s5, $0x7;
	_ =	strace $0x80000047  }
0xc: {  	s31 =	ssub.s32 $0x2, s5;
	s8 =	sadd.s32 s8, s4;
	s5 =	sshll.u32 s5, $0xC  }
0xd: {  	s6 =	sor.u32 s7, s6;
	s9 =	sshrl.u32 s31, $0x1;
	s5 =	sadd.s32 s5, s8  }
0xe: {  	v2 =	vlaneseq.u32;
	s8 =	simm.s32 $0x80;
	s6 =	sshrl.u32 s6, $0x3;
	s7 =	ssub.s32 s31, s9  }
0xf: {  	vm0 =	vmmov $0xffff;
	v1 =	vshrl.u32 v2, $0x3;
	s5 =	sadd.s32 $0xB400, s5;
	s9 =	simm.s32 $0x880;
	s6 =	sadd.s32 s6, s4  }
0x10: {  	v0 =	vand.u32 $0x7, v2;
	v2 =	vor.u32 $0x8, v2;
	v1 =	vmul.u32 $0x8, v1;
	s4 =	smax.u32 s7, $0x1;
	s7 =	simm.s32 $0x2;
	s6 =	sadd.s32 $0x6400, s6  }
.LBB2_1:
0x11: {  	s26 =	smov.u32 s5;
	s28 =	simm.s32 $0x0  }
.LBB2_2:
0x12: {  	s29 =	sadd.s32 s28, s6  }
0x13: {  	[tilespmem:s3], [sflag:$0x2] =	stream.linear.gather [hbm4b:s29+s3], $0x80, $0x38;
	[tilespmem:$0x8080] =	vst v63  }
0x14: {  	_ =	swait.ge [sflag:s7], $0x80  }
0x15: {  	[sflag:s7] =	ssyncset.done $0x0  }
0x16: {  	[sflag:s7] =	ssyncadd.s32 $0xFFFFFF80  }
0x17: {  	v3 =	vld [tilespmem:$0x0];
	_ =	sdelay $0x4  }
0x18: {  	v4 =	vshll.u32 v3, $0x1  }
0x19: {  	v3 =	vand.u32 $0x7, v3;
	v4 =	vand.u32 $0xFFFFFFF0, v4  }
0x1a: {  	v3 =	vor.u32 v3, v4  }
0x1b: {  	v4 =	vperm.xlane v3, v0;
	_ =	sdelay $0x1  }
0x1c: {  	v3 =	vperm.xlane v3, v2;
	v4 =	vadd.s32 v1, v4;
	_ =	sdelay $0x1  }
0x1d: {  	v3 =	vadd.s32 v1, v3;
	_ =	sdelay $0x2  }
0x1e: {  	[tilespmem:s8], [sflag:$0x1] =	stream.indirect_vreg.gather [hbm4b:s1+s3], $0x80, v4, vm0, $0xb8;
	[tilespmem:$0x8080] =	vst v63  }
0x1f: {  	_ = 	snop  }
0x20: {  	[tilespmem:s9], [sflag:$0x1] =	stream.indirect_vreg.gather [hbm4b:s1+s3], $0x80, v3, vm0, $0xb8;
	[tilespmem:$0x8080] =	vst v63  }
0x21: {  	v3 =	vld [tilespmem:$0x10];
	_ =	sdelay $0x4  }
0x22: {  	v57 =	vshll.u32 v3, $0x1  }
0x23: {  	v3 =	vand.u32 $0x7, v3;
	v4 =	vand.u32 $0xFFFFFFF0, v57  }
0x24: {  	v3 =	vor.u32 v3, v4  }
0x25: {  	v4 =	vperm.xlane v3, v0;
	_ =	sdelay $0x1  }
0x26: {  	v3 =	vperm.xlane v3, v2;
	v4 =	vadd.s32 v1, v4;
	_ =	sdelay $0x1  }
0x27: {  	v3 =	vadd.s32 v1, v3;
	_ =	sdelay $0x2  }
0x28: {  	[tilespmem:s10], [sflag:$0x1] =	stream.indirect_vreg.gather [hbm4b:s1+s3], $0x80, v4, vm0, $0xb8;
	[tilespmem:$0x8080] =	vst v63  }
0x29: {  	_ = 	snop  }
0x2a: {  	[tilespmem:s11], [sflag:$0x1] =	stream.indirect_vreg.gather [hbm4b:s1+s3], $0x80, v3, vm0, $0xb8;
	[tilespmem:$0x8080] =	vst v63  }
0x2b: {  	v3 =	vld [tilespmem:$0x20];
	_ =	sdelay $0x4  }
0x2c: {  	v58 =	vshll.u32 v3, $0x1  }
0x2d: {  	v3 =	vand.u32 $0x7, v3;
	v4 =	vand.u32 $0xFFFFFFF0, v58  }
0x2e: {  	v3 =	vor.u32 v3, v4  }
0x2f: {  	v4 =	vperm.xlane v3, v0;
	_ =	sdelay $0x1  }
0x30: {  	v3 =	vperm.xlane v3, v2;
	v4 =	vadd.s32 v1, v4;
	_ =	sdelay $0x1  }
0x31: {  	v3 =	vadd.s32 v1, v3;
	_ =	sdelay $0x2  }
0x32: {  	[tilespmem:s12], [sflag:$0x1] =	stream.indirect_vreg.gather [hbm4b:s1+s3], $0x80, v4, vm0, $0xb8;
	[tilespmem:$0x8080] =	vst v63  }
0x33: {  	_ = 	snop  }
0x34: {  	[tilespmem:s13], [sflag:$0x1] =	stream.indirect_vreg.gather [hbm4b:s1+s3], $0x80, v3, vm0, $0xb8;
	[tilespmem:$0x8080] =	vst v63  }
0x35: {  	v3 =	vld [tilespmem:$0x30];
	_ =	sdelay $0x4  }
0x36: {  	v59 =	vshll.u32 v3, $0x1  }
0x37: {  	v3 =	vand.u32 $0x7, v3;
	v4 =	vand.u32 $0xFFFFFFF0, v59  }
0x38: {  	v3 =	vor.u32 v3, v4  }
0x39: {  	v4 =	vperm.xlane v3, v0;
	_ =	sdelay $0x1  }
0x3a: {  	v3 =	vperm.xlane v3, v2;
	v4 =	vadd.s32 v1, v4;
	_ =	sdelay $0x1  }
0x3b: {  	v3 =	vadd.s32 v1, v3;
	_ =	sdelay $0x2  }
0x3c: {  	[tilespmem:s14], [sflag:$0x1] =	stream.indirect_vreg.gather [hbm4b:s1+s3], $0x80, v4, vm0, $0xb8;
	[tilespmem:$0x8080] =	vst v63  }
0x3d: {  	_ = 	snop  }
0x3e: {  	[tilespmem:s15], [sflag:$0x1] =	stream.indirect_vreg.gather [hbm4b:s1+s3], $0x80, v3, vm0, $0xb8;
	[tilespmem:$0x8080] =	vst v63  }
0x3f: {  	v3 =	vld [tilespmem:$0x40];
	_ =	sdelay $0x4  }
0x40: {  	v60 =	vshll.u32 v3, $0x1  }
0x41: {  	v3 =	vand.u32 $0x7, v3;
	v4 =	vand.u32 $0xFFFFFFF0, v60  }
0x42: {  	v3 =	vor.u32 v3, v4  }
0x43: {  	v4 =	vperm.xlane v3, v0;
	_ =	sdelay $0x1  }
0x44: {  	v3 =	vperm.xlane v3, v2;
	v4 =	vadd.s32 v1, v4;
	_ =	sdelay $0x1  }
0x45: {  	v3 =	vadd.s32 v1, v3;
	_ =	sdelay $0x2  }
0x46: {  	[tilespmem:s16], [sflag:$0x1] =	stream.indirect_vreg.gather [hbm4b:s1+s3], $0x80, v4, vm0, $0xb8;
	[tilespmem:$0x8080] =	vst v63  }
0x47: {  	_ = 	snop  }
0x48: {  	[tilespmem:s17], [sflag:$0x1] =	stream.indirect_vreg.gather [hbm4b:s1+s3], $0x80, v3, vm0, $0xb8;
	[tilespmem:$0x8080] =	vst v63  }
0x49: {  	v3 =	vld [tilespmem:$0x50];
	_ =	sdelay $0x4  }
0x4a: {  	v61 =	vshll.u32 v3, $0x1  }
0x4b: {  	v3 =	vand.u32 $0x7, v3;
	v4 =	vand.u32 $0xFFFFFFF0, v61  }
0x4c: {  	v3 =	vor.u32 v3, v4  }
0x4d: {  	v4 =	vperm.xlane v3, v0;
	_ =	sdelay $0x1  }
0x4e: {  	v3 =	vperm.xlane v3, v2;
	v4 =	vadd.s32 v1, v4;
	_ =	sdelay $0x1  }
0x4f: {  	v3 =	vadd.s32 v1, v3;
	_ =	sdelay $0x2  }
0x50: {  	[tilespmem:s18], [sflag:$0x1] =	stream.indirect_vreg.gather [hbm4b:s1+s3], $0x80, v4, vm0, $0xb8;
	[tilespmem:$0x8080] =	vst v63  }
0x51: {  	_ = 	snop  }
0x52: {  	[tilespmem:s19], [sflag:$0x1] =	stream.indirect_vreg.gather [hbm4b:s1+s3], $0x80, v3, vm0, $0xb8;
	[tilespmem:$0x8080] =	vst v63  }
0x53: {  	v3 =	vld [tilespmem:$0x60];
	_ =	sdelay $0x4  }
0x54: {  	v62 =	vshll.u32 v3, $0x1  }
0x55: {  	v3 =	vand.u32 $0x7, v3;
	v4 =	vand.u32 $0xFFFFFFF0, v62  }
0x56: {  	v3 =	vor.u32 v3, v4  }
0x57: {  	v4 =	vperm.xlane v3, v0;
	_ =	sdelay $0x1  }
0x58: {  	v3 =	vperm.xlane v3, v2;
	v4 =	vadd.s32 v1, v4;
	_ =	sdelay $0x1  }
0x59: {  	v3 =	vadd.s32 v1, v3;
	_ =	sdelay $0x2  }
0x5a: {  	[tilespmem:s20], [sflag:$0x1] =	stream.indirect_vreg.gather [hbm4b:s1+s3], $0x80, v4, vm0, $0xb8;
	[tilespmem:$0x8080] =	vst v63  }
0x5b: {  	_ = 	snop  }
0x5c: {  	[tilespmem:s21], [sflag:$0x1] =	stream.indirect_vreg.gather [hbm4b:s1+s3], $0x80, v3, vm0, $0xb8;
	[tilespmem:$0x8080] =	vst v63  }
0x5d: {  	v3 =	vld [tilespmem:$0x70];
	_ =	sdelay $0x4  }
0x5e: {  	v63 =	vshll.u32 v3, $0x1  }
0x5f: {  	v3 =	vand.u32 $0x7, v3;
	v4 =	vand.u32 $0xFFFFFFF0, v63  }
0x60: {  	v3 =	vor.u32 v3, v4  }
0x61: {  	v4 =	vperm.xlane v3, v0;
	_ =	sdelay $0x1  }
0x62: {  	v3 =	vperm.xlane v3, v2;
	v4 =	vadd.s32 v1, v4;
	_ =	sdelay $0x1  }
0x63: {  	v3 =	vadd.s32 v1, v3;
	_ =	sdelay $0x2  }
0x64: {  	[tilespmem:s22], [sflag:$0x1] =	stream.indirect_vreg.gather [hbm4b:s1+s3], $0x80, v4, vm0, $0xb8;
	[tilespmem:$0x8080] =	vst v63  }
0x65: {  	_ = 	snop  }
0x66: {  	[tilespmem:s23], [sflag:$0x1] =	stream.indirect_vreg.gather [hbm4b:s1+s3], $0x80, v3, vm0, $0xb8;
	[tilespmem:$0x8080] =	vst v63  }
0x67: {  	_ =	swait.ge [sflag:s24], $0x8000  }
0x68: {  	p0 =	sne.s32 s28, $0x4E00;
	[sflag:s24] =	ssyncset.done $0x0  }
.Ltmp0:
0x69: {  	[sflag:s24] =	ssyncadd.s32 $0xFFFF8000;
	(pc) =	sbr.rel @p0 .LBB2_2-.Ltmp0, $4  }
0x6a: {  	[hbm4b:s26+s3] =	stream.linear.scatter [tilespmem:s8], [sflag:$0x2], $0x8000, $0x38;
	[tilespmem:$0x8080] =	vst v63  }
0x6b: {  	_ =	swait.ge [sflag:s7], $0x8000  }
0x6c: {  	[sflag:s7] =	ssyncset.done $0x0  }
0x6d: {  	s28 =	sadd.s32 $0x200, s28;
	s26 =	sadd.s32 $0x20000, s26;
	[sflag:s7] =	ssyncadd.s32 $0xFFFF8000  }
0x6e: {  	s25 =	sadd.s32 $0x1, s25  }
0x6f: {  	p0 =	sne.s32 s25, s4  }
.Ltmp1:
0x70: {  	_ = 	snop;
	(pc) =	sbr.rel @p0 .LBB2_1-.Ltmp1, $1  }
0x71: {  	_ =	sdelay $0x3  }
0x72: {  	_ =	sfence.sel $0x180000  }
0x73: {  	[bflag:$0x0] =	sbarrier.arrive $0xFFFF  }
0x74: {  	p0 =	sne.s32 s2, $0x0;
	_ =	strace $0x90000047  }
0x75: {  	s0 =	sadd.s32 @!p0 $0x100000, s0;
	[bflag:$0x2] =	sbarrier.arrive $0xFFFF  }
0x76: {  	[sflag:s0] =	ssyncadd.tile.s32 @!p0 $0x1;
	_ =	shalt  }
.Lfunc_end2:
_tile_overlayer_lowered:
.L_overlay_start_2:
0x77: {  	(tag) =	ssettag $0x2  }
0x78: {  	s0 =	rddreg [dreg:$0x0];
	s2 =	stileid.u32  }
0x79: {  	s1 =	rddreg [dreg:$0x1];
	p0 =	sne.s32 s2, $0x0  }
0x7a: {  	s3 =	rddreg [dreg:$0x2];
	[bflag:$0x3] =	sbarrier.arrive $0xFFFF;
	s2 =	simm.s32 @!p0 $0x1C02  }
0x7b: {  	[timem:s3], [sflag:s2] =	dma.local @!p0 [hbm:s0], s1  }
0x7c: {  	s0 =	simm.s32 @!p0 $0x2  }
0x7d: {  	_ =	swait.ge @!p0 [sflag:s0], s1  }
0x7e: {  	s1 =	ssub.s32 @!p0 $0x0, s1;
	[sflag:s0] =	ssyncset.done @!p0 $0x0  }
0x7f: {  	[sflag:s0] =	ssyncadd.s32 @!p0 s1  }
0x80: {  	[bflag:$0x3] =	sbarrier.arrive $0xFFFF  }
0x81: {  	_ =	shalt  }

// kernel: kernel.14.cloned.1.call-start
scs
__scs_entry_jumppad:
0x0: {  	(pc) =	sbr.rel $0x88, $3  }
0x1: {  	(tag) =	ssettag $0x0;
	lr =	simm.s32 $0x1  }
0x2: {  	[smem:$0x3F83] =	sst lr;
	_ =	strace $0xD0000000  }
0x3: {  	_ = 	snop  }
0x4: {  	_ = 	snop  }
0x5: {  	_ = 	snop  }
0x6: {  	_ = 	snop  }
0x7: {  	_ = 	snop  }
__scs_overlays_trampoline_lowered:
0x8: {  	[smem:$0x3F92] =	sst s0  }
0x9: {  	[smem:$0x3F93] =	sst s1  }
0xa: {  	[smem:$0x3F94] =	sst s2  }
0xb: {  	[smem:$0x3F95] =	sst s3  }
0xc: {  	[smem:$0x3F96] =	sst s4  }
0xd: {  	[smem:$0x3F97] =	sst s5  }
0xe: {  	[smem:$0x3F98] =	sst s6  }
0xf: {  	[smem:$0x3F99] =	sst s7  }
0x10: {  	[smem:$0x3F9A] =	sst s8  }
0x11: {  	[smem:$0x3F9B] =	sst s9;
	s0 =	simm.s32 @!p0 $0x0  }
0x12: {  	s1 =	sld [smem:$0x3F81];
	s0 =	simm.s32 @p0 $0x1  }
0x13: {  	[smem:$0x3F9C] =	sst s0;
	s0 =	simm.s32 @!p1 $0x0  }
0x14: {  	s2 =	sld [smem:$0x3F80];
	s0 =	simm.s32 @p1 $0x1  }
0x15: {  	[smem:$0x3F9D] =	sst s0;
	s0 =	simm.s32 @!p2 $0x0  }
0x16: {  	s3 =	sld [smem:$0x3FDB];
	s0 =	simm.s32 @p2 $0x1  }
0x17: {  	s4 =	simm.s32 $0x1BF5;
	[smem:$0x3F9F] =	sst s0  }
0x18: {  	s0 =	sld [smem:$0x3F82];
	_ =	swait.ge [sflag:s4], $0x0  }
0x19: {  	s7 =	sld [smem:$0x3F83]  }
0x1a: {  	s8 =	sadd.s32 $0xFFFFE003, lr  }
0x1b: {  	s9 =	sadd.s32 $0xFFFFFEF7, lr;
	s5 =	simm.s32 $0xFFFFFFFF;
	p2 =	slt.u32 s8, $0xFFFFF086  }
0x1c: {  	p1 =	slt.u32 s9, $0xF7A;
	s5 =	simm.s32 @!p2 $0x0  }
0x1d: {  	s5 =	simm.s32 @p1 $0x1;
	p0 =	seq.s32 s7, s2  }
0x1e: {  	s7 =	smul.u32 @!p0 $0xF7A, s2;
	p2 =	seq.s32 @!p0 s5, $0x0  }
0x1f: {  	s9 =	smul.u32 $0xF7A, s1;
	s8 =	simm.s32 @!p0 $0x1BF5;
	p2 =	por !p2, p0  }
0x20: {  	[sflag:s8] =	ssyncset.s32 @!p0 $0xFFFFF086;
	s6 =	sadd.s32 @!p0 s3, s7;
	s7 =	simm.s32 @!p0 $0x108  }
0x21: {  	s3 =	sadd.s32 s3, s9;
	s6 =	sadd.s32 @!p0 $0x88, s6;
	s7 =	simm.s32 @p2 $0x1082  }
0x22: {  	[simem:s7], [sflag:s8] =	dma.local @!p0 [hbm:s6], $0xF7A  }
0x23: {  	s9 =	sor.u32 $0xD0000000, s2;
	s6 =	simm.s32 $0x108;
	_ =	swait.ge @!p0 [sflag:s8], $0x0  }
0x24: {  	s3 =	sadd.s32 $0x88, s3;
	s6 =	simm.s32 @!p1 $0x1082;
	[sflag:s4] =	ssyncset.s32 $0xFFFFF086  }
0x25: {  	[simem:s6], [sflag:s4] =	dma.local [hbm:s3], $0xF7A  }
0x26: {  	[smem:$0x3F83] =	sst s1;
	(tag) =	ssettag s2;
	_ =	strace s9  }
0x27: {  	s1 =	sld [smem:$0x3F93]  }
0x28: {  	s2 =	sld [smem:$0x3F94]  }
0x29: {  	s4 =	sld [smem:$0x3F96]  }
0x2a: {  	p0 =	seq.s32 s5, $0x0;
	s5 =	sld [smem:$0x3F97]  }
0x2b: {  	s6 =	sld [smem:$0x3F98]  }
0x2c: {  	s7 =	sld [smem:$0x3F99]  }
0x2d: {  	s3 =	simm.s32 $0x108;
	s8 =	sld [smem:$0x3F9A]  }
0x2e: {  	s3 =	simm.s32 @!p0 $0x1082;
	s9 =	sld [smem:$0x3F9B]  }
0x2f: {  	lr =	sadd.s32 s0, s3;
	s0 =	sld [smem:$0x3F92]  }
0x30: {  	s3 =	sld [smem:$0x3F95]  }
0x31: {  	[smem:$0x3F9E] =	sst s10  }
0x32: {  	s10 =	sld [smem:$0x3F9C];
	_ =	sdelay $0x3  }
0x33: {  	p0 =	seq.s32 s10, $0x1;
	s10 =	sld [smem:$0x3F9E];
	_ =	sdelay $0x3  }
0x34: {  	[smem:$0x3F9E] =	sst s10  }
0x35: {  	s10 =	sld [smem:$0x3F9D];
	_ =	sdelay $0x3  }
0x36: {  	p1 =	seq.s32 s10, $0x1;
	s10 =	sld [smem:$0x3F9E];
	_ =	sdelay $0x3  }
0x37: {  	[smem:$0x3F9E] =	sst s10  }
0x38: {  	s10 =	sld [smem:$0x3F9F]  }
0x39: {  	_ = 	snop;
	(pc) =	sbr.ind lr, $3  }
0x3a: {  	_ = 	snop  }
0x3b: {  	_ = 	snop  }
0x3c: {  	p2 =	seq.s32 s10, $0x1;
	s10 =	sld [smem:$0x3F9E]  }
0x3d: {  	_ =	shalt  }
0x3e: {  	_ =	shalt  }
0x3f: {  	_ =	shalt  }
0x40: {  	_ =	shalt  }
0x41: {  	_ =	shalt  }
0x42: {  	_ =	shalt  }
0x43: {  	_ =	shalt  }
0x44: {  	_ =	shalt  }
0x45: {  	_ =	shalt  }
0x46: {  	_ =	shalt  }
0x47: {  	_ =	shalt  }
0x48: {  	_ =	shalt  }
0x49: {  	_ =	shalt  }
0x4a: {  	_ =	shalt  }
0x4b: {  	_ =	shalt  }
0x4c: {  	_ =	shalt  }
0x4d: {  	_ =	shalt  }
0x4e: {  	_ =	shalt  }
0x4f: {  	_ =	shalt  }
0x50: {  	_ =	shalt  }
0x51: {  	_ =	shalt  }
0x52: {  	_ =	shalt  }
0x53: {  	_ =	shalt  }
0x54: {  	_ =	shalt  }
0x55: {  	_ =	shalt  }
0x56: {  	_ =	shalt  }
0x57: {  	_ =	shalt  }
0x58: {  	_ =	shalt  }
0x59: {  	_ =	shalt  }
0x5a: {  	_ =	shalt  }
0x5b: {  	_ =	shalt  }
0x5c: {  	_ =	shalt  }
0x5d: {  	_ =	shalt  }
0x5e: {  	_ =	shalt  }
0x5f: {  	_ =	shalt  }
0x60: {  	_ =	shalt  }
0x61: {  	_ =	shalt  }
0x62: {  	_ =	shalt  }
0x63: {  	_ =	shalt  }
0x64: {  	_ =	shalt  }
0x65: {  	_ =	shalt  }
0x66: {  	_ =	shalt  }
0x67: {  	_ =	shalt  }
0x68: {  	_ =	shalt  }
0x69: {  	_ =	shalt  }
0x6a: {  	_ =	shalt  }
0x6b: {  	_ =	shalt  }
0x6c: {  	_ =	shalt  }
0x6d: {  	_ =	shalt  }
0x6e: {  	_ =	shalt  }
0x6f: {  	_ =	shalt  }
0x70: {  	_ =	shalt  }
0x71: {  	_ =	shalt  }
0x72: {  	_ =	shalt  }
0x73: {  	_ =	shalt  }
0x74: {  	_ =	shalt  }
0x75: {  	_ =	shalt  }
0x76: {  	_ =	shalt  }
0x77: {  	_ =	shalt  }
0x78: {  	_ =	shalt  }
0x79: {  	_ =	shalt  }
0x7a: {  	_ =	shalt  }
0x7b: {  	_ =	shalt  }
0x7c: {  	_ =	shalt  }
0x7d: {  	_ =	shalt  }
0x7e: {  	_ =	shalt  }
0x7f: {  	_ =	shalt  }
0x80: {  	_ =	shalt  }
0x81: {  	_ =	shalt  }
0x82: {  	_ =	shalt  }
0x83: {  	_ =	shalt  }
0x84: {  	_ =	shalt  }
0x85: {  	_ =	shalt  }
0x86: {  	_ =	shalt  }
0x87: {  	_ =	shalt  }
.Lfunc_end0:
.L_simem_size_0:
called_computation.1_lowered:
.L_overlay_start_0:
0x88: {  	s2 =	sld [smem:$0x3FD9]  }
0x89: {  	s3 =	sld [smem:$0x3FFE];
	_ =	sdelay $0x1  }
0x8a: {  	s1 =	srdreg.scid  }
0x8b: {  	s0 =	sand.u32 $0x1, s1  }
0x8c: {  	s16 =	sshll.u32 s0, $0xA;
	s2 =	sadd.s32 s3, s2  }
0x8d: {  	s2 =	sadd.s32 s2, s16  }
0x8e: {  	[smem:$0x3FAA] =	sst s2  }
0x8f: {  	_ = 	snop  }
0x90: {  	(tm) =	ssettm $0x1  }
0x91: {  	s17 =	sld [smem:$0x3FFB];
	_ =	sdelay $0x3  }
0x92: {  	_ =	strace s17  }
0x93: {  	s2 =	sld [smem:$0x3FFC];
	_ =	sdelay $0x3  }
0x94: {  	_ =	strace s2  }
0x95: {  	s2 =	sld [smem:$0x3FFD];
	_ =	sdelay $0x3  }
0x96: {  	_ =	strace s2  }
0x97: {  	_ =	strace $0x8FFFFFFF  }
0x98: {  	s18 =	sld [smem:$0x3FDB];
	_ =	sdelay $0x1  }
0x99: {  	s19 =	simm.s32 $_scs_section_size  }
0x9a: {  	s4 =	simm.s32 $_size__tile_overlayer_lowered;
	s5 =	simm.s32 $_tile_overlayer_lowered  }
0x9b: {  	s22 =	simm.s32 $0x1BFF;
	s21 =	sshll.u32 s5, $0x1;
	s2 =	sadd.s32 s19, s18  }
0x9c: {  	s6 =	simm.s32 $0x0;
	s20 =	sshll.u32 s4, $0x1;
	s4 =	sadd.s32 s21, s2  }
0x9d: {  	[timem:s6], [sflag:s22] =	dma.local [hbm:s4], s20  }
0x9e: {  	_ =	swait.ge [sflag:s22], s20  }
0x9f: {  	s3 =	ssub.s32 $0x0, s20;
	[sflag:s22] =	ssyncset.done $0x0  }
0xa0: {  	[sflag:s22] =	ssyncadd.s32 s3;
	_ =	sdelay $0x1  }
0xa1: {  	s23 =	simm.s32 $0x1B8B  }
0xa2: {  	_ =	swait.ge [sflag:s23], $0x1  }
0xa3: {  	[sflag:s23] =	ssyncset.done $0x0  }
0xa4: {  	s25 =	simm.s32 $0x1B8E;
	s24 =	sld [smem:$0x3FFE];
	[sflag:s23] =	ssyncadd.s32 $0xFFFFFFFF  }
0xa5: {  	s26 =	simm.s32 $execute0_lowered;
	[smem:$0x3FD2] =	sst s25  }
0xa6: {  	s4 =	sshll.u32 s26, $0x1;
	_ =	strace $0x80000049;
	[dreg:$0x1] =	wrdreg $0xFFFFFFFF  }
0xa7: {  	s28 =	simm.s32 $_size_execute0_lowered;
	s2 =	sadd.s32 s2, s4;
	[dreg:$0x0] =	wrdreg $0x0  }
0xa8: {  	s4 =	sshll.u32 s28, $0x1;
	[dreg:$0x2] =	wrdreg s2  }
0xa9: {  	[dreg:$0x3] =	wrdreg s4  }
0xaa: {  	[dreg:$0x4] =	wrdreg $0xC0  }
0xab: {  	_ =	task [dreg:s6], $0x5FFFF  }
0xac: {  	[dreg:$0x1] =	wrdreg $0xFFFFFFFF  }
0xad: {  	[dreg:$0x0] =	wrdreg $0x60  }
0xae: {  	[dreg:$0x2] =	wrdreg s24  }
0xaf: {  	[dreg:$0x3] =	wrdreg $0x9  }
0xb0: {  	_ =	task.clear_ibuf [dreg:s6], $0x4FFFF;
	_ =	strace $0x90000049  }
0xb1: {  	s29 =	simm.s32 $0x9;
	_ =	strace $0x8000004B  }
0xb2: {  	_ =	swait.ge [sflag:s29], $0x1  }
0xb3: {  	[sflag:s29] =	ssyncadd.s32 $0xFFFFFFFF  }
0xb4: {  	_ =	strace $0x9000004B  }
0xb5: {  	_ =	sfence  }
0xb6: {  	s30 =	sld [smem:$0x0];
	_ =	sdelay $0x2  }
0xb7: {  	s31 =	sshll.u32 s1, $0xD;
	s1 =	sshrl.u32 s1, $0x2  }
0xb8: {  	s3 =	sand.u32 $0x4000, s31;
	s1 =	sadd.s32 s1, s30  }
0xb9: {  	s0 =	sor.u32 s3, s0;
	s1 =	sshll.u32 s1, $0x11  }
0xba: {  	s0 =	sor.u32 s1, s0  }
0xbb: {  	s0 =	sadd.s32 $0x8F2B, s0  }
0xbc: {  	[sflag:s0] =	ssyncadd.remote.s32 $0x1  }
0xbd: {  	_ =	sfence.sel $0xFFFF  }
0xbe: {  	[dreg:$0x0] =	wrdreg $0xFFFFFFFF;
	(pc) =	sbr.abs _section_cstart, $3  }
0xbf: {  	[dreg:$0x1] =	wrdreg $0xFFFFFFFF  }
0xc0: {  	_ =	task.clear_ibuf [dreg:s6], $0x2FFFF;
	_ =	strace $0x9FFFFFFF  }
0xc1: {  	(tm) =	ssettm $0x7FFFFFFF  }
tec
execute0_lowered:
.L_overlay_start_1:
0x0: {  	(tag) =	ssettag $0x1  }
0x1: {  	s4 =	rddreg [dreg:$0x0]  }
0x2: {  	s0 =	rddreg [dreg:$0x1];
	s2 =	simm.s32 $0x0;
	s3 =	srdreg.scid  }
0x3: {  	s1 =	stileid.u32;
	s10 =	simm.s32 $0x0;
	[smem:$0x7FF] =	sst s2  }
0x4: {  	s5 =	sand.u32 $0x1, s3;
	s6 =	sshll.u32 s1, $0x8;
	s3 =	sadd.s32 $0xB400, s4  }
0x5: {  	s8 =	sshll.u32 s1, $0xC;
	_ =	strace $0x8000004A;
	s7 =	sshll.u32 s5, $0x7  }
0x6: {  	s31 =	ssub.s32 $0x2, s5;
	s8 =	sadd.s32 s8, s4;
	s5 =	sshll.u32 s5, $0xB  }
0x7: {  	s6 =	sor.u32 s7, s6;
	s9 =	sshrl.u32 s31, $0x1;
	s5 =	sadd.s32 s5, s8  }
0x8: {  	s8 =	simm.s32 $0x80;
	s6 =	sshrl.u32 s6, $0x3;
	s7 =	ssub.s32 s31, s9  }
0x9: {  	s5 =	sadd.s32 $0x32600, s5;
	s9 =	simm.s32 $0x1;
	s6 =	sadd.s32 s6, s4  }
0xa: {  	s4 =	smax.u32 s7, $0x1;
	s7 =	simm.s32 $0x2;
	s6 =	sadd.s32 $0x6400, s6  }
.LBB2_1:
0xb: {  	s11 =	sadd.s32 $0x0, s6  }
0xc: {  	[tilespmem:s2], [sflag:$0x2] =	stream.linear.gather [hbm4b:s11+s2], $0x80, $0x38;
	[tilespmem:$0x4080] =	vst v63  }
0xd: {  	_ =	swait.ge [sflag:s7], $0x80  }
0xe: {  	[sflag:s7] =	ssyncset.done $0x0  }
0xf: {  	[sflag:s7] =	ssyncadd.s32 $0xFFFFFF80  }
0x10: {  	[tilespmem:s8], [sflag:$0x1] =	stream.indirect.gather [hbm4b:s3+s8], $0x80, s2, s8, $0xb8;
	[tilespmem:$0x4080] =	vst v63  }
0x11: {  	_ =	swait.ge [sflag:s9], $0x4000  }
0x12: {  	[sflag:s9] =	ssyncset.done $0x0  }
0x13: {  	[sflag:s9] =	ssyncadd.s32 $0xFFFFC000  }
0x14: {  	[hbm4b:s5+s2] =	stream.linear.scatter [tilespmem:s8], [sflag:$0x2], $0x4000, $0x38;
	[tilespmem:$0x4080] =	vst v63  }
0x15: {  	s12 =	simm.s32 $0x200;
	_ =	swait.ge [sflag:s7], $0x4000  }
0x16: {  	s13 =	simm.s32 $0x400;
	s11 =	sadd.s32 $0x10000, s5;
	[sflag:s7] =	ssyncset.done $0x0  }
.LBB2_2:
0x17: {  	s14 =	sadd.s32 s12, s6  }
0x18: {  	[sflag:s7] =	ssyncadd.s32 $0xFFFFC000;
	s12 =	smov.u32 s13;
	s15 =	sadd.s32 $0x200, s13  }
0x19: {  	[tilespmem:s2], [sflag:$0x2] =	stream.linear.gather [hbm4b:s14+s2], $0x80, $0x38;
	[tilespmem:$0x4080] =	vst v63  }
0x1a: {  	p0 =	sne.s32 s13, $0x4E00;
	_ =	swait.ge [sflag:s7], $0x80  }
0x1b: {  	[sflag:s7] =	ssyncset.done $0x0  }
0x1c: {  	[sflag:s7] =	ssyncadd.s32 $0xFFFFFF80  }
0x1d: {  	[tilespmem:s8], [sflag:$0x1] =	stream.indirect.gather [hbm4b:s3+s8], $0x80, s2, s8, $0xb8;
	[tilespmem:$0x4080] =	vst v63  }
0x1e: {  	_ =	swait.ge [sflag:s9], $0x4000  }
.Ltmp0:
0x1f: {  	[sflag:s9] =	ssyncset.done $0x0;
	(pc) =	sbr.rel @p0 .LBB2_2-.Ltmp0, $4  }
0x20: {  	[sflag:s9] =	ssyncadd.s32 $0xFFFFC000  }
0x21: {  	[hbm4b:s11+s2] =	stream.linear.scatter [tilespmem:s8], [sflag:$0x2], $0x4000, $0x38;
	[tilespmem:$0x4080] =	vst v63  }
0x22: {  	_ =	swait.ge [sflag:s7], $0x4000  }
0x23: {  	s13 =	smov.u32 s15;
	s11 =	sadd.s32 $0x10000, s11;
	[sflag:s7] =	ssyncset.done $0x0  }
0x24: {  	s12 =	sadd.s32 s12, s6;
	[sflag:s7] =	ssyncadd.s32 $0xFFFFC000  }
0x25: {  	[tilespmem:s2], [sflag:$0x2] =	stream.linear.gather [hbm4b:s12+s2], $0x80, $0x38;
	[tilespmem:$0x4080] =	vst v63  }
0x26: {  	_ =	swait.ge [sflag:s7], $0x80  }
0x27: {  	[sflag:s7] =	ssyncset.done $0x0  }
0x28: {  	[sflag:s7] =	ssyncadd.s32 $0xFFFFFF80  }
0x29: {  	[tilespmem:s8], [sflag:$0x1] =	stream.indirect.gather [hbm4b:s3+s8], $0x80, s2, s8, $0xb8;
	[tilespmem:$0x4080] =	vst v63  }
0x2a: {  	s10 =	sadd.s32 $0x1, s10;
	_ =	swait.ge [sflag:s9], $0x4000  }
0x2b: {  	p0 =	sne.s32 s10, s4;
	[sflag:s9] =	ssyncset.done $0x0  }
.Ltmp1:
0x2c: {  	[sflag:s9] =	ssyncadd.s32 $0xFFFFC000;
	(pc) =	sbr.rel @p0 .LBB2_1-.Ltmp1, $4  }
0x2d: {  	[hbm4b:s11+s2] =	stream.linear.scatter [tilespmem:s8], [sflag:$0x2], $0x4000, $0x38;
	[tilespmem:$0x4080] =	vst v63  }
0x2e: {  	_ =	swait.ge [sflag:s7], $0x4000  }
0x2f: {  	[sflag:s7] =	ssyncset.done $0x0  }
0x30: {  	[sflag:s7] =	ssyncadd.s32 $0xFFFFC000  }
0x31: {  	_ =	sfence.sel $0x180000  }
0x32: {  	[bflag:$0x0] =	sbarrier.arrive $0xFFFF  }
0x33: {  	p0 =	sne.s32 s1, $0x0;
	_ =	strace $0x9000004A  }
0x34: {  	s0 =	sadd.s32 @!p0 $0x100000, s0;
	[bflag:$0x2] =	sbarrier.arrive $0xFFFF  }
0x35: {  	[sflag:s0] =	ssyncadd.tile.s32 @!p0 $0x1;
	_ =	shalt  }
.Lfunc_end2:
_tile_overlayer_lowered:
.L_overlay_start_2:
0x36: {  	(tag) =	ssettag $0x2  }
0x37: {  	s0 =	rddreg [dreg:$0x0];
	s2 =	stileid.u32  }
0x38: {  	s1 =	rddreg [dreg:$0x1];
	p0 =	sne.s32 s2, $0x0  }
0x39: {  	s3 =	rddreg [dreg:$0x2];
	[bflag:$0x3] =	sbarrier.arrive $0xFFFF;
	s2 =	simm.s32 @!p0 $0x1C02  }
0x3a: {  	[timem:s3], [sflag:s2] =	dma.local @!p0 [hbm:s0], s1  }
0x3b: {  	s0 =	simm.s32 @!p0 $0x2  }
0x3c: {  	_ =	swait.ge @!p0 [sflag:s0], s1  }
0x3d: {  	s1 =	ssub.s32 @!p0 $0x0, s1;
	[sflag:s0] =	ssyncset.done @!p0 $0x0  }
0x3e: {  	[sflag:s0] =	ssyncadd.s32 @!p0 s1  }
0x3f: {  	[bflag:$0x3] =	sbarrier.arrive $0xFFFF  }
0x40: {  	_ =	shalt  }

// kernel: kernel.17.cloned.1.call-start
scs
__scs_entry_jumppad:
0x0: {  	(pc) =	sbr.rel $0x88, $3  }
0x1: {  	(tag) =	ssettag $0x0;
	lr =	simm.s32 $0x1  }
0x2: {  	[smem:$0x3F83] =	sst lr;
	_ =	strace $0xD0000000  }
0x3: {  	_ = 	snop  }
0x4: {  	_ = 	snop  }
0x5: {  	_ = 	snop  }
0x6: {  	_ = 	snop  }
0x7: {  	_ = 	snop  }
__scs_overlays_trampoline_lowered:
0x8: {  	[smem:$0x3F92] =	sst s0  }
0x9: {  	[smem:$0x3F93] =	sst s1  }
0xa: {  	[smem:$0x3F94] =	sst s2  }
0xb: {  	[smem:$0x3F95] =	sst s3  }
0xc: {  	[smem:$0x3F96] =	sst s4  }
0xd: {  	[smem:$0x3F97] =	sst s5  }
0xe: {  	[smem:$0x3F98] =	sst s6  }
0xf: {  	[smem:$0x3F99] =	sst s7  }
0x10: {  	[smem:$0x3F9A] =	sst s8  }
0x11: {  	[smem:$0x3F9B] =	sst s9;
	s0 =	simm.s32 @!p0 $0x0  }
0x12: {  	s1 =	sld [smem:$0x3F81];
	s0 =	simm.s32 @p0 $0x1  }
0x13: {  	[smem:$0x3F9C] =	sst s0;
	s0 =	simm.s32 @!p1 $0x0  }
0x14: {  	s2 =	sld [smem:$0x3F80];
	s0 =	simm.s32 @p1 $0x1  }
0x15: {  	[smem:$0x3F9D] =	sst s0;
	s0 =	simm.s32 @!p2 $0x0  }
0x16: {  	s3 =	sld [smem:$0x3FDB];
	s0 =	simm.s32 @p2 $0x1  }
0x17: {  	s4 =	simm.s32 $0x1BF5;
	[smem:$0x3F9F] =	sst s0  }
0x18: {  	s0 =	sld [smem:$0x3F82];
	_ =	swait.ge [sflag:s4], $0x0  }
0x19: {  	s7 =	sld [smem:$0x3F83]  }
0x1a: {  	s8 =	sadd.s32 $0xFFFFE003, lr  }
0x1b: {  	s9 =	sadd.s32 $0xFFFFFEF7, lr;
	s5 =	simm.s32 $0xFFFFFFFF;
	p2 =	slt.u32 s8, $0xFFFFF086  }
0x1c: {  	p1 =	slt.u32 s9, $0xF7A;
	s5 =	simm.s32 @!p2 $0x0  }
0x1d: {  	s5 =	simm.s32 @p1 $0x1;
	p0 =	seq.s32 s7, s2  }
0x1e: {  	s7 =	smul.u32 @!p0 $0xF7A, s2;
	p2 =	seq.s32 @!p0 s5, $0x0  }
0x1f: {  	s9 =	smul.u32 $0xF7A, s1;
	s8 =	simm.s32 @!p0 $0x1BF5;
	p2 =	por !p2, p0  }
0x20: {  	[sflag:s8] =	ssyncset.s32 @!p0 $0xFFFFF086;
	s6 =	sadd.s32 @!p0 s3, s7;
	s7 =	simm.s32 @!p0 $0x108  }
0x21: {  	s3 =	sadd.s32 s3, s9;
	s6 =	sadd.s32 @!p0 $0x88, s6;
	s7 =	simm.s32 @p2 $0x1082  }
0x22: {  	[simem:s7], [sflag:s8] =	dma.local @!p0 [hbm:s6], $0xF7A  }
0x23: {  	s9 =	sor.u32 $0xD0000000, s2;
	s6 =	simm.s32 $0x108;
	_ =	swait.ge @!p0 [sflag:s8], $0x0  }
0x24: {  	s3 =	sadd.s32 $0x88, s3;
	s6 =	simm.s32 @!p1 $0x1082;
	[sflag:s4] =	ssyncset.s32 $0xFFFFF086  }
0x25: {  	[simem:s6], [sflag:s4] =	dma.local [hbm:s3], $0xF7A  }
0x26: {  	[smem:$0x3F83] =	sst s1;
	(tag) =	ssettag s2;
	_ =	strace s9  }
0x27: {  	s1 =	sld [smem:$0x3F93]  }
0x28: {  	s2 =	sld [smem:$0x3F94]  }
0x29: {  	s4 =	sld [smem:$0x3F96]  }
0x2a: {  	p0 =	seq.s32 s5, $0x0;
	s5 =	sld [smem:$0x3F97]  }
0x2b: {  	s6 =	sld [smem:$0x3F98]  }
0x2c: {  	s7 =	sld [smem:$0x3F99]  }
0x2d: {  	s3 =	simm.s32 $0x108;
	s8 =	sld [smem:$0x3F9A]  }
0x2e: {  	s3 =	simm.s32 @!p0 $0x1082;
	s9 =	sld [smem:$0x3F9B]  }
0x2f: {  	lr =	sadd.s32 s0, s3;
	s0 =	sld [smem:$0x3F92]  }
0x30: {  	s3 =	sld [smem:$0x3F95]  }
0x31: {  	[smem:$0x3F9E] =	sst s10  }
0x32: {  	s10 =	sld [smem:$0x3F9C];
	_ =	sdelay $0x3  }
0x33: {  	p0 =	seq.s32 s10, $0x1;
	s10 =	sld [smem:$0x3F9E];
	_ =	sdelay $0x3  }
0x34: {  	[smem:$0x3F9E] =	sst s10  }
0x35: {  	s10 =	sld [smem:$0x3F9D];
	_ =	sdelay $0x3  }
0x36: {  	p1 =	seq.s32 s10, $0x1;
	s10 =	sld [smem:$0x3F9E];
	_ =	sdelay $0x3  }
0x37: {  	[smem:$0x3F9E] =	sst s10  }
0x38: {  	s10 =	sld [smem:$0x3F9F]  }
0x39: {  	_ = 	snop;
	(pc) =	sbr.ind lr, $3  }
0x3a: {  	_ = 	snop  }
0x3b: {  	_ = 	snop  }
0x3c: {  	p2 =	seq.s32 s10, $0x1;
	s10 =	sld [smem:$0x3F9E]  }
0x3d: {  	_ =	shalt  }
0x3e: {  	_ =	shalt  }
0x3f: {  	_ =	shalt  }
0x40: {  	_ =	shalt  }
0x41: {  	_ =	shalt  }
0x42: {  	_ =	shalt  }
0x43: {  	_ =	shalt  }
0x44: {  	_ =	shalt  }
0x45: {  	_ =	shalt  }
0x46: {  	_ =	shalt  }
0x47: {  	_ =	shalt  }
0x48: {  	_ =	shalt  }
0x49: {  	_ =	shalt  }
0x4a: {  	_ =	shalt  }
0x4b: {  	_ =	shalt  }
0x4c: {  	_ =	shalt  }
0x4d: {  	_ =	shalt  }
0x4e: {  	_ =	shalt  }
0x4f: {  	_ =	shalt  }
0x50: {  	_ =	shalt  }
0x51: {  	_ =	shalt  }
0x52: {  	_ =	shalt  }
0x53: {  	_ =	shalt  }
0x54: {  	_ =	shalt  }
0x55: {  	_ =	shalt  }
0x56: {  	_ =	shalt  }
0x57: {  	_ =	shalt  }
0x58: {  	_ =	shalt  }
0x59: {  	_ =	shalt  }
0x5a: {  	_ =	shalt  }
0x5b: {  	_ =	shalt  }
0x5c: {  	_ =	shalt  }
0x5d: {  	_ =	shalt  }
0x5e: {  	_ =	shalt  }
0x5f: {  	_ =	shalt  }
0x60: {  	_ =	shalt  }
0x61: {  	_ =	shalt  }
0x62: {  	_ =	shalt  }
0x63: {  	_ =	shalt  }
0x64: {  	_ =	shalt  }
0x65: {  	_ =	shalt  }
0x66: {  	_ =	shalt  }
0x67: {  	_ =	shalt  }
0x68: {  	_ =	shalt  }
0x69: {  	_ =	shalt  }
0x6a: {  	_ =	shalt  }
0x6b: {  	_ =	shalt  }
0x6c: {  	_ =	shalt  }
0x6d: {  	_ =	shalt  }
0x6e: {  	_ =	shalt  }
0x6f: {  	_ =	shalt  }
0x70: {  	_ =	shalt  }
0x71: {  	_ =	shalt  }
0x72: {  	_ =	shalt  }
0x73: {  	_ =	shalt  }
0x74: {  	_ =	shalt  }
0x75: {  	_ =	shalt  }
0x76: {  	_ =	shalt  }
0x77: {  	_ =	shalt  }
0x78: {  	_ =	shalt  }
0x79: {  	_ =	shalt  }
0x7a: {  	_ =	shalt  }
0x7b: {  	_ =	shalt  }
0x7c: {  	_ =	shalt  }
0x7d: {  	_ =	shalt  }
0x7e: {  	_ =	shalt  }
0x7f: {  	_ =	shalt  }
0x80: {  	_ =	shalt  }
0x81: {  	_ =	shalt  }
0x82: {  	_ =	shalt  }
0x83: {  	_ =	shalt  }
0x84: {  	_ =	shalt  }
0x85: {  	_ =	shalt  }
0x86: {  	_ =	shalt  }
0x87: {  	_ =	shalt  }
.Lfunc_end0:
.L_simem_size_0:
called_computation.2_lowered:
.L_overlay_start_0:
0x88: {  	s2 =	sld [smem:$0x3FD9]  }
0x89: {  	s3 =	sld [smem:$0x3FFE];
	_ =	sdelay $0x1  }
0x8a: {  	s1 =	srdreg.scid  }
0x8b: {  	s0 =	sand.u32 $0x1, s1  }
0x8c: {  	s16 =	sshll.u32 s0, $0xA;
	s2 =	sadd.s32 s3, s2  }
0x8d: {  	s2 =	sadd.s32 s2, s16  }
0x8e: {  	[smem:$0x3FAA] =	sst s2  }
0x8f: {  	_ = 	snop  }
0x90: {  	(tm) =	ssettm $0x1  }
0x91: {  	s17 =	sld [smem:$0x3FFB];
	_ =	sdelay $0x3  }
0x92: {  	_ =	strace s17  }
0x93: {  	s2 =	sld [smem:$0x3FFC];
	_ =	sdelay $0x3  }
0x94: {  	_ =	strace s2  }
0x95: {  	s2 =	sld [smem:$0x3FFD];
	_ =	sdelay $0x3  }
0x96: {  	_ =	strace s2  }
0x97: {  	_ =	strace $0x8FFFFFFF  }
0x98: {  	s18 =	sld [smem:$0x3FDB];
	_ =	sdelay $0x1  }
0x99: {  	s19 =	simm.s32 $_scs_section_size  }
0x9a: {  	s4 =	simm.s32 $_size__tile_overlayer_lowered;
	s5 =	simm.s32 $_tile_overlayer_lowered  }
0x9b: {  	s22 =	simm.s32 $0x1BFF;
	s21 =	sshll.u32 s5, $0x1;
	s2 =	sadd.s32 s19, s18  }
0x9c: {  	s6 =	simm.s32 $0x0;
	s20 =	sshll.u32 s4, $0x1;
	s4 =	sadd.s32 s21, s2  }
0x9d: {  	[timem:s6], [sflag:s22] =	dma.local [hbm:s4], s20  }
0x9e: {  	_ =	swait.ge [sflag:s22], s20  }
0x9f: {  	s3 =	ssub.s32 $0x0, s20;
	[sflag:s22] =	ssyncset.done $0x0  }
0xa0: {  	[sflag:s22] =	ssyncadd.s32 s3;
	_ =	sdelay $0x1  }
0xa1: {  	s23 =	simm.s32 $0x1B8B  }
0xa2: {  	_ =	swait.ge [sflag:s23], $0x1  }
0xa3: {  	[sflag:s23] =	ssyncset.done $0x0  }
0xa4: {  	s25 =	simm.s32 $0x1B8E;
	s24 =	sld [smem:$0x3FFE];
	[sflag:s23] =	ssyncadd.s32 $0xFFFFFFFF  }
0xa5: {  	s26 =	simm.s32 $execute0_lowered;
	[smem:$0x3FD2] =	sst s25  }
0xa6: {  	s4 =	sshll.u32 s26, $0x1;
	_ =	strace $0x8000004C;
	[dreg:$0x1] =	wrdreg $0xFFFFFFFF  }
0xa7: {  	s28 =	simm.s32 $_size_execute0_lowered;
	s2 =	sadd.s32 s2, s4;
	[dreg:$0x0] =	wrdreg $0x0  }
0xa8: {  	s4 =	sshll.u32 s28, $0x1;
	[dreg:$0x2] =	wrdreg s2  }
0xa9: {  	[dreg:$0x3] =	wrdreg s4  }
0xaa: {  	[dreg:$0x4] =	wrdreg $0xC0  }
0xab: {  	_ =	task [dreg:s6], $0x5FFFF  }
0xac: {  	[dreg:$0x1] =	wrdreg $0xFFFFFFFF  }
0xad: {  	[dreg:$0x0] =	wrdreg $0x60  }
0xae: {  	[dreg:$0x2] =	wrdreg s24  }
0xaf: {  	[dreg:$0x3] =	wrdreg $0x9  }
0xb0: {  	_ =	task.clear_ibuf [dreg:s6], $0x4FFFF;
	_ =	strace $0x9000004C  }
0xb1: {  	s29 =	simm.s32 $0x9;
	_ =	strace $0x8000004E  }
0xb2: {  	_ =	swait.ge [sflag:s29], $0x1  }
0xb3: {  	[sflag:s29] =	ssyncadd.s32 $0xFFFFFFFF  }
0xb4: {  	_ =	strace $0x9000004E  }
0xb5: {  	_ =	sfence  }
0xb6: {  	s30 =	sld [smem:$0x0];
	_ =	sdelay $0x2  }
0xb7: {  	s31 =	sshll.u32 s1, $0xD;
	s1 =	sshrl.u32 s1, $0x2  }
0xb8: {  	s3 =	sand.u32 $0x4000, s31;
	s1 =	sadd.s32 s1, s30  }
0xb9: {  	s0 =	sor.u32 s3, s0;
	s1 =	sshll.u32 s1, $0x11  }
0xba: {  	s0 =	sor.u32 s1, s0  }
0xbb: {  	s0 =	sadd.s32 $0x8F2B, s0  }
0xbc: {  	[sflag:s0] =	ssyncadd.remote.s32 $0x1  }
0xbd: {  	_ =	sfence.sel $0xFFFF  }
0xbe: {  	[dreg:$0x0] =	wrdreg $0xFFFFFFFF;
	(pc) =	sbr.abs _section_cstart, $3  }
0xbf: {  	[dreg:$0x1] =	wrdreg $0xFFFFFFFF  }
0xc0: {  	_ =	task.clear_ibuf [dreg:s6], $0x2FFFF;
	_ =	strace $0x9FFFFFFF  }
0xc1: {  	(tm) =	ssettm $0x7FFFFFFF  }
tec
execute0_lowered:
.L_overlay_start_1:
0x0: {  	(tag) =	ssettag $0x1  }
0x1: {  	s4 =	rddreg [dreg:$0x0]  }
0x2: {  	s0 =	rddreg [dreg:$0x1];
	s2 =	simm.s32 $0x0;
	s3 =	srdreg.scid  }
0x3: {  	s1 =	stileid.u32;
	s10 =	simm.s32 $0x0;
	[smem:$0x7FF] =	sst s2  }
0x4: {  	s5 =	sand.u32 $0x1, s3;
	s6 =	sshll.u32 s1, $0x8;
	s3 =	sadd.s32 $0xB400, s4  }
0x5: {  	s8 =	sshll.u32 s1, $0xC;
	_ =	strace $0x8000004D;
	s7 =	sshll.u32 s5, $0x7  }
0x6: {  	s31 =	ssub.s32 $0x2, s5;
	s8 =	sadd.s32 s8, s4;
	s5 =	sshll.u32 s5, $0xB  }
0x7: {  	s6 =	sor.u32 s7, s6;
	s9 =	sshrl.u32 s31, $0x1;
	s5 =	sadd.s32 s5, s8  }
0x8: {  	s8 =	simm.s32 $0x80;
	s6 =	sshrl.u32 s6, $0x3;
	s7 =	ssub.s32 s31, s9  }
0x9: {  	s5 =	sadd.s32 $0x32600, s5;
	s9 =	simm.s32 $0x1;
	s6 =	sadd.s32 s6, s4  }
0xa: {  	s4 =	smax.u32 s7, $0x1;
	s7 =	simm.s32 $0x2;
	s6 =	sadd.s32 $0x6400, s6  }
.LBB2_1:
0xb: {  	s11 =	sadd.s32 $0x0, s6  }
0xc: {  	[tilespmem:s2], [sflag:$0x2] =	stream.linear.gather [hbm4b:s11+s2], $0x80, $0x38;
	[tilespmem:$0x4080] =	vst v63  }
0xd: {  	_ =	swait.ge [sflag:s7], $0x80  }
0xe: {  	[sflag:s7] =	ssyncset.done $0x0  }
0xf: {  	[sflag:s7] =	ssyncadd.s32 $0xFFFFFF80  }
0x10: {  	[tilespmem:s8], [sflag:$0x1] =	stream.indirect.gather [hbm4b:s3+s8], $0x80, s2, s8, $0xb8;
	[tilespmem:$0x4080] =	vst v63  }
0x11: {  	_ =	swait.ge [sflag:s9], $0x4000  }
0x12: {  	[sflag:s9] =	ssyncset.done $0x0  }
0x13: {  	[sflag:s9] =	ssyncadd.s32 $0xFFFFC000  }
0x14: {  	[hbm4b:s5+s2] =	stream.linear.scatter [tilespmem:s8], [sflag:$0x2], $0x4000, $0x38;
	[tilespmem:$0x4080] =	vst v63  }
0x15: {  	s12 =	simm.s32 $0x200;
	_ =	swait.ge [sflag:s7], $0x4000  }
0x16: {  	s13 =	simm.s32 $0x400;
	s11 =	sadd.s32 $0x10000, s5;
	[sflag:s7] =	ssyncset.done $0x0  }
.LBB2_2:
0x17: {  	s14 =	sadd.s32 s12, s6  }
0x18: {  	[sflag:s7] =	ssyncadd.s32 $0xFFFFC000;
	s12 =	smov.u32 s13;
	s15 =	sadd.s32 $0x200, s13  }
0x19: {  	[tilespmem:s2], [sflag:$0x2] =	stream.linear.gather [hbm4b:s14+s2], $0x80, $0x38;
	[tilespmem:$0x4080] =	vst v63  }
0x1a: {  	p0 =	sne.s32 s13, $0x4E00;
	_ =	swait.ge [sflag:s7], $0x80  }
0x1b: {  	[sflag:s7] =	ssyncset.done $0x0  }
0x1c: {  	[sflag:s7] =	ssyncadd.s32 $0xFFFFFF80  }
0x1d: {  	[tilespmem:s8], [sflag:$0x1] =	stream.indirect.gather [hbm4b:s3+s8], $0x80, s2, s8, $0xb8;
	[tilespmem:$0x4080] =	vst v63  }
0x1e: {  	_ =	swait.ge [sflag:s9], $0x4000  }
.Ltmp0:
0x1f: {  	[sflag:s9] =	ssyncset.done $0x0;
	(pc) =	sbr.rel @p0 .LBB2_2-.Ltmp0, $4  }
0x20: {  	[sflag:s9] =	ssyncadd.s32 $0xFFFFC000  }
0x21: {  	[hbm4b:s11+s2] =	stream.linear.scatter [tilespmem:s8], [sflag:$0x2], $0x4000, $0x38;
	[tilespmem:$0x4080] =	vst v63  }
0x22: {  	_ =	swait.ge [sflag:s7], $0x4000  }
0x23: {  	s13 =	smov.u32 s15;
	s11 =	sadd.s32 $0x10000, s11;
	[sflag:s7] =	ssyncset.done $0x0  }
0x24: {  	s12 =	sadd.s32 s12, s6;
	[sflag:s7] =	ssyncadd.s32 $0xFFFFC000  }
0x25: {  	[tilespmem:s2], [sflag:$0x2] =	stream.linear.gather [hbm4b:s12+s2], $0x80, $0x38;
	[tilespmem:$0x4080] =	vst v63  }
0x26: {  	_ =	swait.ge [sflag:s7], $0x80  }
0x27: {  	[sflag:s7] =	ssyncset.done $0x0  }
0x28: {  	[sflag:s7] =	ssyncadd.s32 $0xFFFFFF80  }
0x29: {  	[tilespmem:s8], [sflag:$0x1] =	stream.indirect.gather [hbm4b:s3+s8], $0x80, s2, s8, $0xb8;
	[tilespmem:$0x4080] =	vst v63  }
0x2a: {  	s10 =	sadd.s32 $0x1, s10;
	_ =	swait.ge [sflag:s9], $0x4000  }
0x2b: {  	p0 =	sne.s32 s10, s4;
	[sflag:s9] =	ssyncset.done $0x0  }
.Ltmp1:
0x2c: {  	[sflag:s9] =	ssyncadd.s32 $0xFFFFC000;
	(pc) =	sbr.rel @p0 .LBB2_1-.Ltmp1, $4  }
0x2d: {  	[hbm4b:s11+s2] =	stream.linear.scatter [tilespmem:s8], [sflag:$0x2], $0x4000, $0x38;
	[tilespmem:$0x4080] =	vst v63  }
0x2e: {  	_ =	swait.ge [sflag:s7], $0x4000  }
0x2f: {  	[sflag:s7] =	ssyncset.done $0x0  }
0x30: {  	[sflag:s7] =	ssyncadd.s32 $0xFFFFC000  }
0x31: {  	_ =	sfence.sel $0x180000  }
0x32: {  	[bflag:$0x0] =	sbarrier.arrive $0xFFFF  }
0x33: {  	p0 =	sne.s32 s1, $0x0;
	_ =	strace $0x9000004D  }
0x34: {  	s0 =	sadd.s32 @!p0 $0x100000, s0;
	[bflag:$0x2] =	sbarrier.arrive $0xFFFF  }
0x35: {  	[sflag:s0] =	ssyncadd.tile.s32 @!p0 $0x1;
	_ =	shalt  }
.Lfunc_end2:
_tile_overlayer_lowered:
.L_overlay_start_2:
0x36: {  	(tag) =	ssettag $0x2  }
0x37: {  	s0 =	rddreg [dreg:$0x0];
	s2 =	stileid.u32  }
0x38: {  	s1 =	rddreg [dreg:$0x1];
	p0 =	sne.s32 s2, $0x0  }
0x39: {  	s3 =	rddreg [dreg:$0x2];
	[bflag:$0x3] =	sbarrier.arrive $0xFFFF;
	s2 =	simm.s32 @!p0 $0x1C02  }
0x3a: {  	[timem:s3], [sflag:s2] =	dma.local @!p0 [hbm:s0], s1  }
0x3b: {  	s0 =	simm.s32 @!p0 $0x2  }
0x3c: {  	_ =	swait.ge @!p0 [sflag:s0], s1  }
0x3d: {  	s1 =	ssub.s32 @!p0 $0x0, s1;
	[sflag:s0] =	ssyncset.done @!p0 $0x0  }
0x3e: {  	[sflag:s0] =	ssyncadd.s32 @!p0 s1  }
0x3f: {  	[bflag:$0x3] =	sbarrier.arrive $0xFFFF  }
0x40: {  	_ =	shalt  }

// kernel: kernel.20.cloned.1.call-start
scs
__scs_entry_jumppad:
0x0: {  	(pc) =	sbr.rel $0x88, $3  }
0x1: {  	(tag) =	ssettag $0x0;
	lr =	simm.s32 $0x1  }
0x2: {  	[smem:$0x3F83] =	sst lr;
	_ =	strace $0xD0000000  }
0x3: {  	_ = 	snop  }
0x4: {  	_ = 	snop  }
0x5: {  	_ = 	snop  }
0x6: {  	_ = 	snop  }
0x7: {  	_ = 	snop  }
__scs_overlays_trampoline_lowered:
0x8: {  	[smem:$0x3F92] =	sst s0  }
0x9: {  	[smem:$0x3F93] =	sst s1  }
0xa: {  	[smem:$0x3F94] =	sst s2  }
0xb: {  	[smem:$0x3F95] =	sst s3  }
0xc: {  	[smem:$0x3F96] =	sst s4  }
0xd: {  	[smem:$0x3F97] =	sst s5  }
0xe: {  	[smem:$0x3F98] =	sst s6  }
0xf: {  	[smem:$0x3F99] =	sst s7  }
0x10: {  	[smem:$0x3F9A] =	sst s8  }
0x11: {  	[smem:$0x3F9B] =	sst s9;
	s0 =	simm.s32 @!p0 $0x0  }
0x12: {  	s1 =	sld [smem:$0x3F81];
	s0 =	simm.s32 @p0 $0x1  }
0x13: {  	[smem:$0x3F9C] =	sst s0;
	s0 =	simm.s32 @!p1 $0x0  }
0x14: {  	s2 =	sld [smem:$0x3F80];
	s0 =	simm.s32 @p1 $0x1  }
0x15: {  	[smem:$0x3F9D] =	sst s0;
	s0 =	simm.s32 @!p2 $0x0  }
0x16: {  	s3 =	sld [smem:$0x3FDB];
	s0 =	simm.s32 @p2 $0x1  }
0x17: {  	s4 =	simm.s32 $0x1BF5;
	[smem:$0x3F9F] =	sst s0  }
0x18: {  	s0 =	sld [smem:$0x3F82];
	_ =	swait.ge [sflag:s4], $0x0  }
0x19: {  	s7 =	sld [smem:$0x3F83]  }
0x1a: {  	s8 =	sadd.s32 $0xFFFFE003, lr  }
0x1b: {  	s9 =	sadd.s32 $0xFFFFFEF7, lr;
	s5 =	simm.s32 $0xFFFFFFFF;
	p2 =	slt.u32 s8, $0xFFFFF086  }
0x1c: {  	p1 =	slt.u32 s9, $0xF7A;
	s5 =	simm.s32 @!p2 $0x0  }
0x1d: {  	s5 =	simm.s32 @p1 $0x1;
	p0 =	seq.s32 s7, s2  }
0x1e: {  	s7 =	smul.u32 @!p0 $0xF7A, s2;
	p2 =	seq.s32 @!p0 s5, $0x0  }
0x1f: {  	s9 =	smul.u32 $0xF7A, s1;
	s8 =	simm.s32 @!p0 $0x1BF5;
	p2 =	por !p2, p0  }
0x20: {  	[sflag:s8] =	ssyncset.s32 @!p0 $0xFFFFF086;
	s6 =	sadd.s32 @!p0 s3, s7;
	s7 =	simm.s32 @!p0 $0x108  }
0x21: {  	s3 =	sadd.s32 s3, s9;
	s6 =	sadd.s32 @!p0 $0x88, s6;
	s7 =	simm.s32 @p2 $0x1082  }
0x22: {  	[simem:s7], [sflag:s8] =	dma.local @!p0 [hbm:s6], $0xF7A  }
0x23: {  	s9 =	sor.u32 $0xD0000000, s2;
	s6 =	simm.s32 $0x108;
	_ =	swait.ge @!p0 [sflag:s8], $0x0  }
0x24: {  	s3 =	sadd.s32 $0x88, s3;
	s6 =	simm.s32 @!p1 $0x1082;
	[sflag:s4] =	ssyncset.s32 $0xFFFFF086  }
0x25: {  	[simem:s6], [sflag:s4] =	dma.local [hbm:s3], $0xF7A  }
0x26: {  	[smem:$0x3F83] =	sst s1;
	(tag) =	ssettag s2;
	_ =	strace s9  }
0x27: {  	s1 =	sld [smem:$0x3F93]  }
0x28: {  	s2 =	sld [smem:$0x3F94]  }
0x29: {  	s4 =	sld [smem:$0x3F96]  }
0x2a: {  	p0 =	seq.s32 s5, $0x0;
	s5 =	sld [smem:$0x3F97]  }
0x2b: {  	s6 =	sld [smem:$0x3F98]  }
0x2c: {  	s7 =	sld [smem:$0x3F99]  }
0x2d: {  	s3 =	simm.s32 $0x108;
	s8 =	sld [smem:$0x3F9A]  }
0x2e: {  	s3 =	simm.s32 @!p0 $0x1082;
	s9 =	sld [smem:$0x3F9B]  }
0x2f: {  	lr =	sadd.s32 s0, s3;
	s0 =	sld [smem:$0x3F92]  }
0x30: {  	s3 =	sld [smem:$0x3F95]  }
0x31: {  	[smem:$0x3F9E] =	sst s10  }
0x32: {  	s10 =	sld [smem:$0x3F9C];
	_ =	sdelay $0x3  }
0x33: {  	p0 =	seq.s32 s10, $0x1;
	s10 =	sld [smem:$0x3F9E];
	_ =	sdelay $0x3  }
0x34: {  	[smem:$0x3F9E] =	sst s10  }
0x35: {  	s10 =	sld [smem:$0x3F9D];
	_ =	sdelay $0x3  }
0x36: {  	p1 =	seq.s32 s10, $0x1;
	s10 =	sld [smem:$0x3F9E];
	_ =	sdelay $0x3  }
0x37: {  	[smem:$0x3F9E] =	sst s10  }
0x38: {  	s10 =	sld [smem:$0x3F9F]  }
0x39: {  	_ = 	snop;
	(pc) =	sbr.ind lr, $3  }
0x3a: {  	_ = 	snop  }
0x3b: {  	_ = 	snop  }
0x3c: {  	p2 =	seq.s32 s10, $0x1;
	s10 =	sld [smem:$0x3F9E]  }
0x3d: {  	_ =	shalt  }
0x3e: {  	_ =	shalt  }
0x3f: {  	_ =	shalt  }
0x40: {  	_ =	shalt  }
0x41: {  	_ =	shalt  }
0x42: {  	_ =	shalt  }
0x43: {  	_ =	shalt  }
0x44: {  	_ =	shalt  }
0x45: {  	_ =	shalt  }
0x46: {  	_ =	shalt  }
0x47: {  	_ =	shalt  }
0x48: {  	_ =	shalt  }
0x49: {  	_ =	shalt  }
0x4a: {  	_ =	shalt  }
0x4b: {  	_ =	shalt  }
0x4c: {  	_ =	shalt  }
0x4d: {  	_ =	shalt  }
0x4e: {  	_ =	shalt  }
0x4f: {  	_ =	shalt  }
0x50: {  	_ =	shalt  }
0x51: {  	_ =	shalt  }
0x52: {  	_ =	shalt  }
0x53: {  	_ =	shalt  }
0x54: {  	_ =	shalt  }
0x55: {  	_ =	shalt  }
0x56: {  	_ =	shalt  }
0x57: {  	_ =	shalt  }
0x58: {  	_ =	shalt  }
0x59: {  	_ =	shalt  }
0x5a: {  	_ =	shalt  }
0x5b: {  	_ =	shalt  }
0x5c: {  	_ =	shalt  }
0x5d: {  	_ =	shalt  }
0x5e: {  	_ =	shalt  }
0x5f: {  	_ =	shalt  }
0x60: {  	_ =	shalt  }
0x61: {  	_ =	shalt  }
0x62: {  	_ =	shalt  }
0x63: {  	_ =	shalt  }
0x64: {  	_ =	shalt  }
0x65: {  	_ =	shalt  }
0x66: {  	_ =	shalt  }
0x67: {  	_ =	shalt  }
0x68: {  	_ =	shalt  }
0x69: {  	_ =	shalt  }
0x6a: {  	_ =	shalt  }
0x6b: {  	_ =	shalt  }
0x6c: {  	_ =	shalt  }
0x6d: {  	_ =	shalt  }
0x6e: {  	_ =	shalt  }
0x6f: {  	_ =	shalt  }
0x70: {  	_ =	shalt  }
0x71: {  	_ =	shalt  }
0x72: {  	_ =	shalt  }
0x73: {  	_ =	shalt  }
0x74: {  	_ =	shalt  }
0x75: {  	_ =	shalt  }
0x76: {  	_ =	shalt  }
0x77: {  	_ =	shalt  }
0x78: {  	_ =	shalt  }
0x79: {  	_ =	shalt  }
0x7a: {  	_ =	shalt  }
0x7b: {  	_ =	shalt  }
0x7c: {  	_ =	shalt  }
0x7d: {  	_ =	shalt  }
0x7e: {  	_ =	shalt  }
0x7f: {  	_ =	shalt  }
0x80: {  	_ =	shalt  }
0x81: {  	_ =	shalt  }
0x82: {  	_ =	shalt  }
0x83: {  	_ =	shalt  }
0x84: {  	_ =	shalt  }
0x85: {  	_ =	shalt  }
0x86: {  	_ =	shalt  }
0x87: {  	_ =	shalt  }
.Lfunc_end0:
.L_simem_size_0:
called_computation.3_lowered:
.L_overlay_start_0:
0x88: {  	s2 =	sld [smem:$0x3FD9]  }
0x89: {  	s3 =	sld [smem:$0x3FFE];
	_ =	sdelay $0x1  }
0x8a: {  	s1 =	srdreg.scid  }
0x8b: {  	s0 =	sand.u32 $0x1, s1  }
0x8c: {  	s16 =	sshll.u32 s0, $0xA;
	s2 =	sadd.s32 s3, s2  }
0x8d: {  	s2 =	sadd.s32 s2, s16  }
0x8e: {  	[smem:$0x3FAA] =	sst s2  }
0x8f: {  	_ = 	snop  }
0x90: {  	(tm) =	ssettm $0x1  }
0x91: {  	s17 =	sld [smem:$0x3FFB];
	_ =	sdelay $0x3  }
0x92: {  	_ =	strace s17  }
0x93: {  	s2 =	sld [smem:$0x3FFC];
	_ =	sdelay $0x3  }
0x94: {  	_ =	strace s2  }
0x95: {  	s2 =	sld [smem:$0x3FFD];
	_ =	sdelay $0x3  }
0x96: {  	_ =	strace s2  }
0x97: {  	_ =	strace $0x8FFFFFFF  }
0x98: {  	s18 =	sld [smem:$0x3FDB];
	_ =	sdelay $0x1  }
0x99: {  	s19 =	simm.s32 $_scs_section_size  }
0x9a: {  	s4 =	simm.s32 $_size__tile_overlayer_lowered;
	s5 =	simm.s32 $_tile_overlayer_lowered  }
0x9b: {  	s22 =	simm.s32 $0x1BFF;
	s21 =	sshll.u32 s5, $0x1;
	s2 =	sadd.s32 s19, s18  }
0x9c: {  	s6 =	simm.s32 $0x0;
	s20 =	sshll.u32 s4, $0x1;
	s4 =	sadd.s32 s21, s2  }
0x9d: {  	[timem:s6], [sflag:s22] =	dma.local [hbm:s4], s20  }
0x9e: {  	_ =	swait.ge [sflag:s22], s20  }
0x9f: {  	s3 =	ssub.s32 $0x0, s20;
	[sflag:s22] =	ssyncset.done $0x0  }
0xa0: {  	[sflag:s22] =	ssyncadd.s32 s3;
	_ =	sdelay $0x1  }
0xa1: {  	s23 =	simm.s32 $0x1B8B  }
0xa2: {  	_ =	swait.ge [sflag:s23], $0x1  }
0xa3: {  	[sflag:s23] =	ssyncset.done $0x0  }
0xa4: {  	s25 =	simm.s32 $0x1B8E;
	s24 =	sld [smem:$0x3FFE];
	[sflag:s23] =	ssyncadd.s32 $0xFFFFFFFF  }
0xa5: {  	s26 =	simm.s32 $execute0_lowered;
	[smem:$0x3FD2] =	sst s25  }
0xa6: {  	s4 =	sshll.u32 s26, $0x1;
	_ =	strace $0x8000004F;
	[dreg:$0x1] =	wrdreg $0xFFFFFFFF  }
0xa7: {  	s28 =	simm.s32 $_size_execute0_lowered;
	s2 =	sadd.s32 s2, s4;
	[dreg:$0x0] =	wrdreg $0x0  }
0xa8: {  	s4 =	sshll.u32 s28, $0x1;
	[dreg:$0x2] =	wrdreg s2  }
0xa9: {  	[dreg:$0x3] =	wrdreg s4  }
0xaa: {  	[dreg:$0x4] =	wrdreg $0xC0  }
0xab: {  	_ =	task [dreg:s6], $0x5FFFF  }
0xac: {  	[dreg:$0x1] =	wrdreg $0xFFFFFFFF  }
0xad: {  	[dreg:$0x0] =	wrdreg $0x60  }
0xae: {  	[dreg:$0x2] =	wrdreg s24  }
0xaf: {  	[dreg:$0x3] =	wrdreg $0x9  }
0xb0: {  	_ =	task.clear_ibuf [dreg:s6], $0x4FFFF;
	_ =	strace $0x9000004F  }
0xb1: {  	s29 =	simm.s32 $0x9;
	_ =	strace $0x80000051  }
0xb2: {  	_ =	swait.ge [sflag:s29], $0x1  }
0xb3: {  	[sflag:s29] =	ssyncadd.s32 $0xFFFFFFFF  }
0xb4: {  	_ =	strace $0x90000051  }
0xb5: {  	_ =	sfence  }
0xb6: {  	s30 =	sld [smem:$0x0];
	_ =	sdelay $0x2  }
0xb7: {  	s31 =	sshll.u32 s1, $0xD;
	s1 =	sshrl.u32 s1, $0x2  }
0xb8: {  	s3 =	sand.u32 $0x4000, s31;
	s1 =	sadd.s32 s1, s30  }
0xb9: {  	s0 =	sor.u32 s3, s0;
	s1 =	sshll.u32 s1, $0x11  }
0xba: {  	s0 =	sor.u32 s1, s0  }
0xbb: {  	s0 =	sadd.s32 $0x8F2B, s0  }
0xbc: {  	[sflag:s0] =	ssyncadd.remote.s32 $0x1  }
0xbd: {  	_ =	sfence.sel $0xFFFF  }
0xbe: {  	[dreg:$0x0] =	wrdreg $0xFFFFFFFF;
	(pc) =	sbr.abs _section_cstart, $3  }
0xbf: {  	[dreg:$0x1] =	wrdreg $0xFFFFFFFF  }
0xc0: {  	_ =	task.clear_ibuf [dreg:s6], $0x2FFFF;
	_ =	strace $0x9FFFFFFF  }
0xc1: {  	(tm) =	ssettm $0x7FFFFFFF  }
tec
execute0_lowered:
.L_overlay_start_1:
0x0: {  	(tag) =	ssettag $0x1  }
0x1: {  	s4 =	rddreg [dreg:$0x0]  }
0x2: {  	s0 =	rddreg [dreg:$0x1];
	s2 =	simm.s32 $0x0;
	s3 =	srdreg.scid  }
0x3: {  	s1 =	stileid.u32;
	s10 =	simm.s32 $0x0;
	[smem:$0x7FF] =	sst s2  }
0x4: {  	s5 =	sand.u32 $0x1, s3;
	s6 =	sshll.u32 s1, $0x8;
	s3 =	sadd.s32 $0xB400, s4  }
0x5: {  	s8 =	sshll.u32 s1, $0xC;
	_ =	strace $0x80000050;
	s7 =	sshll.u32 s5, $0x7  }
0x6: {  	s31 =	ssub.s32 $0x2, s5;
	s8 =	sadd.s32 s8, s4;
	s5 =	sshll.u32 s5, $0xB  }
0x7: {  	s6 =	sor.u32 s7, s6;
	s9 =	sshrl.u32 s31, $0x1;
	s5 =	sadd.s32 s5, s8  }
0x8: {  	s8 =	simm.s32 $0x80;
	s6 =	sshrl.u32 s6, $0x3;
	s7 =	ssub.s32 s31, s9  }
0x9: {  	s5 =	sadd.s32 $0x32600, s5;
	s9 =	simm.s32 $0x1;
	s6 =	sadd.s32 s6, s4  }
0xa: {  	s4 =	smax.u32 s7, $0x1;
	s7 =	simm.s32 $0x2;
	s6 =	sadd.s32 $0x6400, s6  }
.LBB2_1:
0xb: {  	s11 =	sadd.s32 $0x0, s6  }
0xc: {  	[tilespmem:s2], [sflag:$0x2] =	stream.linear.gather [hbm4b:s11+s2], $0x80, $0x38;
	[tilespmem:$0x4080] =	vst v63  }
0xd: {  	_ =	swait.ge [sflag:s7], $0x80  }
0xe: {  	[sflag:s7] =	ssyncset.done $0x0  }
0xf: {  	[sflag:s7] =	ssyncadd.s32 $0xFFFFFF80  }
0x10: {  	[tilespmem:s8], [sflag:$0x1] =	stream.indirect.gather [hbm4b:s3+s8], $0x80, s2, s8, $0xb8;
	[tilespmem:$0x4080] =	vst v63  }
0x11: {  	_ =	swait.ge [sflag:s9], $0x4000  }
0x12: {  	[sflag:s9] =	ssyncset.done $0x0  }
0x13: {  	[sflag:s9] =	ssyncadd.s32 $0xFFFFC000  }
0x14: {  	[hbm4b:s5+s2] =	stream.linear.scatter [tilespmem:s8], [sflag:$0x2], $0x4000, $0x38;
	[tilespmem:$0x4080] =	vst v63  }
0x15: {  	s12 =	simm.s32 $0x200;
	_ =	swait.ge [sflag:s7], $0x4000  }
0x16: {  	s13 =	simm.s32 $0x400;
	s11 =	sadd.s32 $0x10000, s5;
	[sflag:s7] =	ssyncset.done $0x0  }
.LBB2_2:
0x17: {  	s14 =	sadd.s32 s12, s6  }
0x18: {  	[sflag:s7] =	ssyncadd.s32 $0xFFFFC000;
	s12 =	smov.u32 s13;
	s15 =	sadd.s32 $0x200, s13  }
0x19: {  	[tilespmem:s2], [sflag:$0x2] =	stream.linear.gather [hbm4b:s14+s2], $0x80, $0x38;
	[tilespmem:$0x4080] =	vst v63  }
0x1a: {  	p0 =	sne.s32 s13, $0x4E00;
	_ =	swait.ge [sflag:s7], $0x80  }
0x1b: {  	[sflag:s7] =	ssyncset.done $0x0  }
0x1c: {  	[sflag:s7] =	ssyncadd.s32 $0xFFFFFF80  }
0x1d: {  	[tilespmem:s8], [sflag:$0x1] =	stream.indirect.gather [hbm4b:s3+s8], $0x80, s2, s8, $0xb8;
	[tilespmem:$0x4080] =	vst v63  }
0x1e: {  	_ =	swait.ge [sflag:s9], $0x4000  }
.Ltmp0:
0x1f: {  	[sflag:s9] =	ssyncset.done $0x0;
	(pc) =	sbr.rel @p0 .LBB2_2-.Ltmp0, $4  }
0x20: {  	[sflag:s9] =	ssyncadd.s32 $0xFFFFC000  }
0x21: {  	[hbm4b:s11+s2] =	stream.linear.scatter [tilespmem:s8], [sflag:$0x2], $0x4000, $0x38;
	[tilespmem:$0x4080] =	vst v63  }
0x22: {  	_ =	swait.ge [sflag:s7], $0x4000  }
0x23: {  	s13 =	smov.u32 s15;
	s11 =	sadd.s32 $0x10000, s11;
	[sflag:s7] =	ssyncset.done $0x0  }
0x24: {  	s12 =	sadd.s32 s12, s6;
	[sflag:s7] =	ssyncadd.s32 $0xFFFFC000  }
0x25: {  	[tilespmem:s2], [sflag:$0x2] =	stream.linear.gather [hbm4b:s12+s2], $0x80, $0x38;
	[tilespmem:$0x4080] =	vst v63  }
0x26: {  	_ =	swait.ge [sflag:s7], $0x80  }
0x27: {  	[sflag:s7] =	ssyncset.done $0x0  }
0x28: {  	[sflag:s7] =	ssyncadd.s32 $0xFFFFFF80  }
0x29: {  	[tilespmem:s8], [sflag:$0x1] =	stream.indirect.gather [hbm4b:s3+s8], $0x80, s2, s8, $0xb8;
	[tilespmem:$0x4080] =	vst v63  }
0x2a: {  	s10 =	sadd.s32 $0x1, s10;
	_ =	swait.ge [sflag:s9], $0x4000  }
0x2b: {  	p0 =	sne.s32 s10, s4;
	[sflag:s9] =	ssyncset.done $0x0  }
.Ltmp1:
0x2c: {  	[sflag:s9] =	ssyncadd.s32 $0xFFFFC000;
	(pc) =	sbr.rel @p0 .LBB2_1-.Ltmp1, $4  }
0x2d: {  	[hbm4b:s11+s2] =	stream.linear.scatter [tilespmem:s8], [sflag:$0x2], $0x4000, $0x38;
	[tilespmem:$0x4080] =	vst v63  }
0x2e: {  	_ =	swait.ge [sflag:s7], $0x4000  }
0x2f: {  	[sflag:s7] =	ssyncset.done $0x0  }
0x30: {  	[sflag:s7] =	ssyncadd.s32 $0xFFFFC000  }
0x31: {  	_ =	sfence.sel $0x180000  }
0x32: {  	[bflag:$0x0] =	sbarrier.arrive $0xFFFF  }
0x33: {  	p0 =	sne.s32 s1, $0x0;
	_ =	strace $0x90000050  }
0x34: {  	s0 =	sadd.s32 @!p0 $0x100000, s0;
	[bflag:$0x2] =	sbarrier.arrive $0xFFFF  }
0x35: {  	[sflag:s0] =	ssyncadd.tile.s32 @!p0 $0x1;
	_ =	shalt  }
.Lfunc_end2:
_tile_overlayer_lowered:
.L_overlay_start_2:
0x36: {  	(tag) =	ssettag $0x2  }
0x37: {  	s0 =	rddreg [dreg:$0x0];
	s2 =	stileid.u32  }
0x38: {  	s1 =	rddreg [dreg:$0x1];
	p0 =	sne.s32 s2, $0x0  }
0x39: {  	s3 =	rddreg [dreg:$0x2];
	[bflag:$0x3] =	sbarrier.arrive $0xFFFF;
	s2 =	simm.s32 @!p0 $0x1C02  }
0x3a: {  	[timem:s3], [sflag:s2] =	dma.local @!p0 [hbm:s0], s1  }
0x3b: {  	s0 =	simm.s32 @!p0 $0x2  }
0x3c: {  	_ =	swait.ge @!p0 [sflag:s0], s1  }
0x3d: {  	s1 =	ssub.s32 @!p0 $0x0, s1;
	[sflag:s0] =	ssyncset.done @!p0 $0x0  }
0x3e: {  	[sflag:s0] =	ssyncadd.s32 @!p0 s1  }
0x3f: {  	[bflag:$0x3] =	sbarrier.arrive $0xFFFF  }
0x40: {  	_ =	shalt  }

</sc_bundles>
